<compile_context>
chip_gen: v7x
topology: tpu7x:2x2x1
jax: 0.10.2.dev20260603
libtpu: 0.0.44.dev20260713+nightly
codegen_flags: <defaults>
</compile_context>

<pallas_src>
import functools

import jax
import jax.numpy as jnp
import numpy as np
from jax import lax
from jax.experimental import pallas as pl
from jax.experimental.pallas import tpu as pltpu
from jax.experimental.pallas import tpu_sc as plsc

N = 10000
E = 160000
K = 3
NG = 64
NC = 2
H = 128

NCORE = 2
NSUB = 16
NW = NCORE * NSUB
CHR = E // NW
CH = 5008
NP = 10240
EPAD = NW * CH
LEAK = 0.01

_mesh = plsc.VectorSubcoreMesh(core_axis_name="c", subcore_axis_name="s")
_sc_params = pltpu.CompilerParams(needs_layout_passes=False)


def _leaky(x):
    return jnp.where(x >= 0, x, LEAK * x)


def _dgt(a, b):
    return lax.dot_general(a, b, (((0,), (0,)), ((), ())),
                           preferred_element_type=jnp.float32)


def _node_mlp_body(x_ref, w1_ref, b1_ref, w2_ref, b2_ref, o_ref):
    x = x_ref[...]
    h = jnp.dot(x, w1_ref[...], preferred_element_type=jnp.float32) + b1_ref[...]
    m = jnp.mean(h, axis=0, keepdims=True)
    v = jnp.mean((h - m) ** 2, axis=0, keepdims=True)
    hn = _leaky((h - m) * lax.rsqrt(v + 1e-5))
    o = lax.dot_general(w2_ref[...], hn, (((0,), (1,)), ((), ())),
                        preferred_element_type=jnp.float32) + b2_ref[...]
    o_ref[...] = jnp.tanh(o) * np.pi


_EB8 = 2000
_NB8 = (E // 8) // _EB8


def _edge_mlp_body(x_ref, w1_ref, b1_ref, w2_ref, b2_ref, o_ref, stat_ref):
    i = pl.program_id(0)
    j = pl.program_id(1)

    @pl.when(jnp.logical_and(i == 0, j == 0))
    def _():
        stat_ref[...] = jnp.zeros_like(stat_ref)

    h = (jnp.dot(x_ref[...], w1_ref[...], preferred_element_type=jnp.float32)
         + b1_ref[...])

    @pl.when(i == 0)
    def _():
        stat_ref[0:1] += jnp.sum(h, axis=0, keepdims=True)
        stat_ref[1:2] += jnp.sum(h * h, axis=0, keepdims=True)
        o_ref[...] = jnp.zeros_like(o_ref)

    @pl.when(jnp.logical_and(i == 0, j == _NB8 - 1))
    def _():
        sm = jnp.sum(stat_ref[0:1].reshape(8, H), axis=0, keepdims=True) / E
        ss = jnp.sum(stat_ref[1:2].reshape(8, H), axis=0, keepdims=True) / E
        var = ss - sm * sm
        rs = lax.rsqrt(var + 1e-5)
        stat_ref[2:3] = jnp.concatenate([sm] * 8, axis=1)
        stat_ref[3:4] = jnp.concatenate([rs] * 8, axis=1)

    @pl.when(i == 1)
    def _():
        hn = _leaky((h - stat_ref[2:3]) * stat_ref[3:4])
        o = (jnp.dot(hn, w2_ref[...], preferred_element_type=jnp.float32)
             + b2_ref[...])
        o = jnp.tanh(o) * np.pi
        a = lax.bitcast_convert_type(
            o[:, 0:8].astype(jnp.bfloat16).astype(jnp.float32), jnp.int32)
        b = lax.bitcast_convert_type(
            o[:, 8:16].astype(jnp.bfloat16).astype(jnp.float32), jnp.int32)
        o_ref[...] = (jnp.bitwise_and(a, jnp.int32(-65536))
                      | lax.shift_right_logical(b, 16))


@functools.partial(
    pl.kernel,
    out_type=(
        jax.ShapeDtypeStruct((NW, 1, NP), jnp.int32),
        jax.ShapeDtypeStruct((EPAD,), jnp.int32),
    ),
    mesh=_mesh,
    scratch_types=[
        pltpu.VMEM((CH,), jnp.int32),
        pltpu.VMEM((NP,), jnp.int32),
        pltpu.VMEM((CH,), jnp.int32),
    ],
    compiler_params=_sc_params,
)
def _sc_hist(dst_hbm, cnt_hbm, lrank_hbm, dstv, cntv, lrankv):
    cid = lax.axis_index("c")
    sid = lax.axis_index("s")
    wid = cid * NSUB + sid
    pltpu.sync_copy(dst_hbm.at[pl.ds(wid * CH, CH)], dstv)

    def zero_body(i, c):
        cntv[pl.ds(i * 16, 16)] = jnp.zeros((16,), jnp.int32)
        return c

    lax.fori_loop(0, NP // 16, zero_body, 0)

    def body(i, c):
        base = i * 16
        d = dstv[pl.ds(base, 16)]
        r0 = plsc.load_gather(cntv, [d])
        cntd, _ = plsc.scan_count(d)
        lrankv[pl.ds(base, 16)] = d * 8192 + (r0 + cntd - 1)
        plsc.store_scatter(cntv, [d], r0 + cntd)
        return c

    lax.fori_loop(0, CH // 16, body, 0)
    pltpu.sync_copy(cntv, cnt_hbm.at[wid, 0])
    pltpu.sync_copy(lrankv, lrank_hbm.at[pl.ds(wid * CH, CH)])


SL = NP // NSUB


@functools.partial(
    pl.kernel,
    out_type=jax.ShapeDtypeStruct((NW, 1, 3 * NP), jnp.float32),
    mesh=_mesh,
    scratch_types=[
        pltpu.VMEM((NP,), jnp.int32),
        pltpu.VMEM((CH,), jnp.int32),
        pltpu.VMEM((CH,), jnp.int32),
        pltpu.VMEM((CH,), jnp.int32),
        pltpu.VMEM((N,), jnp.int32),
        pltpu.VMEM((48,), jnp.float32),
        pltpu.VMEM((3 * NP,), jnp.float32),
        pltpu.VMEM((NSUB * SL,), jnp.int32),
        pltpu.VMEM((NSUB * SL,), jnp.int32),
        pltpu.VMEM((NSUB * SL,), jnp.int32),
        pltpu.VMEM_SHARED((NSUB, 1, NSUB * SL), jnp.int32),
    ],
    compiler_params=_sc_params,
)
def _sc_accum(cnt_hbm, lrank_hbm, src_hbm, e01_hbm, n01_hbm,
              tab_hbm, acc_hbm, basev, srcv, cmbv,
              e01v, n01v, tabv, accv, cfirst, cown, basebuf, shbase):
    cid = lax.axis_index("c")
    sid = lax.axis_index("s")
    wid = cid * NSUB + sid

    pltpu.sync_copy(src_hbm.at[pl.ds(wid * CH, CH)], srcv)
    pltpu.sync_copy(lrank_hbm.at[pl.ds(wid * CH, CH)], cmbv)
    pltpu.sync_copy(e01_hbm.at[pl.ds(wid * CH, CH)], e01v)
    pltpu.sync_copy(n01_hbm, n01v)
    pltpu.sync_copy(tab_hbm, tabv)

    S = sid * SL
    for k in range(NSUB):
        pltpu.sync_copy(cnt_hbm.at[k, 0, pl.ds(S, SL)],
                        cfirst.at[pl.ds(k * SL, SL)])
        pltpu.sync_copy(cnt_hbm.at[cid * NSUB + k, 0, pl.ds(S, SL)],
                        cown.at[pl.ds(k * SL, SL)])

    cidv = jnp.full((16,), 0, jnp.int32) + cid

    def pbody(i, c):
        off = i * 16
        t0 = cfirst[pl.ds(off, 16)]
        for k in range(1, NSUB):
            t0 = t0 + cfirst[pl.ds(k * SL + off, 16)]
        run = t0 * cidv
        for k in range(NSUB):
            basebuf[pl.ds(k * SL + off, 16)] = run
            run = run + cown[pl.ds(k * SL + off, 16)]
        return c

    lax.fori_loop(0, SL // 16, pbody, 0)
    pltpu.sync_copy(basebuf, shbase.at[sid, 0])
    plsc.subcore_barrier()
    for t in range(NSUB):
        pltpu.sync_copy(shbase.at[t, 0, pl.ds(sid * SL, SL)],
                        basev.at[pl.ds(t * SL, SL)])

    def zacc(i, c):
        accv[pl.ds(i * 16, 16)] = jnp.zeros((16,), jnp.float32)
        return c

    lax.fori_loop(0, (3 * NP) // 16, zacc, 0)

    def ebody(i, c):
        b = i * 16
        cmb = cmbv[pl.ds(b, 16)]
        d = lax.shift_right_logical(cmb, 13)
        lr = jnp.bitwise_and(cmb, 8191)
        sidx = srcv[pl.ds(b, 16)]
        ev = e01v[pl.ds(b, 16)]
        e0 = plsc.bitcast(jnp.bitwise_and(ev, jnp.int32(-65536)), jnp.float32)
        e1 = plsc.bitcast(lax.shift_left(ev, 16), jnp.float32)
        sv = plsc.load_gather(n01v, [sidx])
        s0 = plsc.bitcast(jnp.bitwise_and(sv, jnp.int32(-65536)), jnp.float32)
        s1 = plsc.bitcast(lax.shift_left(sv, 16), jnp.float32)
        bs = plsc.load_gather(basev, [d])
        rank = bs + lr
        keep = rank < K
        tb = jnp.minimum(rank, 2) * 12
        cf = [plsc.load_gather(tabv, [tb + kk]) for kk in range(12)]
        for o in range(3):
            co = (e0 * cf[o * 4] + e1 * cf[o * 4 + 1]
                  + s0 * cf[o * 4 + 2] + s1 * cf[o * 4 + 3])
            plsc.addupdate_scatter(accv, [o * NP + d], co, mask=keep)
        return c

    lax.fori_loop(0, CH // 16, ebody, 0)

    pltpu.sync_copy(accv, acc_hbm.at[wid, 0])


def _tail_body(nf_ref, acc_ref, cnt_ref, batch_ref, wqn_ref, wu1n_ref,
               wu1m_ref, bu1_ref, wu2_ref, bu2_ref, lng_ref, lnb_ref,
               wh1_ref, bh1_ref, wh2_ref, bh2_ref, wh3_ref, bh3_ref, o_ref):
    nfT = nf_ref[...]
    acc_in = acc_ref[...]
    planes = [jnp.sum(acc_in[:, o * NP:o * NP + N], axis=0, keepdims=True)
              for o in range(3)]
    accT = jnp.concatenate(planes, axis=0)
    acc3T = accT + _dgt(wqn_ref[...], nfT)
    msgT = jnp.cos(acc3T)
    hT = _dgt(wu1n_ref[...], nfT) + _dgt(wu1m_ref[...], msgT) + bu1_ref[...]
    hT = _leaky(hT)
    updT = _dgt(wu2_ref[...], hT) + bu2_ref[...]
    cntf = cnt_ref[...][:, :N].astype(jnp.float32)
    indeg = jnp.sum(cntf, axis=0, keepdims=True)
    unT = updT * (indeg > 0.5).astype(jnp.float32)
    m = jnp.mean(unT, axis=0, keepdims=True)
    v = jnp.mean((unT - m) ** 2, axis=0, keepdims=True)
    nf2T = ((unT - m) * lax.rsqrt(v + 1e-5) * lng_ref[...] + lnb_ref[...]
            + nfT)
    onehot = (batch_ref[...]
              == lax.broadcasted_iota(jnp.int32, (N, NG), 1)).astype(jnp.float32)
    gT = lax.dot_general(nf2T, onehot, (((1,), (0,)), ((), ())),
                         preferred_element_type=jnp.float32,
                         precision=lax.Precision.HIGHEST)
    h1T = _dgt(wh1_ref[...], gT) + bh1_ref[...]
    m1 = jnp.mean(h1T, axis=1, keepdims=True)
    v1 = jnp.mean((h1T - m1) ** 2, axis=1, keepdims=True)
    h1T = _leaky((h1T - m1) * lax.rsqrt(v1 + 1e-5))
    h2T = _dgt(wh2_ref[...], h1T) + bh2_ref[...]
    m2 = jnp.mean(h2T, axis=1, keepdims=True)
    v2 = jnp.mean((h2T - m2) ** 2, axis=1, keepdims=True)
    h2T = _leaky((h2T - m2) * lax.rsqrt(v2 + 1e-5))
    o_ref[...] = _dgt(h2T, wh3_ref[...]) + bh3_ref[...]


def kernel(node_feat, edge_attr, params, edge_index, batch):
    p = params
    f32 = jnp.float32

    nfT = pl.pallas_call(
        _node_mlp_body,
        out_shape=jax.ShapeDtypeStruct((2, N), f32),
    )(node_feat, p['Wn1'], p['bn1'].reshape(1, H), p['Wn2'],
      p['bn2'].reshape(2, 1))

    eye8 = jnp.eye(8, dtype=f32)
    w2g = jnp.concatenate([jnp.kron(eye8, p['We2'][:, 0:1]),
                           jnp.kron(eye8, p['We2'][:, 1:2])], axis=1)
    b2g = jnp.concatenate([jnp.full((8,), p['be2'][0], f32),
                           jnp.full((8,), p['be2'][1], f32)]).reshape(1, 16)
    e01_8 = pl.pallas_call(
        _edge_mlp_body,
        grid=(2, _NB8),
        in_specs=[
            pl.BlockSpec((_EB8, H), lambda i, j: (j, 0)),
            pl.BlockSpec((H, 8 * H), lambda i, j: (0, 0)),
            pl.BlockSpec((1, 8 * H), lambda i, j: (0, 0)),
            pl.BlockSpec((8 * H, 16), lambda i, j: (0, 0)),
            pl.BlockSpec((1, 16), lambda i, j: (0, 0)),
        ],
        out_specs=pl.BlockSpec((_EB8, 8), lambda i, j: (j, 0)),
        out_shape=jax.ShapeDtypeStruct((E // 8, 8), jnp.int32),
        scratch_shapes=[pltpu.VMEM((4, 8 * H), f32)],
    )(edge_attr.reshape(E // 8, 8 * 16), jnp.kron(eye8, p['We1']),
      jnp.tile(p['be1'], 8).reshape(1, 8 * H), w2g, b2g)

    src = edge_index[0]
    dst = edge_index[1]
    _rb = lambda x: x.astype(jnp.bfloat16).astype(f32)
    dstp = jnp.pad(dst, (0, EPAD - E), constant_values=N)
    srcp = jnp.pad(src, (0, EPAD - E))
    e01p = jnp.pad(e01_8.reshape(E), (0, EPAD - E))

    def _packpair(a, b):
        au = lax.bitcast_convert_type(_rb(a), jnp.int32)
        bu = lax.bitcast_convert_type(_rb(b), jnp.int32)
        return jnp.bitwise_and(au, jnp.int32(-65536)) | lax.shift_right_logical(
            bu, 16)

    n01 = _packpair(nfT[0], nfT[1])
    Wq = p['Wq']
    tA = Wq[0:6].reshape(3, 2, 3)
    tB = Wq[8:14].reshape(3, 2, 3)
    tab = _rb(jnp.pad(jnp.stack([tA[:, 0, :], tA[:, 1, :], tB[:, 0, :],
                                 tB[:, 1, :]], axis=2).reshape(36), (0, 12)))

    cnt_all, lrank_all = _sc_hist(dstp)
    acc_part = _sc_accum(cnt_all, lrank_all, srcp, e01p, n01, tab)

    out = pl.pallas_call(
        _tail_body,
        out_shape=jax.ShapeDtypeStruct((NG, NC), f32),
    )(nfT, acc_part.reshape(NW, 3 * NP), cnt_all.reshape(NW, NP),
      batch.reshape(N, 1), Wq[6:8], p['Wu1'][:2],
      p['Wu1'][2:], p['bu1'].reshape(H, 1), p['Wu2'], p['bu2'].reshape(2, 1),
      p['ln_g'].reshape(2, 1), p['ln_b'].reshape(2, 1), p['Wh1'],
      p['bh1'].reshape(H, 1), p['Wh2'], p['bh2'].reshape(H, 1), p['Wh3'],
      p['bh3'].reshape(1, NC))
    return out

# --- scband reference (transcript-rebuilt; emitter-appended) ---
"""Pipeline reference for scband-qgnngraph-classifier-26740466385556 (READ-ONLY COPY).

The authoritative reference and input builder live on the scoring server;
editing this copy changes nothing except your own understanding.
"""

import jax, jax.numpy as jnp
import numpy as np

N = 10000
E = 160000
DN = 128
DE = 16
H = 128
FD = 2
K = 3
PQC_OUT = 3
NG = 64
NC = 2


def _bn(x):
    return (x - x.mean(axis=0, keepdims=True)) / jnp.sqrt(x.var(axis=0, keepdims=True) + 1e-5)


def _mlp_bn(x, W1, b1, W2, b2):
    h = x @ W1 + b1
    h = jax.nn.leaky_relu(_bn(h), 0.01)
    return h @ W2 + b2


def setup_inputs(seed: int = 0) -> dict:
    key = jax.random.key(seed)
    ks = jax.random.split(key, 32)
    node_feat = jax.random.normal(ks[0], (N, DN), jnp.float32)
    edge_attr = jax.random.normal(ks[1], (E, DE), jnp.float32)
    edge_index = jax.random.randint(ks[2], (2, E), 0, N, dtype=jnp.int32)
    batch = jnp.sort(jax.random.randint(ks[3], (N,), 0, NG, dtype=jnp.int32))
    s = 0.1
    params = {
        'Wn1': jax.random.normal(ks[4], (DN, H)) * s, 'bn1': jnp.zeros((H,)),
        'Wn2': jax.random.normal(ks[5], (H, FD)) * s, 'bn2': jnp.zeros((FD,)),
        'We1': jax.random.normal(ks[6], (DE, H)) * s, 'be1': jnp.zeros((H,)),
        'We2': jax.random.normal(ks[7], (H, FD)) * s, 'be2': jnp.zeros((FD,)),
        'Wq': jax.random.uniform(ks[8], ((K + 1 + K) * FD, PQC_OUT), minval=0.0, maxval=np.pi),
        'Wu1': jax.random.normal(ks[9], (FD + PQC_OUT, H)) * s, 'bu1': jnp.zeros((H,)),
        'Wu2': jax.random.normal(ks[10], (H, FD)) * s, 'bu2': jnp.zeros((FD,)),
        'ln_g': jnp.ones((FD,)), 'ln_b': jnp.zeros((FD,)),
        'Wh1': jax.random.normal(ks[11], (FD, H)) * s, 'bh1': jnp.zeros((H,)),
        'Wh2': jax.random.normal(ks[12], (H, H)) * s, 'bh2': jnp.zeros((H,)),
        'Wh3': jax.random.normal(ks[13], (H, NC)) * s, 'bh3': jnp.zeros((NC,)),
    }
    return {'node_feat': node_feat, 'edge_attr': edge_attr, 'params': params,
            'edge_index': edge_index, 'batch': batch}


def _forward(node_feat, edge_attr, params, edge_index, batch):
    p = params
    src = edge_index[0]
    dst = edge_index[1]
    # input MLPs + input_process (tanh * pi)
    nf = jnp.tanh(_mlp_bn(node_feat, p['Wn1'], p['bn1'], p['Wn2'], p['bn2'])) * np.pi
    ef = jnp.tanh(_mlp_bn(edge_attr, p['We1'], p['be1'], p['We2'], p['be2'])) * np.pi
    # deterministic graphlet sampling: first K neighbors per destination node
    order = jnp.argsort(dst)
    dst_s = dst[order]
    src_s = src[order]
    first = jnp.searchsorted(dst_s, dst_s, side='left')
    rank = jnp.arange(E) - first
    keep = rank < K
    row = jnp.where(keep, dst_s, N)
    col = jnp.clip(rank, 0, K - 1)
    nbr = jnp.zeros((N + 1, K), jnp.int32).at[row, col].set(src_s)[:N]
    eid = jnp.zeros((N + 1, K), jnp.int32).at[row, col].set(order.astype(jnp.int32))[:N]
    msk = jnp.zeros((N + 1, K), jnp.float32).at[row, col].set(1.0)[:N]
    nbr_ft = nf[nbr] * msk[..., None]
    e_ft = ef[eid] * msk[..., None]
    # quantum message-passing PQC surrogate: expvals of rotated inputs
    inp = jnp.concatenate([e_ft.reshape(N, -1), nf, nbr_ft.reshape(N, -1)], axis=1)
    msg = jnp.cos(inp @ p['Wq'])  # [N, 3] expectation values in [-1, 1]
    # update MLP (leaky_relu, no norm)
    h = jax.nn.leaky_relu(jnp.concatenate([nf, msg], axis=1) @ p['Wu1'] + p['bu1'], 0.01)
    upd = h @ p['Wu2'] + p['bu2']
    has_in = (msk.sum(axis=1) > 0).astype(nf.dtype)
    un = upd * has_in[:, None]  # index_add of per-center updates
    m = un.mean(axis=-1, keepdims=True)
    v = un.var(axis=-1, keepdims=True)
    nf = (un - m) / jnp.sqrt(v + 1e-5) * p['ln_g'] + p['ln_b'] + nf
    # global add pool over graphs
    g = jax.ops.segment_sum(nf, batch, num_segments=NG)
    h1 = jax.nn.leaky_relu(_bn(g @ p['Wh1'] + p['bh1']), 0.01)
    h2 = jax.nn.leaky_relu(_bn(h1 @ p['Wh2'] + p['bh2']), 0.01)
    return h2 @ p['Wh3'] + p['bh3']


def reference(node_feat, edge_attr, params, edge_index, batch):
    return _forward(node_feat, edge_attr, params, edge_index, batch)

if __name__ == "__main__":
    import jax
    _d = setup_inputs()
    print(jax.jit(kernel)(*tuple(_d.values())))

</pallas_src>

<mosaic_0001>
#map = affine_map<(d0, d1) -> (0)>
#map1 = affine_map<(d0, d1) -> (0, 0, 0)>
module attributes {stable_mosaic.version = 14 : i64} {
  func.func @_sc_hist(%arg0: i32, %arg1: i32, %arg2: memref<160256xi32, #tpu.memory_space<hbm>>, %arg3: memref<32x1x10240xi32, #tpu.memory_space<hbm>>, %arg4: memref<160256xi32, #tpu.memory_space<hbm>>, %arg5: memref<5008xi32, #tpu.memory_space<vmem>>, %arg6: memref<10240xi32, #tpu.memory_space<vmem>>, %arg7: memref<5008xi32, #tpu.memory_space<vmem>>) attributes {dimension_semantics = [#tpu.dimension_semantics<core_parallel>, #tpu.dimension_semantics<subcore_parallel>], iteration_bounds = array<i64: 2, 16>, scalar_prefetch = 0 : i64, scratch_operands = 3 : i64, tpu.core_type = #tpu.core_type<sc_vector_subcore>, window_params = [{transform_indices = #map}, {transform_indices = #map1}, {transform_indices = #map}]} {
    %mul3A = arith.constant 16 : i32
    %mul3A_0 = arith.muli %arg0, %mul3A : i32
    %add3A = arith.addi %mul3A_0, %arg1 : i32
    %mul3A_1 = arith.constant 5008 : i32
    %mul3A_2 = arith.muli %add3A, %mul3A_1 : i32
    "tpu.region"() ({
      %run_scoped3A_16 = tpu.sem_alloc : memref<!tpu.dma_semaphore, #tpu.memory_space<semaphore_mem>>
      %dma_start3A = tpu.memref_slice %arg2[%mul3A_2] : memref<160256xi32, #tpu.memory_space<hbm>> -> memref<5008xi32, #tpu.memory_space<hbm>>
      %dma_start3A_17 = tpu.memref_slice %arg2[%mul3A_2] : memref<160256xi32, #tpu.memory_space<hbm>> -> memref<5008xi32, #tpu.memory_space<hbm>>
      tpu.enqueue_dma source(%dma_start3A_17 : memref<5008xi32, #tpu.memory_space<hbm>>) target(%arg5 : memref<5008xi32, #tpu.memory_space<vmem>>) target_semaphore(%run_scoped3A_16 : memref<!tpu.dma_semaphore, #tpu.memory_space<semaphore_mem>>)
      %dma_wait3A = tpu.memref_slice %arg2[%mul3A_2] : memref<160256xi32, #tpu.memory_space<hbm>> -> memref<5008xi32, #tpu.memory_space<hbm>>
      %dma_wait3A_18 = tpu.memref_slice %arg2[%mul3A_2] : memref<160256xi32, #tpu.memory_space<hbm>> -> memref<5008xi32, #tpu.memory_space<hbm>>
      tpu.wait_dma2 semaphore(%run_scoped3A_16 : memref<!tpu.dma_semaphore, #tpu.memory_space<semaphore_mem>>) src(%dma_wait3A_18 : memref<5008xi32, #tpu.memory_space<hbm>>) dst(%arg5 : memref<5008xi32, #tpu.memory_space<vmem>>)
      tpu.yield
    }) : () -> ()
    %scan3A = arith.constant 0 : i32
    %scan3A_3 = arith.constant 0 : i32
    %scan3A_4 = arith.constant 640 : i32
    %scan3A_5 = arith.addi %scan3A_3, %scan3A_4 : i32
    %scan3A_6 = arith.constant 1 : i32
    scf.for %scan3A_16 = %scan3A_3 to %scan3A_5 step %scan3A_6  : i32 {
      %broadcast_in_dim3A = arith.constant 0 : i32
      %broadcast_in_dim3A_17 = vector.broadcast %broadcast_in_dim3A : i32 to vector<16xi32>
      %mul3A_18 = arith.constant 16 : i32
      %mul3A_19 = arith.muli %scan3A_16, %mul3A_18 : i32
      %swap3A = arith.index_cast %mul3A_19 : i32 to index
      %swap3A_20 = tpu.vector_load %arg6[%swap3A] {strides = array<i32>} : memref<10240xi32, #tpu.memory_space<vmem>>, vector<16xi32>,
      tpu.vector_store %arg6[%swap3A], %broadcast_in_dim3A_17 {strides = array<i32>} : memref<10240xi32, #tpu.memory_space<vmem>>, vector<16xi32>,
    }
    %scan3A_7 = arith.constant 640 : i32
    %scan3A_8 = arith.constant 0 : i32
    %scan3A_9 = arith.constant 0 : i32
    %scan3A_10 = arith.constant 313 : i32
    %scan3A_11 = arith.addi %scan3A_9, %scan3A_10 : i32
    %scan3A_12 = arith.constant 1 : i32
    scf.for %scan3A_16 = %scan3A_9 to %scan3A_11 step %scan3A_12  : i32 {
      %mul3A_17 = arith.constant 16 : i32
      %mul3A_18 = arith.muli %scan3A_16, %mul3A_17 : i32
      %get3A = arith.index_cast %mul3A_18 : i32 to index
      %get3A_19 = tpu.vector_load %arg5[%get3A] {strides = array<i32>} : memref<5008xi32, #tpu.memory_space<vmem>>, vector<16xi32>,
      %gather3A = tpu.vector_load_idx %arg6[%get3A_19] : memref<10240xi32, #tpu.memory_space<vmem>>[vector<16xi32>], vector<16xi32>,
      %broadcast_in_dim3A = arith.constant true
      %broadcast_in_dim3A_20 = vector.broadcast %broadcast_in_dim3A : i1 to vector<16xi1>
      %unique3A, %unique3A_21 = tpu.scan_count mask(%broadcast_in_dim3A_20 : vector<16xi1>) value(%get3A_19 : vector<16xi32>) : vector<16xi1>, vector<16xi32>
      %mul3A_22 = arith.constant 8192 : i32
      %mul3A_23 = vector.broadcast %mul3A_22 : i32 to vector<16xi32>
      %mul3A_24 = arith.muli %get3A_19, %mul3A_23 : vector<16xi32>
      %add3A_25 = arith.addi %gather3A, %unique3A_21 : vector<16xi32>
      %sub3A = arith.constant 1 : i32
      %sub3A_26 = vector.broadcast %sub3A : i32 to vector<16xi32>
      %sub3A_27 = arith.subi %add3A_25, %sub3A_26 : vector<16xi32>
      %add3A_28 = arith.addi %mul3A_24, %sub3A_27 : vector<16xi32>
      %swap3A = arith.index_cast %mul3A_18 : i32 to index
      %swap3A_29 = tpu.vector_load %arg7[%swap3A] {strides = array<i32>} : memref<5008xi32, #tpu.memory_space<vmem>>, vector<16xi32>,
      tpu.vector_store %arg7[%swap3A], %add3A_28 {strides = array<i32>} : memref<5008xi32, #tpu.memory_space<vmem>>, vector<16xi32>,
      %add3A_30 = arith.addi %gather3A, %unique3A_21 : vector<16xi32>
      tpu.vector_store_idx %arg6[%get3A_19], %add3A_30 : memref<10240xi32, #tpu.memory_space<vmem>>[vector<16xi32>], vector<16xi32>,
    }
    %scan3A_13 = arith.constant 313 : i32
    %run_scoped3A = arith.constant 0 : i32
    "tpu.region"() ({
      %run_scoped3A_16 = tpu.sem_alloc : memref<!tpu.dma_semaphore, #tpu.memory_space<semaphore_mem>>
      %dma_start3A = arith.constant 0 : i32
      %dma_start3A_17 = tpu.memref_slice %arg3[%add3A, %run_scoped3A, %dma_start3A] : memref<32x1x10240xi32, #tpu.memory_space<hbm>> -> memref<1x1x10240xi32, #tpu.memory_space<hbm>>
      %dma_start3A_18 = tpu.memref_squeeze %dma_start3A_17 : memref<1x1x10240xi32, #tpu.memory_space<hbm>> -> memref<10240xi32, #tpu.memory_space<hbm>>
      %dma_start3A_19 = arith.constant 0 : i32
      %dma_start3A_20 = tpu.memref_slice %arg3[%add3A, %run_scoped3A, %dma_start3A_19] : memref<32x1x10240xi32, #tpu.memory_space<hbm>> -> memref<1x1x10240xi32, #tpu.memory_space<hbm>>
      %dma_start3A_21 = tpu.memref_squeeze %dma_start3A_20 : memref<1x1x10240xi32, #tpu.memory_space<hbm>> -> memref<10240xi32, #tpu.memory_space<hbm>>
      tpu.enqueue_dma source(%arg6 : memref<10240xi32, #tpu.memory_space<vmem>>) target(%dma_start3A_21 : memref<10240xi32, #tpu.memory_space<hbm>>) target_semaphore(%run_scoped3A_16 : memref<!tpu.dma_semaphore, #tpu.memory_space<semaphore_mem>>)
      %dma_wait3A = arith.constant 0 : i32
      %dma_wait3A_22 = tpu.memref_slice %arg3[%add3A, %run_scoped3A, %dma_wait3A] : memref<32x1x10240xi32, #tpu.memory_space<hbm>> -> memref<1x1x10240xi32, #tpu.memory_space<hbm>>
      %dma_wait3A_23 = tpu.memref_squeeze %dma_wait3A_22 : memref<1x1x10240xi32, #tpu.memory_space<hbm>> -> memref<10240xi32, #tpu.memory_space<hbm>>
      %dma_wait3A_24 = arith.constant 0 : i32
      %dma_wait3A_25 = tpu.memref_slice %arg3[%add3A, %run_scoped3A, %dma_wait3A_24] : memref<32x1x10240xi32, #tpu.memory_space<hbm>> -> memref<1x1x10240xi32, #tpu.memory_space<hbm>>
      %dma_wait3A_26 = tpu.memref_squeeze %dma_wait3A_25 : memref<1x1x10240xi32, #tpu.memory_space<hbm>> -> memref<10240xi32, #tpu.memory_space<hbm>>
      tpu.wait_dma2 semaphore(%run_scoped3A_16 : memref<!tpu.dma_semaphore, #tpu.memory_space<semaphore_mem>>) src(%arg6 : memref<10240xi32, #tpu.memory_space<vmem>>) dst(%dma_wait3A_26 : memref<10240xi32, #tpu.memory_space<hbm>>)
      tpu.yield
    }) : () -> ()
    %mul3A_14 = arith.constant 5008 : i32
    %mul3A_15 = arith.muli %add3A, %mul3A_14 : i32
    "tpu.region"() ({
      %run_scoped3A_16 = tpu.sem_alloc : memref<!tpu.dma_semaphore, #tpu.memory_space<semaphore_mem>>
      %dma_start3A = tpu.memref_slice %arg4[%mul3A_15] : memref<160256xi32, #tpu.memory_space<hbm>> -> memref<5008xi32, #tpu.memory_space<hbm>>
      %dma_start3A_17 = tpu.memref_slice %arg4[%mul3A_15] : memref<160256xi32, #tpu.memory_space<hbm>> -> memref<5008xi32, #tpu.memory_space<hbm>>
      tpu.enqueue_dma source(%arg7 : memref<5008xi32, #tpu.memory_space<vmem>>) target(%dma_start3A_17 : memref<5008xi32, #tpu.memory_space<hbm>>) target_semaphore(%run_scoped3A_16 : memref<!tpu.dma_semaphore, #tpu.memory_space<semaphore_mem>>)
      %dma_wait3A = tpu.memref_slice %arg4[%mul3A_15] : memref<160256xi32, #tpu.memory_space<hbm>> -> memref<5008xi32, #tpu.memory_space<hbm>>
      %dma_wait3A_18 = tpu.memref_slice %arg4[%mul3A_15] : memref<160256xi32, #tpu.memory_space<hbm>> -> memref<5008xi32, #tpu.memory_space<hbm>>
      tpu.wait_dma2 semaphore(%run_scoped3A_16 : memref<!tpu.dma_semaphore, #tpu.memory_space<semaphore_mem>>) src(%arg7 : memref<5008xi32, #tpu.memory_space<vmem>>) dst(%dma_wait3A_18 : memref<5008xi32, #tpu.memory_space<hbm>>)
      tpu.yield
    }) : () -> ()
    return
  }
}

#map = affine_map<(d0, d1) -> (0, 0, 0)>
#map1 = affine_map<(d0, d1) -> (0)>
module attributes {stable_mosaic.version = 14 : i64} {
  func.func @_sc_accum(%arg0: i32, %arg1: i32, %arg2: memref<32x1x10240xi32, #tpu.memory_space<hbm>>, %arg3: memref<160256xi32, #tpu.memory_space<hbm>>, %arg4: memref<160256xi32, #tpu.memory_space<hbm>>, %arg5: memref<160256xi32, #tpu.memory_space<hbm>>, %arg6: memref<10000xi32, #tpu.memory_space<hbm>>, %arg7: memref<48xf32, #tpu.memory_space<hbm>>, %arg8: memref<32x1x30720xf32, #tpu.memory_space<hbm>>, %arg9: memref<10240xi32, #tpu.memory_space<vmem>>, %arg10: memref<5008xi32, #tpu.memory_space<vmem>>, %arg11: memref<5008xi32, #tpu.memory_space<vmem>>, %arg12: memref<5008xi32, #tpu.memory_space<vmem>>, %arg13: memref<10000xi32, #tpu.memory_space<vmem>>, %arg14: memref<48xf32, #tpu.memory_space<vmem>>, %arg15: memref<30720xf32, #tpu.memory_space<vmem>>, %arg16: memref<10240xi32, #tpu.memory_space<vmem>>, %arg17: memref<10240xi32, #tpu.memory_space<vmem>>, %arg18: memref<10240xi32, #tpu.memory_space<vmem>>, %arg19: memref<16x1x10240xi32, #tpu.memory_space<vmem_shared>>) attributes {dimension_semantics = [#tpu.dimension_semantics<core_parallel>, #tpu.dimension_semantics<subcore_parallel>], iteration_bounds = array<i64: 2, 16>, scalar_prefetch = 0 : i64, scratch_operands = 11 : i64, tpu.core_type = #tpu.core_type<sc_vector_subcore>, window_params = [{transform_indices = #map}, {transform_indices = #map1}, {transform_indices = #map1}, {transform_indices = #map1}, {transform_indices = #map1}, {transform_indices = #map1}, {transform_indices = #map}]} {
    %mul3A = arith.constant 16 : i32
    %mul3A_0 = arith.muli %arg0, %mul3A : i32
    %add3A = arith.addi %mul3A_0, %arg1 : i32
    %mul3A_1 = arith.constant 5008 : i32
    %mul3A_2 = arith.muli %add3A, %mul3A_1 : i32
    "tpu.region"() ({
      %run_scoped3A_206 = tpu.sem_alloc : memref<!tpu.dma_semaphore, #tpu.memory_space<semaphore_mem>>
      %dma_start3A = tpu.memref_slice %arg4[%mul3A_2] : memref<160256xi32, #tpu.memory_space<hbm>> -> memref<5008xi32, #tpu.memory_space<hbm>>
      %dma_start3A_207 = tpu.memref_slice %arg4[%mul3A_2] : memref<160256xi32, #tpu.memory_space<hbm>> -> memref<5008xi32, #tpu.memory_space<hbm>>
      tpu.enqueue_dma source(%dma_start3A_207 : memref<5008xi32, #tpu.memory_space<hbm>>) target(%arg10 : memref<5008xi32, #tpu.memory_space<vmem>>) target_semaphore(%run_scoped3A_206 : memref<!tpu.dma_semaphore, #tpu.memory_space<semaphore_mem>>)
      %dma_wait3A = tpu.memref_slice %arg4[%mul3A_2] : memref<160256xi32, #tpu.memory_space<hbm>> -> memref<5008xi32, #tpu.memory_space<hbm>>
      %dma_wait3A_208 = tpu.memref_slice %arg4[%mul3A_2] : memref<160256xi32, #tpu.memory_space<hbm>> -> memref<5008xi32, #tpu.memory_space<hbm>>
      tpu.wait_dma2 semaphore(%run_scoped3A_206 : memref<!tpu.dma_semaphore, #tpu.memory_space<semaphore_mem>>) src(%dma_wait3A_208 : memref<5008xi32, #tpu.memory_space<hbm>>) dst(%arg10 : memref<5008xi32, #tpu.memory_space<vmem>>)
      tpu.yield
    }) : () -> ()
    %mul3A_3 = arith.constant 5008 : i32
    %mul3A_4 = arith.muli %add3A, %mul3A_3 : i32
    "tpu.region"() ({
      %run_scoped3A_206 = tpu.sem_alloc : memref<!tpu.dma_semaphore, #tpu.memory_space<semaphore_mem>>
      %dma_start3A = tpu.memref_slice %arg3[%mul3A_4] : memref<160256xi32, #tpu.memory_space<hbm>> -> memref<5008xi32, #tpu.memory_space<hbm>>
      %dma_start3A_207 = tpu.memref_slice %arg3[%mul3A_4] : memref<160256xi32, #tpu.memory_space<hbm>> -> memref<5008xi32, #tpu.memory_space<hbm>>
      tpu.enqueue_dma source(%dma_start3A_207 : memref<5008xi32, #tpu.memory_space<hbm>>) target(%arg11 : memref<5008xi32, #tpu.memory_space<vmem>>) target_semaphore(%run_scoped3A_206 : memref<!tpu.dma_semaphore, #tpu.memory_space<semaphore_mem>>)
      %dma_wait3A = tpu.memref_slice %arg3[%mul3A_4] : memref<160256xi32, #tpu.memory_space<hbm>> -> memref<5008xi32, #tpu.memory_space<hbm>>
      %dma_wait3A_208 = tpu.memref_slice %arg3[%mul3A_4] : memref<160256xi32, #tpu.memory_space<hbm>> -> memref<5008xi32, #tpu.memory_space<hbm>>
      tpu.wait_dma2 semaphore(%run_scoped3A_206 : memref<!tpu.dma_semaphore, #tpu.memory_space<semaphore_mem>>) src(%dma_wait3A_208 : memref<5008xi32, #tpu.memory_space<hbm>>) dst(%arg11 : memref<5008xi32, #tpu.memory_space<vmem>>)
      tpu.yield
    }) : () -> ()
    %mul3A_5 = arith.constant 5008 : i32
    %mul3A_6 = arith.muli %add3A, %mul3A_5 : i32
    "tpu.region"() ({
      %run_scoped3A_206 = tpu.sem_alloc : memref<!tpu.dma_semaphore, #tpu.memory_space<semaphore_mem>>
      %dma_start3A = tpu.memref_slice %arg5[%mul3A_6] : memref<160256xi32, #tpu.memory_space<hbm>> -> memref<5008xi32, #tpu.memory_space<hbm>>
      %dma_start3A_207 = tpu.memref_slice %arg5[%mul3A_6] : memref<160256xi32, #tpu.memory_space<hbm>> -> memref<5008xi32, #tpu.memory_space<hbm>>
      tpu.enqueue_dma source(%dma_start3A_207 : memref<5008xi32, #tpu.memory_space<hbm>>) target(%arg12 : memref<5008xi32, #tpu.memory_space<vmem>>) target_semaphore(%run_scoped3A_206 : memref<!tpu.dma_semaphore, #tpu.memory_space<semaphore_mem>>)
      %dma_wait3A = tpu.memref_slice %arg5[%mul3A_6] : memref<160256xi32, #tpu.memory_space<hbm>> -> memref<5008xi32, #tpu.memory_space<hbm>>
      %dma_wait3A_208 = tpu.memref_slice %arg5[%mul3A_6] : memref<160256xi32, #tpu.memory_space<hbm>> -> memref<5008xi32, #tpu.memory_space<hbm>>
      tpu.wait_dma2 semaphore(%run_scoped3A_206 : memref<!tpu.dma_semaphore, #tpu.memory_space<semaphore_mem>>) src(%dma_wait3A_208 : memref<5008xi32, #tpu.memory_space<hbm>>) dst(%arg12 : memref<5008xi32, #tpu.memory_space<vmem>>)
      tpu.yield
    }) : () -> ()
    "tpu.region"() ({
      %run_scoped3A_206 = tpu.sem_alloc : memref<!tpu.dma_semaphore, #tpu.memory_space<semaphore_mem>>
      tpu.enqueue_dma source(%arg6 : memref<10000xi32, #tpu.memory_space<hbm>>) target(%arg13 : memref<10000xi32, #tpu.memory_space<vmem>>) target_semaphore(%run_scoped3A_206 : memref<!tpu.dma_semaphore, #tpu.memory_space<semaphore_mem>>)
      tpu.wait_dma2 semaphore(%run_scoped3A_206 : memref<!tpu.dma_semaphore, #tpu.memory_space<semaphore_mem>>) src(%arg6 : memref<10000xi32, #tpu.memory_space<hbm>>) dst(%arg13 : memref<10000xi32, #tpu.memory_space<vmem>>)
      tpu.yield
    }) : () -> ()
    "tpu.region"() ({
      %run_scoped3A_206 = tpu.sem_alloc : memref<!tpu.dma_semaphore, #tpu.memory_space<semaphore_mem>>
      tpu.enqueue_dma source(%arg7 : memref<48xf32, #tpu.memory_space<hbm>>) target(%arg14 : memref<48xf32, #tpu.memory_space<vmem>>) target_semaphore(%run_scoped3A_206 : memref<!tpu.dma_semaphore, #tpu.memory_space<semaphore_mem>>)
      tpu.wait_dma2 semaphore(%run_scoped3A_206 : memref<!tpu.dma_semaphore, #tpu.memory_space<semaphore_mem>>) src(%arg7 : memref<48xf32, #tpu.memory_space<hbm>>) dst(%arg14 : memref<48xf32, #tpu.memory_space<vmem>>)
      tpu.yield
    }) : () -> ()
    %mul3A_7 = arith.constant 640 : i32
    %mul3A_8 = arith.muli %arg1, %mul3A_7 : i32
    %run_scoped3A = arith.constant 0 : i32
    %run_scoped3A_9 = arith.constant 0 : i32
    "tpu.region"() ({
      %run_scoped3A_206 = tpu.sem_alloc : memref<!tpu.dma_semaphore, #tpu.memory_space<semaphore_mem>>
      %dma_start3A = arith.constant 0 : i32
      %dma_start3A_207 = tpu.memref_slice %arg16[%dma_start3A] : memref<10240xi32, #tpu.memory_space<vmem>> -> memref<640xi32, #tpu.memory_space<vmem>>
      %dma_start3A_208 = tpu.memref_slice %arg2[%run_scoped3A, %run_scoped3A_9, %mul3A_8] : memref<32x1x10240xi32, #tpu.memory_space<hbm>> -> memref<1x1x640xi32, #tpu.memory_space<hbm>>
      %dma_start3A_209 = tpu.memref_squeeze %dma_start3A_208 : memref<1x1x640xi32, #tpu.memory_space<hbm>> -> memref<640xi32, #tpu.memory_space<hbm>>
      %dma_start3A_210 = arith.constant 0 : i32
      %dma_start3A_211 = tpu.memref_slice %arg16[%dma_start3A_210] : memref<10240xi32, #tpu.memory_space<vmem>> -> memref<640xi32, #tpu.memory_space<vmem>>
      %dma_start3A_212 = tpu.memref_slice %arg2[%run_scoped3A, %run_scoped3A_9, %mul3A_8] : memref<32x1x10240xi32, #tpu.memory_space<hbm>> -> memref<1x1x640xi32, #tpu.memory_space<hbm>>
      %dma_start3A_213 = tpu.memref_squeeze %dma_start3A_212 : memref<1x1x640xi32, #tpu.memory_space<hbm>> -> memref<640xi32, #tpu.memory_space<hbm>>
      tpu.enqueue_dma source(%dma_start3A_213 : memref<640xi32, #tpu.memory_space<hbm>>) target(%dma_start3A_211 : memref<640xi32, #tpu.memory_space<vmem>>) target_semaphore(%run_scoped3A_206 : memref<!tpu.dma_semaphore, #tpu.memory_space<semaphore_mem>>)
      %dma_wait3A = arith.constant 0 : i32
      %dma_wait3A_214 = tpu.memref_slice %arg16[%dma_wait3A] : memref<10240xi32, #tpu.memory_space<vmem>> -> memref<640xi32, #tpu.memory_space<vmem>>
      %dma_wait3A_215 = tpu.memref_slice %arg2[%run_scoped3A, %run_scoped3A_9, %mul3A_8] : memref<32x1x10240xi32, #tpu.memory_space<hbm>> -> memref<1x1x640xi32, #tpu.memory_space<hbm>>
      %dma_wait3A_216 = tpu.memref_squeeze %dma_wait3A_215 : memref<1x1x640xi32, #tpu.memory_space<hbm>> -> memref<640xi32, #tpu.memory_space<hbm>>
      %dma_wait3A_217 = arith.constant 0 : i32
      %dma_wait3A_218 = tpu.memref_slice %arg16[%dma_wait3A_217] : memref<10240xi32, #tpu.memory_space<vmem>> -> memref<640xi32, #tpu.memory_space<vmem>>
      %dma_wait3A_219 = tpu.memref_slice %arg2[%run_scoped3A, %run_scoped3A_9, %mul3A_8] : memref<32x1x10240xi32, #tpu.memory_space<hbm>> -> memref<1x1x640xi32, #tpu.memory_space<hbm>>
      %dma_wait3A_220 = tpu.memref_squeeze %dma_wait3A_219 : memref<1x1x640xi32, #tpu.memory_space<hbm>> -> memref<640xi32, #tpu.memory_space<hbm>>
      tpu.wait_dma2 semaphore(%run_scoped3A_206 : memref<!tpu.dma_semaphore, #tpu.memory_space<semaphore_mem>>) src(%dma_wait3A_220 : memref<640xi32, #tpu.memory_space<hbm>>) dst(%dma_wait3A_218 : memref<640xi32, #tpu.memory_space<vmem>>)
      tpu.yield
    }) : () -> ()
    %mul3A_10 = arith.constant 16 : i32
    %mul3A_11 = arith.muli %arg0, %mul3A_10 : i32
    %add3A_12 = arith.constant 0 : i32
    %add3A_13 = arith.addi %mul3A_11, %add3A_12 : i32
    %run_scoped3A_14 = arith.constant 0 : i32
    "tpu.region"() ({
      %run_scoped3A_206 = tpu.sem_alloc : memref<!tpu.dma_semaphore, #tpu.memory_space<semaphore_mem>>
      %dma_start3A = arith.constant 0 : i32
      %dma_start3A_207 = tpu.memref_slice %arg17[%dma_start3A] : memref<10240xi32, #tpu.memory_space<vmem>> -> memref<640xi32, #tpu.memory_space<vmem>>
      %dma_start3A_208 = tpu.memref_slice %arg2[%add3A_13, %run_scoped3A_14, %mul3A_8] : memref<32x1x10240xi32, #tpu.memory_space<hbm>> -> memref<1x1x640xi32, #tpu.memory_space<hbm>>
      %dma_start3A_209 = tpu.memref_squeeze %dma_start3A_208 : memref<1x1x640xi32, #tpu.memory_space<hbm>> -> memref<640xi32, #tpu.memory_space<hbm>>
      %dma_start3A_210 = arith.constant 0 : i32
      %dma_start3A_211 = tpu.memref_slice %arg17[%dma_start3A_210] : memref<10240xi32, #tpu.memory_space<vmem>> -> memref<640xi32, #tpu.memory_space<vmem>>
      %dma_start3A_212 = tpu.memref_slice %arg2[%add3A_13, %run_scoped3A_14, %mul3A_8] : memref<32x1x10240xi32, #tpu.memory_space<hbm>> -> memref<1x1x640xi32, #tpu.memory_space<hbm>>
      %dma_start3A_213 = tpu.memref_squeeze %dma_start3A_212 : memref<1x1x640xi32, #tpu.memory_space<hbm>> -> memref<640xi32, #tpu.memory_space<hbm>>
      tpu.enqueue_dma source(%dma_start3A_213 : memref<640xi32, #tpu.memory_space<hbm>>) target(%dma_start3A_211 : memref<640xi32, #tpu.memory_space<vmem>>) target_semaphore(%run_scoped3A_206 : memref<!tpu.dma_semaphore, #tpu.memory_space<semaphore_mem>>)
      %dma_wait3A = arith.constant 0 : i32
      %dma_wait3A_214 = tpu.memref_slice %arg17[%dma_wait3A] : memref<10240xi32, #tpu.memory_space<vmem>> -> memref<640xi32, #tpu.memory_space<vmem>>
      %dma_wait3A_215 = tpu.memref_slice %arg2[%add3A_13, %run_scoped3A_14, %mul3A_8] : memref<32x1x10240xi32, #tpu.memory_space<hbm>> -> memref<1x1x640xi32, #tpu.memory_space<hbm>>
      %dma_wait3A_216 = tpu.memref_squeeze %dma_wait3A_215 : memref<1x1x640xi32, #tpu.memory_space<hbm>> -> memref<640xi32, #tpu.memory_space<hbm>>
      %dma_wait3A_217 = arith.constant 0 : i32
      %dma_wait3A_218 = tpu.memref_slice %arg17[%dma_wait3A_217] : memref<10240xi32, #tpu.memory_space<vmem>> -> memref<640xi32, #tpu.memory_space<vmem>>
      %dma_wait3A_219 = tpu.memref_slice %arg2[%add3A_13, %run_scoped3A_14, %mul3A_8] : memref<32x1x10240xi32, #tpu.memory_space<hbm>> -> memref<1x1x640xi32, #tpu.memory_space<hbm>>
      %dma_wait3A_220 = tpu.memref_squeeze %dma_wait3A_219 : memref<1x1x640xi32, #tpu.memory_space<hbm>> -> memref<640xi32, #tpu.memory_space<hbm>>
      tpu.wait_dma2 semaphore(%run_scoped3A_206 : memref<!tpu.dma_semaphore, #tpu.memory_space<semaphore_mem>>) src(%dma_wait3A_220 : memref<640xi32, #tpu.memory_space<hbm>>) dst(%dma_wait3A_218 : memref<640xi32, #tpu.memory_space<vmem>>)
      tpu.yield
    }) : () -> ()
    %run_scoped3A_15 = arith.constant 1 : i32
    %run_scoped3A_16 = arith.constant 0 : i32
    "tpu.region"() ({
      %run_scoped3A_206 = tpu.sem_alloc : memref<!tpu.dma_semaphore, #tpu.memory_space<semaphore_mem>>
      %dma_start3A = arith.constant 640 : i32
      %dma_start3A_207 = tpu.memref_slice %arg16[%dma_start3A] : memref<10240xi32, #tpu.memory_space<vmem>> -> memref<640xi32, #tpu.memory_space<vmem>>
      %dma_start3A_208 = tpu.memref_slice %arg2[%run_scoped3A_15, %run_scoped3A_16, %mul3A_8] : memref<32x1x10240xi32, #tpu.memory_space<hbm>> -> memref<1x1x640xi32, #tpu.memory_space<hbm>>
      %dma_start3A_209 = tpu.memref_squeeze %dma_start3A_208 : memref<1x1x640xi32, #tpu.memory_space<hbm>> -> memref<640xi32, #tpu.memory_space<hbm>>
      %dma_start3A_210 = arith.constant 640 : i32
      %dma_start3A_211 = tpu.memref_slice %arg16[%dma_start3A_210] : memref<10240xi32, #tpu.memory_space<vmem>> -> memref<640xi32, #tpu.memory_space<vmem>>
      %dma_start3A_212 = tpu.memref_slice %arg2[%run_scoped3A_15, %run_scoped3A_16, %mul3A_8] : memref<32x1x10240xi32, #tpu.memory_space<hbm>> -> memref<1x1x640xi32, #tpu.memory_space<hbm>>
      %dma_start3A_213 = tpu.memref_squeeze %dma_start3A_212 : memref<1x1x640xi32, #tpu.memory_space<hbm>> -> memref<640xi32, #tpu.memory_space<hbm>>
      tpu.enqueue_dma source(%dma_start3A_213 : memref<640xi32, #tpu.memory_space<hbm>>) target(%dma_start3A_211 : memref<640xi32, #tpu.memory_space<vmem>>) target_semaphore(%run_scoped3A_206 : memref<!tpu.dma_semaphore, #tpu.memory_space<semaphore_mem>>)
      %dma_wait3A = arith.constant 640 : i32
      %dma_wait3A_214 = tpu.memref_slice %arg16[%dma_wait3A] : memref<10240xi32, #tpu.memory_space<vmem>> -> memref<640xi32, #tpu.memory_space<vmem>>
      %dma_wait3A_215 = tpu.memref_slice %arg2[%run_scoped3A_15, %run_scoped3A_16, %mul3A_8] : memref<32x1x10240xi32, #tpu.memory_space<hbm>> -> memref<1x1x640xi32, #tpu.memory_space<hbm>>
      %dma_wait3A_216 = tpu.memref_squeeze %dma_wait3A_215 : memref<1x1x640xi32, #tpu.memory_space<hbm>> -> memref<640xi32, #tpu.memory_space<hbm>>
      %dma_wait3A_217 = arith.constant 640 : i32
      %dma_wait3A_218 = tpu.memref_slice %arg16[%dma_wait3A_217] : memref<10240xi32, #tpu.memory_space<vmem>> -> memref<640xi32, #tpu.memory_space<vmem>>
      %dma_wait3A_219 = tpu.memref_slice %arg2[%run_scoped3A_15, %run_scoped3A_16, %mul3A_8] : memref<32x1x10240xi32, #tpu.memory_space<hbm>> -> memref<1x1x640xi32, #tpu.memory_space<hbm>>
      %dma_wait3A_220 = tpu.memref_squeeze %dma_wait3A_219 : memref<1x1x640xi32, #tpu.memory_space<hbm>> -> memref<640xi32, #tpu.memory_space<hbm>>
      tpu.wait_dma2 semaphore(%run_scoped3A_206 : memref<!tpu.dma_semaphore, #tpu.memory_space<semaphore_mem>>) src(%dma_wait3A_220 : memref<640xi32, #tpu.memory_space<hbm>>) dst(%dma_wait3A_218 : memref<640xi32, #tpu.memory_space<vmem>>)
      tpu.yield
    }) : () -> ()
    %mul3A_17 = arith.constant 16 : i32
    %mul3A_18 = arith.muli %arg0, %mul3A_17 : i32
    %add3A_19 = arith.constant 1 : i32
    %add3A_20 = arith.addi %mul3A_18, %add3A_19 : i32
    %run_scoped3A_21 = arith.constant 0 : i32
    "tpu.region"() ({
      %run_scoped3A_206 = tpu.sem_alloc : memref<!tpu.dma_semaphore, #tpu.memory_space<semaphore_mem>>
      %dma_start3A = arith.constant 640 : i32
      %dma_start3A_207 = tpu.memref_slice %arg17[%dma_start3A] : memref<10240xi32, #tpu.memory_space<vmem>> -> memref<640xi32, #tpu.memory_space<vmem>>
      %dma_start3A_208 = tpu.memref_slice %arg2[%add3A_20, %run_scoped3A_21, %mul3A_8] : memref<32x1x10240xi32, #tpu.memory_space<hbm>> -> memref<1x1x640xi32, #tpu.memory_space<hbm>>
      %dma_start3A_209 = tpu.memref_squeeze %dma_start3A_208 : memref<1x1x640xi32, #tpu.memory_space<hbm>> -> memref<640xi32, #tpu.memory_space<hbm>>
      %dma_start3A_210 = arith.constant 640 : i32
      %dma_start3A_211 = tpu.memref_slice %arg17[%dma_start3A_210] : memref<10240xi32, #tpu.memory_space<vmem>> -> memref<640xi32, #tpu.memory_space<vmem>>
      %dma_start3A_212 = tpu.memref_slice %arg2[%add3A_20, %run_scoped3A_21, %mul3A_8] : memref<32x1x10240xi32, #tpu.memory_space<hbm>> -> memref<1x1x640xi32, #tpu.memory_space<hbm>>
      %dma_start3A_213 = tpu.memref_squeeze %dma_start3A_212 : memref<1x1x640xi32, #tpu.memory_space<hbm>> -> memref<640xi32, #tpu.memory_space<hbm>>
      tpu.enqueue_dma source(%dma_start3A_213 : memref<640xi32, #tpu.memory_space<hbm>>) target(%dma_start3A_211 : memref<640xi32, #tpu.memory_space<vmem>>) target_semaphore(%run_scoped3A_206 : memref<!tpu.dma_semaphore, #tpu.memory_space<semaphore_mem>>)
      %dma_wait3A = arith.constant 640 : i32
      %dma_wait3A_214 = tpu.memref_slice %arg17[%dma_wait3A] : memref<10240xi32, #tpu.memory_space<vmem>> -> memref<640xi32, #tpu.memory_space<vmem>>
      %dma_wait3A_215 = tpu.memref_slice %arg2[%add3A_20, %run_scoped3A_21, %mul3A_8] : memref<32x1x10240xi32, #tpu.memory_space<hbm>> -> memref<1x1x640xi32, #tpu.memory_space<hbm>>
      %dma_wait3A_216 = tpu.memref_squeeze %dma_wait3A_215 : memref<1x1x640xi32, #tpu.memory_space<hbm>> -> memref<640xi32, #tpu.memory_space<hbm>>
      %dma_wait3A_217 = arith.constant 640 : i32
      %dma_wait3A_218 = tpu.memref_slice %arg17[%dma_wait3A_217] : memref<10240xi32, #tpu.memory_space<vmem>> -> memref<640xi32, #tpu.memory_space<vmem>>
      %dma_wait3A_219 = tpu.memref_slice %arg2[%add3A_20, %run_scoped3A_21, %mul3A_8] : memref<32x1x10240xi32, #tpu.memory_space<hbm>> -> memref<1x1x640xi32, #tpu.memory_space<hbm>>
      %dma_wait3A_220 = tpu.memref_squeeze %dma_wait3A_219 : memref<1x1x640xi32, #tpu.memory_space<hbm>> -> memref<640xi32, #tpu.memory_space<hbm>>
      tpu.wait_dma2 semaphore(%run_scoped3A_206 : memref<!tpu.dma_semaphore, #tpu.memory_space<semaphore_mem>>) src(%dma_wait3A_220 : memref<640xi32, #tpu.memory_space<hbm>>) dst(%dma_wait3A_218 : memref<640xi32, #tpu.memory_space<vmem>>)
      tpu.yield
    }) : () -> ()
    %run_scoped3A_22 = arith.constant 2 : i32
    %run_scoped3A_23 = arith.constant 0 : i32
    "tpu.region"() ({
      %run_scoped3A_206 = tpu.sem_alloc : memref<!tpu.dma_semaphore, #tpu.memory_space<semaphore_mem>>
      %dma_start3A = arith.constant 1280 : i32
      %dma_start3A_207 = tpu.memref_slice %arg16[%dma_start3A] : memref<10240xi32, #tpu.memory_space<vmem>> -> memref<640xi32, #tpu.memory_space<vmem>>
      %dma_start3A_208 = tpu.memref_slice %arg2[%run_scoped3A_22, %run_scoped3A_23, %mul3A_8] : memref<32x1x10240xi32, #tpu.memory_space<hbm>> -> memref<1x1x640xi32, #tpu.memory_space<hbm>>
      %dma_start3A_209 = tpu.memref_squeeze %dma_start3A_208 : memref<1x1x640xi32, #tpu.memory_space<hbm>> -> memref<640xi32, #tpu.memory_space<hbm>>
      %dma_start3A_210 = arith.constant 1280 : i32
      %dma_start3A_211 = tpu.memref_slice %arg16[%dma_start3A_210] : memref<10240xi32, #tpu.memory_space<vmem>> -> memref<640xi32, #tpu.memory_space<vmem>>
      %dma_start3A_212 = tpu.memref_slice %arg2[%run_scoped3A_22, %run_scoped3A_23, %mul3A_8] : memref<32x1x10240xi32, #tpu.memory_space<hbm>> -> memref<1x1x640xi32, #tpu.memory_space<hbm>>
      %dma_start3A_213 = tpu.memref_squeeze %dma_start3A_212 : memref<1x1x640xi32, #tpu.memory_space<hbm>> -> memref<640xi32, #tpu.memory_space<hbm>>
      tpu.enqueue_dma source(%dma_start3A_213 : memref<640xi32, #tpu.memory_space<hbm>>) target(%dma_start3A_211 : memref<640xi32, #tpu.memory_space<vmem>>) target_semaphore(%run_scoped3A_206 : memref<!tpu.dma_semaphore, #tpu.memory_space<semaphore_mem>>)
      %dma_wait3A = arith.constant 1280 : i32
      %dma_wait3A_214 = tpu.memref_slice %arg16[%dma_wait3A] : memref<10240xi32, #tpu.memory_space<vmem>> -> memref<640xi32, #tpu.memory_space<vmem>>
      %dma_wait3A_215 = tpu.memref_slice %arg2[%run_scoped3A_22, %run_scoped3A_23, %mul3A_8] : memref<32x1x10240xi32, #tpu.memory_space<hbm>> -> memref<1x1x640xi32, #tpu.memory_space<hbm>>
      %dma_wait3A_216 = tpu.memref_squeeze %dma_wait3A_215 : memref<1x1x640xi32, #tpu.memory_space<hbm>> -> memref<640xi32, #tpu.memory_space<hbm>>
      %dma_wait3A_217 = arith.constant 1280 : i32
      %dma_wait3A_218 = tpu.memref_slice %arg16[%dma_wait3A_217] : memref<10240xi32, #tpu.memory_space<vmem>> -> memref<640xi32, #tpu.memory_space<vmem>>
      %dma_wait3A_219 = tpu.memref_slice %arg2[%run_scoped3A_22, %run_scoped3A_23, %mul3A_8] : memref<32x1x10240xi32, #tpu.memory_space<hbm>> -> memref<1x1x640xi32, #tpu.memory_space<hbm>>
      %dma_wait3A_220 = tpu.memref_squeeze %dma_wait3A_219 : memref<1x1x640xi32, #tpu.memory_space<hbm>> -> memref<640xi32, #tpu.memory_space<hbm>>
      tpu.wait_dma2 semaphore(%run_scoped3A_206 : memref<!tpu.dma_semaphore, #tpu.memory_space<semaphore_mem>>) src(%dma_wait3A_220 : memref<640xi32, #tpu.memory_space<hbm>>) dst(%dma_wait3A_218 : memref<640xi32, #tpu.memory_space<vmem>>)
      tpu.yield
    }) : () -> ()
    %mul3A_24 = arith.constant 16 : i32
    %mul3A_25 = arith.muli %arg0, %mul3A_24 : i32
    %add3A_26 = arith.constant 2 : i32
    %add3A_27 = arith.addi %mul3A_25, %add3A_26 : i32
    %run_scoped3A_28 = arith.constant 0 : i32
    "tpu.region"() ({
      %run_scoped3A_206 = tpu.sem_alloc : memref<!tpu.dma_semaphore, #tpu.memory_space<semaphore_mem>>
      %dma_start3A = arith.constant 1280 : i32
      %dma_start3A_207 = tpu.memref_slice %arg17[%dma_start3A] : memref<10240xi32, #tpu.memory_space<vmem>> -> memref<640xi32, #tpu.memory_space<vmem>>
      %dma_start3A_208 = tpu.memref_slice %arg2[%add3A_27, %run_scoped3A_28, %mul3A_8] : memref<32x1x10240xi32, #tpu.memory_space<hbm>> -> memref<1x1x640xi32, #tpu.memory_space<hbm>>
      %dma_start3A_209 = tpu.memref_squeeze %dma_start3A_208 : memref<1x1x640xi32, #tpu.memory_space<hbm>> -> memref<640xi32, #tpu.memory_space<hbm>>
      %dma_start3A_210 = arith.constant 1280 : i32
      %dma_start3A_211 = tpu.memref_slice %arg17[%dma_start3A_210] : memref<10240xi32, #tpu.memory_space<vmem>> -> memref<640xi32, #tpu.memory_space<vmem>>
      %dma_start3A_212 = tpu.memref_slice %arg2[%add3A_27, %run_scoped3A_28, %mul3A_8] : memref<32x1x10240xi32, #tpu.memory_space<hbm>> -> memref<1x1x640xi32, #tpu.memory_space<hbm>>
      %dma_start3A_213 = tpu.memref_squeeze %dma_start3A_212 : memref<1x1x640xi32, #tpu.memory_space<hbm>> -> memref<640xi32, #tpu.memory_space<hbm>>
      tpu.enqueue_dma source(%dma_start3A_213 : memref<640xi32, #tpu.memory_space<hbm>>) target(%dma_start3A_211 : memref<640xi32, #tpu.memory_space<vmem>>) target_semaphore(%run_scoped3A_206 : memref<!tpu.dma_semaphore, #tpu.memory_space<semaphore_mem>>)
      %dma_wait3A = arith.constant 1280 : i32
      %dma_wait3A_214 = tpu.memref_slice %arg17[%dma_wait3A] : memref<10240xi32, #tpu.memory_space<vmem>> -> memref<640xi32, #tpu.memory_space<vmem>>
      %dma_wait3A_215 = tpu.memref_slice %arg2[%add3A_27, %run_scoped3A_28, %mul3A_8] : memref<32x1x10240xi32, #tpu.memory_space<hbm>> -> memref<1x1x640xi32, #tpu.memory_space<hbm>>
      %dma_wait3A_216 = tpu.memref_squeeze %dma_wait3A_215 : memref<1x1x640xi32, #tpu.memory_space<hbm>> -> memref<640xi32, #tpu.memory_space<hbm>>
      %dma_wait3A_217 = arith.constant 1280 : i32
      %dma_wait3A_218 = tpu.memref_slice %arg17[%dma_wait3A_217] : memref<10240xi32, #tpu.memory_space<vmem>> -> memref<640xi32, #tpu.memory_space<vmem>>
      %dma_wait3A_219 = tpu.memref_slice %arg2[%add3A_27, %run_scoped3A_28, %mul3A_8] : memref<32x1x10240xi32, #tpu.memory_space<hbm>> -> memref<1x1x640xi32, #tpu.memory_space<hbm>>
      %dma_wait3A_220 = tpu.memref_squeeze %dma_wait3A_219 : memref<1x1x640xi32, #tpu.memory_space<hbm>> -> memref<640xi32, #tpu.memory_space<hbm>>
      tpu.wait_dma2 semaphore(%run_scoped3A_206 : memref<!tpu.dma_semaphore, #tpu.memory_space<semaphore_mem>>) src(%dma_wait3A_220 : memref<640xi32, #tpu.memory_space<hbm>>) dst(%dma_wait3A_218 : memref<640xi32, #tpu.memory_space<vmem>>)
      tpu.yield
    }) : () -> ()
    %run_scoped3A_29 = arith.constant 3 : i32
    %run_scoped3A_30 = arith.constant 0 : i32
    "tpu.region"() ({
      %run_scoped3A_206 = tpu.sem_alloc : memref<!tpu.dma_semaphore, #tpu.memory_space<semaphore_mem>>
      %dma_start3A = arith.constant 1920 : i32
      %dma_start3A_207 = tpu.memref_slice %arg16[%dma_start3A] : memref<10240xi32, #tpu.memory_space<vmem>> -> memref<640xi32, #tpu.memory_space<vmem>>
      %dma_start3A_208 = tpu.memref_slice %arg2[%run_scoped3A_29, %run_scoped3A_30, %mul3A_8] : memref<32x1x10240xi32, #tpu.memory_space<hbm>> -> memref<1x1x640xi32, #tpu.memory_space<hbm>>
      %dma_start3A_209 = tpu.memref_squeeze %dma_start3A_208 : memref<1x1x640xi32, #tpu.memory_space<hbm>> -> memref<640xi32, #tpu.memory_space<hbm>>
      %dma_start3A_210 = arith.constant 1920 : i32
      %dma_start3A_211 = tpu.memref_slice %arg16[%dma_start3A_210] : memref<10240xi32, #tpu.memory_space<vmem>> -> memref<640xi32, #tpu.memory_space<vmem>>
      %dma_start3A_212 = tpu.memref_slice %arg2[%run_scoped3A_29, %run_scoped3A_30, %mul3A_8] : memref<32x1x10240xi32, #tpu.memory_space<hbm>> -> memref<1x1x640xi32, #tpu.memory_space<hbm>>
      %dma_start3A_213 = tpu.memref_squeeze %dma_start3A_212 : memref<1x1x640xi32, #tpu.memory_space<hbm>> -> memref<640xi32, #tpu.memory_space<hbm>>
      tpu.enqueue_dma source(%dma_start3A_213 : memref<640xi32, #tpu.memory_space<hbm>>) target(%dma_start3A_211 : memref<640xi32, #tpu.memory_space<vmem>>) target_semaphore(%run_scoped3A_206 : memref<!tpu.dma_semaphore, #tpu.memory_space<semaphore_mem>>)
      %dma_wait3A = arith.constant 1920 : i32
      %dma_wait3A_214 = tpu.memref_slice %arg16[%dma_wait3A] : memref<10240xi32, #tpu.memory_space<vmem>> -> memref<640xi32, #tpu.memory_space<vmem>>
      %dma_wait3A_215 = tpu.memref_slice %arg2[%run_scoped3A_29, %run_scoped3A_30, %mul3A_8] : memref<32x1x10240xi32, #tpu.memory_space<hbm>> -> memref<1x1x640xi32, #tpu.memory_space<hbm>>
      %dma_wait3A_216 = tpu.memref_squeeze %dma_wait3A_215 : memref<1x1x640xi32, #tpu.memory_space<hbm>> -> memref<640xi32, #tpu.memory_space<hbm>>
      %dma_wait3A_217 = arith.constant 1920 : i32
      %dma_wait3A_218 = tpu.memref_slice %arg16[%dma_wait3A_217] : memref<10240xi32, #tpu.memory_space<vmem>> -> memref<640xi32, #tpu.memory_space<vmem>>
      %dma_wait3A_219 = tpu.memref_slice %arg2[%run_scoped3A_29, %run_scoped3A_30, %mul3A_8] : memref<32x1x10240xi32, #tpu.memory_space<hbm>> -> memref<1x1x640xi32, #tpu.memory_space<hbm>>
      %dma_wait3A_220 = tpu.memref_squeeze %dma_wait3A_219 : memref<1x1x640xi32, #tpu.memory_space<hbm>> -> memref<640xi32, #tpu.memory_space<hbm>>
      tpu.wait_dma2 semaphore(%run_scoped3A_206 : memref<!tpu.dma_semaphore, #tpu.memory_space<semaphore_mem>>) src(%dma_wait3A_220 : memref<640xi32, #tpu.memory_space<hbm>>) dst(%dma_wait3A_218 : memref<640xi32, #tpu.memory_space<vmem>>)
      tpu.yield
    }) : () -> ()
    %mul3A_31 = arith.constant 16 : i32
    %mul3A_32 = arith.muli %arg0, %mul3A_31 : i32
    %add3A_33 = arith.constant 3 : i32
    %add3A_34 = arith.addi %mul3A_32, %add3A_33 : i32
    %run_scoped3A_35 = arith.constant 0 : i32
    "tpu.region"() ({
      %run_scoped3A_206 = tpu.sem_alloc : memref<!tpu.dma_semaphore, #tpu.memory_space<semaphore_mem>>
      %dma_start3A = arith.constant 1920 : i32
      %dma_start3A_207 = tpu.memref_slice %arg17[%dma_start3A] : memref<10240xi32, #tpu.memory_space<vmem>> -> memref<640xi32, #tpu.memory_space<vmem>>
      %dma_start3A_208 = tpu.memref_slice %arg2[%add3A_34, %run_scoped3A_35, %mul3A_8] : memref<32x1x10240xi32, #tpu.memory_space<hbm>> -> memref<1x1x640xi32, #tpu.memory_space<hbm>>
      %dma_start3A_209 = tpu.memref_squeeze %dma_start3A_208 : memref<1x1x640xi32, #tpu.memory_space<hbm>> -> memref<640xi32, #tpu.memory_space<hbm>>
      %dma_start3A_210 = arith.constant 1920 : i32
      %dma_start3A_211 = tpu.memref_slice %arg17[%dma_start3A_210] : memref<10240xi32, #tpu.memory_space<vmem>> -> memref<640xi32, #tpu.memory_space<vmem>>
      %dma_start3A_212 = tpu.memref_slice %arg2[%add3A_34, %run_scoped3A_35, %mul3A_8] : memref<32x1x10240xi32, #tpu.memory_space<hbm>> -> memref<1x1x640xi32, #tpu.memory_space<hbm>>
      %dma_start3A_213 = tpu.memref_squeeze %dma_start3A_212 : memref<1x1x640xi32, #tpu.memory_space<hbm>> -> memref<640xi32, #tpu.memory_space<hbm>>
      tpu.enqueue_dma source(%dma_start3A_213 : memref<640xi32, #tpu.memory_space<hbm>>) target(%dma_start3A_211 : memref<640xi32, #tpu.memory_space<vmem>>) target_semaphore(%run_scoped3A_206 : memref<!tpu.dma_semaphore, #tpu.memory_space<semaphore_mem>>)
      %dma_wait3A = arith.constant 1920 : i32
      %dma_wait3A_214 = tpu.memref_slice %arg17[%dma_wait3A] : memref<10240xi32, #tpu.memory_space<vmem>> -> memref<640xi32, #tpu.memory_space<vmem>>
      %dma_wait3A_215 = tpu.memref_slice %arg2[%add3A_34, %run_scoped3A_35, %mul3A_8] : memref<32x1x10240xi32, #tpu.memory_space<hbm>> -> memref<1x1x640xi32, #tpu.memory_space<hbm>>
      %dma_wait3A_216 = tpu.memref_squeeze %dma_wait3A_215 : memref<1x1x640xi32, #tpu.memory_space<hbm>> -> memref<640xi32, #tpu.memory_space<hbm>>
      %dma_wait3A_217 = arith.constant 1920 : i32
      %dma_wait3A_218 = tpu.memref_slice %arg17[%dma_wait3A_217] : memref<10240xi32, #tpu.memory_space<vmem>> -> memref<640xi32, #tpu.memory_space<vmem>>
      %dma_wait3A_219 = tpu.memref_slice %arg2[%add3A_34, %run_scoped3A_35, %mul3A_8] : memref<32x1x10240xi32, #tpu.memory_space<hbm>> -> memref<1x1x640xi32, #tpu.memory_space<hbm>>
      %dma_wait3A_220 = tpu.memref_squeeze %dma_wait3A_219 : memref<1x1x640xi32, #tpu.memory_space<hbm>> -> memref<640xi32, #tpu.memory_space<hbm>>
      tpu.wait_dma2 semaphore(%run_scoped3A_206 : memref<!tpu.dma_semaphore, #tpu.memory_space<semaphore_mem>>) src(%dma_wait3A_220 : memref<640xi32, #tpu.memory_space<hbm>>) dst(%dma_wait3A_218 : memref<640xi32, #tpu.memory_space<vmem>>)
      tpu.yield
    }) : () -> ()
    %run_scoped3A_36 = arith.constant 4 : i32
    %run_scoped3A_37 = arith.constant 0 : i32
    "tpu.region"() ({
      %run_scoped3A_206 = tpu.sem_alloc : memref<!tpu.dma_semaphore, #tpu.memory_space<semaphore_mem>>
      %dma_start3A = arith.constant 2560 : i32
      %dma_start3A_207 = tpu.memref_slice %arg16[%dma_start3A] : memref<10240xi32, #tpu.memory_space<vmem>> -> memref<640xi32, #tpu.memory_space<vmem>>
      %dma_start3A_208 = tpu.memref_slice %arg2[%run_scoped3A_36, %run_scoped3A_37, %mul3A_8] : memref<32x1x10240xi32, #tpu.memory_space<hbm>> -> memref<1x1x640xi32, #tpu.memory_space<hbm>>
      %dma_start3A_209 = tpu.memref_squeeze %dma_start3A_208 : memref<1x1x640xi32, #tpu.memory_space<hbm>> -> memref<640xi32, #tpu.memory_space<hbm>>
      %dma_start3A_210 = arith.constant 2560 : i32
      %dma_start3A_211 = tpu.memref_slice %arg16[%dma_start3A_210] : memref<10240xi32, #tpu.memory_space<vmem>> -> memref<640xi32, #tpu.memory_space<vmem>>
      %dma_start3A_212 = tpu.memref_slice %arg2[%run_scoped3A_36, %run_scoped3A_37, %mul3A_8] : memref<32x1x10240xi32, #tpu.memory_space<hbm>> -> memref<1x1x640xi32, #tpu.memory_space<hbm>>
      %dma_start3A_213 = tpu.memref_squeeze %dma_start3A_212 : memref<1x1x640xi32, #tpu.memory_space<hbm>> -> memref<640xi32, #tpu.memory_space<hbm>>
      tpu.enqueue_dma source(%dma_start3A_213 : memref<640xi32, #tpu.memory_space<hbm>>) target(%dma_start3A_211 : memref<640xi32, #tpu.memory_space<vmem>>) target_semaphore(%run_scoped3A_206 : memref<!tpu.dma_semaphore, #tpu.memory_space<semaphore_mem>>)
      %dma_wait3A = arith.constant 2560 : i32
      %dma_wait3A_214 = tpu.memref_slice %arg16[%dma_wait3A] : memref<10240xi32, #tpu.memory_space<vmem>> -> memref<640xi32, #tpu.memory_space<vmem>>
      %dma_wait3A_215 = tpu.memref_slice %arg2[%run_scoped3A_36, %run_scoped3A_37, %mul3A_8] : memref<32x1x10240xi32, #tpu.memory_space<hbm>> -> memref<1x1x640xi32, #tpu.memory_space<hbm>>
      %dma_wait3A_216 = tpu.memref_squeeze %dma_wait3A_215 : memref<1x1x640xi32, #tpu.memory_space<hbm>> -> memref<640xi32, #tpu.memory_space<hbm>>
      %dma_wait3A_217 = arith.constant 2560 : i32
      %dma_wait3A_218 = tpu.memref_slice %arg16[%dma_wait3A_217] : memref<10240xi32, #tpu.memory_space<vmem>> -> memref<640xi32, #tpu.memory_space<vmem>>
      %dma_wait3A_219 = tpu.memref_slice %arg2[%run_scoped3A_36, %run_scoped3A_37, %mul3A_8] : memref<32x1x10240xi32, #tpu.memory_space<hbm>> -> memref<1x1x640xi32, #tpu.memory_space<hbm>>
      %dma_wait3A_220 = tpu.memref_squeeze %dma_wait3A_219 : memref<1x1x640xi32, #tpu.memory_space<hbm>> -> memref<640xi32, #tpu.memory_space<hbm>>
      tpu.wait_dma2 semaphore(%run_scoped3A_206 : memref<!tpu.dma_semaphore, #tpu.memory_space<semaphore_mem>>) src(%dma_wait3A_220 : memref<640xi32, #tpu.memory_space<hbm>>) dst(%dma_wait3A_218 : memref<640xi32, #tpu.memory_space<vmem>>)
      tpu.yield
    }) : () -> ()
    %mul3A_38 = arith.constant 16 : i32
    %mul3A_39 = arith.muli %arg0, %mul3A_38 : i32
    %add3A_40 = arith.constant 4 : i32
    %add3A_41 = arith.addi %mul3A_39, %add3A_40 : i32
    %run_scoped3A_42 = arith.constant 0 : i32
    "tpu.region"() ({
      %run_scoped3A_206 = tpu.sem_alloc : memref<!tpu.dma_semaphore, #tpu.memory_space<semaphore_mem>>
      %dma_start3A = arith.constant 2560 : i32
      %dma_start3A_207 = tpu.memref_slice %arg17[%dma_start3A] : memref<10240xi32, #tpu.memory_space<vmem>> -> memref<640xi32, #tpu.memory_space<vmem>>
      %dma_start3A_208 = tpu.memref_slice %arg2[%add3A_41, %run_scoped3A_42, %mul3A_8] : memref<32x1x10240xi32, #tpu.memory_space<hbm>> -> memref<1x1x640xi32, #tpu.memory_space<hbm>>
      %dma_start3A_209 = tpu.memref_squeeze %dma_start3A_208 : memref<1x1x640xi32, #tpu.memory_space<hbm>> -> memref<640xi32, #tpu.memory_space<hbm>>
      %dma_start3A_210 = arith.constant 2560 : i32
      %dma_start3A_211 = tpu.memref_slice %arg17[%dma_start3A_210] : memref<10240xi32, #tpu.memory_space<vmem>> -> memref<640xi32, #tpu.memory_space<vmem>>
      %dma_start3A_212 = tpu.memref_slice %arg2[%add3A_41, %run_scoped3A_42, %mul3A_8] : memref<32x1x10240xi32, #tpu.memory_space<hbm>> -> memref<1x1x640xi32, #tpu.memory_space<hbm>>
      %dma_start3A_213 = tpu.memref_squeeze %dma_start3A_212 : memref<1x1x640xi32, #tpu.memory_space<hbm>> -> memref<640xi32, #tpu.memory_space<hbm>>
      tpu.enqueue_dma source(%dma_start3A_213 : memref<640xi32, #tpu.memory_space<hbm>>) target(%dma_start3A_211 : memref<640xi32, #tpu.memory_space<vmem>>) target_semaphore(%run_scoped3A_206 : memref<!tpu.dma_semaphore, #tpu.memory_space<semaphore_mem>>)
      %dma_wait3A = arith.constant 2560 : i32
      %dma_wait3A_214 = tpu.memref_slice %arg17[%dma_wait3A] : memref<10240xi32, #tpu.memory_space<vmem>> -> memref<640xi32, #tpu.memory_space<vmem>>
      %dma_wait3A_215 = tpu.memref_slice %arg2[%add3A_41, %run_scoped3A_42, %mul3A_8] : memref<32x1x10240xi32, #tpu.memory_space<hbm>> -> memref<1x1x640xi32, #tpu.memory_space<hbm>>
      %dma_wait3A_216 = tpu.memref_squeeze %dma_wait3A_215 : memref<1x1x640xi32, #tpu.memory_space<hbm>> -> memref<640xi32, #tpu.memory_space<hbm>>
      %dma_wait3A_217 = arith.constant 2560 : i32
      %dma_wait3A_218 = tpu.memref_slice %arg17[%dma_wait3A_217] : memref<10240xi32, #tpu.memory_space<vmem>> -> memref<640xi32, #tpu.memory_space<vmem>>
      %dma_wait3A_219 = tpu.memref_slice %arg2[%add3A_41, %run_scoped3A_42, %mul3A_8] : memref<32x1x10240xi32, #tpu.memory_space<hbm>> -> memref<1x1x640xi32, #tpu.memory_space<hbm>>
      %dma_wait3A_220 = tpu.memref_squeeze %dma_wait3A_219 : memref<1x1x640xi32, #tpu.memory_space<hbm>> -> memref<640xi32, #tpu.memory_space<hbm>>
      tpu.wait_dma2 semaphore(%run_scoped3A_206 : memref<!tpu.dma_semaphore, #tpu.memory_space<semaphore_mem>>) src(%dma_wait3A_220 : memref<640xi32, #tpu.memory_space<hbm>>) dst(%dma_wait3A_218 : memref<640xi32, #tpu.memory_space<vmem>>)
      tpu.yield
    }) : () -> ()
    %run_scoped3A_43 = arith.constant 5 : i32
    %run_scoped3A_44 = arith.constant 0 : i32
    "tpu.region"() ({
      %run_scoped3A_206 = tpu.sem_alloc : memref<!tpu.dma_semaphore, #tpu.memory_space<semaphore_mem>>
      %dma_start3A = arith.constant 3200 : i32
      %dma_start3A_207 = tpu.memref_slice %arg16[%dma_start3A] : memref<10240xi32, #tpu.memory_space<vmem>> -> memref<640xi32, #tpu.memory_space<vmem>>
      %dma_start3A_208 = tpu.memref_slice %arg2[%run_scoped3A_43, %run_scoped3A_44, %mul3A_8] : memref<32x1x10240xi32, #tpu.memory_space<hbm>> -> memref<1x1x640xi32, #tpu.memory_space<hbm>>
      %dma_start3A_209 = tpu.memref_squeeze %dma_start3A_208 : memref<1x1x640xi32, #tpu.memory_space<hbm>> -> memref<640xi32, #tpu.memory_space<hbm>>
      %dma_start3A_210 = arith.constant 3200 : i32
      %dma_start3A_211 = tpu.memref_slice %arg16[%dma_start3A_210] : memref<10240xi32, #tpu.memory_space<vmem>> -> memref<640xi32, #tpu.memory_space<vmem>>
      %dma_start3A_212 = tpu.memref_slice %arg2[%run_scoped3A_43, %run_scoped3A_44, %mul3A_8] : memref<32x1x10240xi32, #tpu.memory_space<hbm>> -> memref<1x1x640xi32, #tpu.memory_space<hbm>>
      %dma_start3A_213 = tpu.memref_squeeze %dma_start3A_212 : memref<1x1x640xi32, #tpu.memory_space<hbm>> -> memref<640xi32, #tpu.memory_space<hbm>>
      tpu.enqueue_dma source(%dma_start3A_213 : memref<640xi32, #tpu.memory_space<hbm>>) target(%dma_start3A_211 : memref<640xi32, #tpu.memory_space<vmem>>) target_semaphore(%run_scoped3A_206 : memref<!tpu.dma_semaphore, #tpu.memory_space<semaphore_mem>>)
      %dma_wait3A = arith.constant 3200 : i32
      %dma_wait3A_214 = tpu.memref_slice %arg16[%dma_wait3A] : memref<10240xi32, #tpu.memory_space<vmem>> -> memref<640xi32, #tpu.memory_space<vmem>>
      %dma_wait3A_215 = tpu.memref_slice %arg2[%run_scoped3A_43, %run_scoped3A_44, %mul3A_8] : memref<32x1x10240xi32, #tpu.memory_space<hbm>> -> memref<1x1x640xi32, #tpu.memory_space<hbm>>
      %dma_wait3A_216 = tpu.memref_squeeze %dma_wait3A_215 : memref<1x1x640xi32, #tpu.memory_space<hbm>> -> memref<640xi32, #tpu.memory_space<hbm>>
      %dma_wait3A_217 = arith.constant 3200 : i32
      %dma_wait3A_218 = tpu.memref_slice %arg16[%dma_wait3A_217] : memref<10240xi32, #tpu.memory_space<vmem>> -> memref<640xi32, #tpu.memory_space<vmem>>
      %dma_wait3A_219 = tpu.memref_slice %arg2[%run_scoped3A_43, %run_scoped3A_44, %mul3A_8] : memref<32x1x10240xi32, #tpu.memory_space<hbm>> -> memref<1x1x640xi32, #tpu.memory_space<hbm>>
      %dma_wait3A_220 = tpu.memref_squeeze %dma_wait3A_219 : memref<1x1x640xi32, #tpu.memory_space<hbm>> -> memref<640xi32, #tpu.memory_space<hbm>>
      tpu.wait_dma2 semaphore(%run_scoped3A_206 : memref<!tpu.dma_semaphore, #tpu.memory_space<semaphore_mem>>) src(%dma_wait3A_220 : memref<640xi32, #tpu.memory_space<hbm>>) dst(%dma_wait3A_218 : memref<640xi32, #tpu.memory_space<vmem>>)
      tpu.yield
    }) : () -> ()
    %mul3A_45 = arith.constant 16 : i32
    %mul3A_46 = arith.muli %arg0, %mul3A_45 : i32
    %add3A_47 = arith.constant 5 : i32
    %add3A_48 = arith.addi %mul3A_46, %add3A_47 : i32
    %run_scoped3A_49 = arith.constant 0 : i32
    "tpu.region"() ({
      %run_scoped3A_206 = tpu.sem_alloc : memref<!tpu.dma_semaphore, #tpu.memory_space<semaphore_mem>>
      %dma_start3A = arith.constant 3200 : i32
      %dma_start3A_207 = tpu.memref_slice %arg17[%dma_start3A] : memref<10240xi32, #tpu.memory_space<vmem>> -> memref<640xi32, #tpu.memory_space<vmem>>
      %dma_start3A_208 = tpu.memref_slice %arg2[%add3A_48, %run_scoped3A_49, %mul3A_8] : memref<32x1x10240xi32, #tpu.memory_space<hbm>> -> memref<1x1x640xi32, #tpu.memory_space<hbm>>
      %dma_start3A_209 = tpu.memref_squeeze %dma_start3A_208 : memref<1x1x640xi32, #tpu.memory_space<hbm>> -> memref<640xi32, #tpu.memory_space<hbm>>
      %dma_start3A_210 = arith.constant 3200 : i32
      %dma_start3A_211 = tpu.memref_slice %arg17[%dma_start3A_210] : memref<10240xi32, #tpu.memory_space<vmem>> -> memref<640xi32, #tpu.memory_space<vmem>>
      %dma_start3A_212 = tpu.memref_slice %arg2[%add3A_48, %run_scoped3A_49, %mul3A_8] : memref<32x1x10240xi32, #tpu.memory_space<hbm>> -> memref<1x1x640xi32, #tpu.memory_space<hbm>>
      %dma_start3A_213 = tpu.memref_squeeze %dma_start3A_212 : memref<1x1x640xi32, #tpu.memory_space<hbm>> -> memref<640xi32, #tpu.memory_space<hbm>>
      tpu.enqueue_dma source(%dma_start3A_213 : memref<640xi32, #tpu.memory_space<hbm>>) target(%dma_start3A_211 : memref<640xi32, #tpu.memory_space<vmem>>) target_semaphore(%run_scoped3A_206 : memref<!tpu.dma_semaphore, #tpu.memory_space<semaphore_mem>>)
      %dma_wait3A = arith.constant 3200 : i32
      %dma_wait3A_214 = tpu.memref_slice %arg17[%dma_wait3A] : memref<10240xi32, #tpu.memory_space<vmem>> -> memref<640xi32, #tpu.memory_space<vmem>>
      %dma_wait3A_215 = tpu.memref_slice %arg2[%add3A_48, %run_scoped3A_49, %mul3A_8] : memref<32x1x10240xi32, #tpu.memory_space<hbm>> -> memref<1x1x640xi32, #tpu.memory_space<hbm>>
      %dma_wait3A_216 = tpu.memref_squeeze %dma_wait3A_215 : memref<1x1x640xi32, #tpu.memory_space<hbm>> -> memref<640xi32, #tpu.memory_space<hbm>>
      %dma_wait3A_217 = arith.constant 3200 : i32
      %dma_wait3A_218 = tpu.memref_slice %arg17[%dma_wait3A_217] : memref<10240xi32, #tpu.memory_space<vmem>> -> memref<640xi32, #tpu.memory_space<vmem>>
      %dma_wait3A_219 = tpu.memref_slice %arg2[%add3A_48, %run_scoped3A_49, %mul3A_8] : memref<32x1x10240xi32, #tpu.memory_space<hbm>> -> memref<1x1x640xi32, #tpu.memory_space<hbm>>
      %dma_wait3A_220 = tpu.memref_squeeze %dma_wait3A_219 : memref<1x1x640xi32, #tpu.memory_space<hbm>> -> memref<640xi32, #tpu.memory_space<hbm>>
      tpu.wait_dma2 semaphore(%run_scoped3A_206 : memref<!tpu.dma_semaphore, #tpu.memory_space<semaphore_mem>>) src(%dma_wait3A_220 : memref<640xi32, #tpu.memory_space<hbm>>) dst(%dma_wait3A_218 : memref<640xi32, #tpu.memory_space<vmem>>)
      tpu.yield
    }) : () -> ()
    %run_scoped3A_50 = arith.constant 6 : i32
    %run_scoped3A_51 = arith.constant 0 : i32
    "tpu.region"() ({
      %run_scoped3A_206 = tpu.sem_alloc : memref<!tpu.dma_semaphore, #tpu.memory_space<semaphore_mem>>
      %dma_start3A = arith.constant 3840 : i32
      %dma_start3A_207 = tpu.memref_slice %arg16[%dma_start3A] : memref<10240xi32, #tpu.memory_space<vmem>> -> memref<640xi32, #tpu.memory_space<vmem>>
      %dma_start3A_208 = tpu.memref_slice %arg2[%run_scoped3A_50, %run_scoped3A_51, %mul3A_8] : memref<32x1x10240xi32, #tpu.memory_space<hbm>> -> memref<1x1x640xi32, #tpu.memory_space<hbm>>
      %dma_start3A_209 = tpu.memref_squeeze %dma_start3A_208 : memref<1x1x640xi32, #tpu.memory_space<hbm>> -> memref<640xi32, #tpu.memory_space<hbm>>
      %dma_start3A_210 = arith.constant 3840 : i32
      %dma_start3A_211 = tpu.memref_slice %arg16[%dma_start3A_210] : memref<10240xi32, #tpu.memory_space<vmem>> -> memref<640xi32, #tpu.memory_space<vmem>>
      %dma_start3A_212 = tpu.memref_slice %arg2[%run_scoped3A_50, %run_scoped3A_51, %mul3A_8] : memref<32x1x10240xi32, #tpu.memory_space<hbm>> -> memref<1x1x640xi32, #tpu.memory_space<hbm>>
      %dma_start3A_213 = tpu.memref_squeeze %dma_start3A_212 : memref<1x1x640xi32, #tpu.memory_space<hbm>> -> memref<640xi32, #tpu.memory_space<hbm>>
      tpu.enqueue_dma source(%dma_start3A_213 : memref<640xi32, #tpu.memory_space<hbm>>) target(%dma_start3A_211 : memref<640xi32, #tpu.memory_space<vmem>>) target_semaphore(%run_scoped3A_206 : memref<!tpu.dma_semaphore, #tpu.memory_space<semaphore_mem>>)
      %dma_wait3A = arith.constant 3840 : i32
      %dma_wait3A_214 = tpu.memref_slice %arg16[%dma_wait3A] : memref<10240xi32, #tpu.memory_space<vmem>> -> memref<640xi32, #tpu.memory_space<vmem>>
      %dma_wait3A_215 = tpu.memref_slice %arg2[%run_scoped3A_50, %run_scoped3A_51, %mul3A_8] : memref<32x1x10240xi32, #tpu.memory_space<hbm>> -> memref<1x1x640xi32, #tpu.memory_space<hbm>>
      %dma_wait3A_216 = tpu.memref_squeeze %dma_wait3A_215 : memref<1x1x640xi32, #tpu.memory_space<hbm>> -> memref<640xi32, #tpu.memory_space<hbm>>
      %dma_wait3A_217 = arith.constant 3840 : i32
      %dma_wait3A_218 = tpu.memref_slice %arg16[%dma_wait3A_217] : memref<10240xi32, #tpu.memory_space<vmem>> -> memref<640xi32, #tpu.memory_space<vmem>>
      %dma_wait3A_219 = tpu.memref_slice %arg2[%run_scoped3A_50, %run_scoped3A_51, %mul3A_8] : memref<32x1x10240xi32, #tpu.memory_space<hbm>> -> memref<1x1x640xi32, #tpu.memory_space<hbm>>
      %dma_wait3A_220 = tpu.memref_squeeze %dma_wait3A_219 : memref<1x1x640xi32, #tpu.memory_space<hbm>> -> memref<640xi32, #tpu.memory_space<hbm>>
      tpu.wait_dma2 semaphore(%run_scoped3A_206 : memref<!tpu.dma_semaphore, #tpu.memory_space<semaphore_mem>>) src(%dma_wait3A_220 : memref<640xi32, #tpu.memory_space<hbm>>) dst(%dma_wait3A_218 : memref<640xi32, #tpu.memory_space<vmem>>)
      tpu.yield
    }) : () -> ()
    %mul3A_52 = arith.constant 16 : i32
    %mul3A_53 = arith.muli %arg0, %mul3A_52 : i32
    %add3A_54 = arith.constant 6 : i32
    %add3A_55 = arith.addi %mul3A_53, %add3A_54 : i32
    %run_scoped3A_56 = arith.constant 0 : i32
    "tpu.region"() ({
      %run_scoped3A_206 = tpu.sem_alloc : memref<!tpu.dma_semaphore, #tpu.memory_space<semaphore_mem>>
      %dma_start3A = arith.constant 3840 : i32
      %dma_start3A_207 = tpu.memref_slice %arg17[%dma_start3A] : memref<10240xi32, #tpu.memory_space<vmem>> -> memref<640xi32, #tpu.memory_space<vmem>>
      %dma_start3A_208 = tpu.memref_slice %arg2[%add3A_55, %run_scoped3A_56, %mul3A_8] : memref<32x1x10240xi32, #tpu.memory_space<hbm>> -> memref<1x1x640xi32, #tpu.memory_space<hbm>>
      %dma_start3A_209 = tpu.memref_squeeze %dma_start3A_208 : memref<1x1x640xi32, #tpu.memory_space<hbm>> -> memref<640xi32, #tpu.memory_space<hbm>>
      %dma_start3A_210 = arith.constant 3840 : i32
      %dma_start3A_211 = tpu.memref_slice %arg17[%dma_start3A_210] : memref<10240xi32, #tpu.memory_space<vmem>> -> memref<640xi32, #tpu.memory_space<vmem>>
      %dma_start3A_212 = tpu.memref_slice %arg2[%add3A_55, %run_scoped3A_56, %mul3A_8] : memref<32x1x10240xi32, #tpu.memory_space<hbm>> -> memref<1x1x640xi32, #tpu.memory_space<hbm>>
      %dma_start3A_213 = tpu.memref_squeeze %dma_start3A_212 : memref<1x1x640xi32, #tpu.memory_space<hbm>> -> memref<640xi32, #tpu.memory_space<hbm>>
      tpu.enqueue_dma source(%dma_start3A_213 : memref<640xi32, #tpu.memory_space<hbm>>) target(%dma_start3A_211 : memref<640xi32, #tpu.memory_space<vmem>>) target_semaphore(%run_scoped3A_206 : memref<!tpu.dma_semaphore, #tpu.memory_space<semaphore_mem>>)
      %dma_wait3A = arith.constant 3840 : i32
      %dma_wait3A_214 = tpu.memref_slice %arg17[%dma_wait3A] : memref<10240xi32, #tpu.memory_space<vmem>> -> memref<640xi32, #tpu.memory_space<vmem>>
      %dma_wait3A_215 = tpu.memref_slice %arg2[%add3A_55, %run_scoped3A_56, %mul3A_8] : memref<32x1x10240xi32, #tpu.memory_space<hbm>> -> memref<1x1x640xi32, #tpu.memory_space<hbm>>
      %dma_wait3A_216 = tpu.memref_squeeze %dma_wait3A_215 : memref<1x1x640xi32, #tpu.memory_space<hbm>> -> memref<640xi32, #tpu.memory_space<hbm>>
      %dma_wait3A_217 = arith.constant 3840 : i32
      %dma_wait3A_218 = tpu.memref_slice %arg17[%dma_wait3A_217] : memref<10240xi32, #tpu.memory_space<vmem>> -> memref<640xi32, #tpu.memory_space<vmem>>
      %dma_wait3A_219 = tpu.memref_slice %arg2[%add3A_55, %run_scoped3A_56, %mul3A_8] : memref<32x1x10240xi32, #tpu.memory_space<hbm>> -> memref<1x1x640xi32, #tpu.memory_space<hbm>>
      %dma_wait3A_220 = tpu.memref_squeeze %dma_wait3A_219 : memref<1x1x640xi32, #tpu.memory_space<hbm>> -> memref<640xi32, #tpu.memory_space<hbm>>
      tpu.wait_dma2 semaphore(%run_scoped3A_206 : memref<!tpu.dma_semaphore, #tpu.memory_space<semaphore_mem>>) src(%dma_wait3A_220 : memref<640xi32, #tpu.memory_space<hbm>>) dst(%dma_wait3A_218 : memref<640xi32, #tpu.memory_space<vmem>>)
      tpu.yield
    }) : () -> ()
    %run_scoped3A_57 = arith.constant 7 : i32
    %run_scoped3A_58 = arith.constant 0 : i32
    "tpu.region"() ({
      %run_scoped3A_206 = tpu.sem_alloc : memref<!tpu.dma_semaphore, #tpu.memory_space<semaphore_mem>>
      %dma_start3A = arith.constant 4480 : i32
      %dma_start3A_207 = tpu.memref_slice %arg16[%dma_start3A] : memref<10240xi32, #tpu.memory_space<vmem>> -> memref<640xi32, #tpu.memory_space<vmem>>
      %dma_start3A_208 = tpu.memref_slice %arg2[%run_scoped3A_57, %run_scoped3A_58, %mul3A_8] : memref<32x1x10240xi32, #tpu.memory_space<hbm>> -> memref<1x1x640xi32, #tpu.memory_space<hbm>>
      %dma_start3A_209 = tpu.memref_squeeze %dma_start3A_208 : memref<1x1x640xi32, #tpu.memory_space<hbm>> -> memref<640xi32, #tpu.memory_space<hbm>>
      %dma_start3A_210 = arith.constant 4480 : i32
      %dma_start3A_211 = tpu.memref_slice %arg16[%dma_start3A_210] : memref<10240xi32, #tpu.memory_space<vmem>> -> memref<640xi32, #tpu.memory_space<vmem>>
      %dma_start3A_212 = tpu.memref_slice %arg2[%run_scoped3A_57, %run_scoped3A_58, %mul3A_8] : memref<32x1x10240xi32, #tpu.memory_space<hbm>> -> memref<1x1x640xi32, #tpu.memory_space<hbm>>
      %dma_start3A_213 = tpu.memref_squeeze %dma_start3A_212 : memref<1x1x640xi32, #tpu.memory_space<hbm>> -> memref<640xi32, #tpu.memory_space<hbm>>
      tpu.enqueue_dma source(%dma_start3A_213 : memref<640xi32, #tpu.memory_space<hbm>>) target(%dma_start3A_211 : memref<640xi32, #tpu.memory_space<vmem>>) target_semaphore(%run_scoped3A_206 : memref<!tpu.dma_semaphore, #tpu.memory_space<semaphore_mem>>)
      %dma_wait3A = arith.constant 4480 : i32
      %dma_wait3A_214 = tpu.memref_slice %arg16[%dma_wait3A] : memref<10240xi32, #tpu.memory_space<vmem>> -> memref<640xi32, #tpu.memory_space<vmem>>
      %dma_wait3A_215 = tpu.memref_slice %arg2[%run_scoped3A_57, %run_scoped3A_58, %mul3A_8] : memref<32x1x10240xi32, #tpu.memory_space<hbm>> -> memref<1x1x640xi32, #tpu.memory_space<hbm>>
      %dma_wait3A_216 = tpu.memref_squeeze %dma_wait3A_215 : memref<1x1x640xi32, #tpu.memory_space<hbm>> -> memref<640xi32, #tpu.memory_space<hbm>>
      %dma_wait3A_217 = arith.constant 4480 : i32
      %dma_wait3A_218 = tpu.memref_slice %arg16[%dma_wait3A_217] : memref<10240xi32, #tpu.memory_space<vmem>> -> memref<640xi32, #tpu.memory_space<vmem>>
      %dma_wait3A_219 = tpu.memref_slice %arg2[%run_scoped3A_57, %run_scoped3A_58, %mul3A_8] : memref<32x1x10240xi32, #tpu.memory_space<hbm>> -> memref<1x1x640xi32, #tpu.memory_space<hbm>>
      %dma_wait3A_220 = tpu.memref_squeeze %dma_wait3A_219 : memref<1x1x640xi32, #tpu.memory_space<hbm>> -> memref<640xi32, #tpu.memory_space<hbm>>
      tpu.wait_dma2 semaphore(%run_scoped3A_206 : memref<!tpu.dma_semaphore, #tpu.memory_space<semaphore_mem>>) src(%dma_wait3A_220 : memref<640xi32, #tpu.memory_space<hbm>>) dst(%dma_wait3A_218 : memref<640xi32, #tpu.memory_space<vmem>>)
      tpu.yield
    }) : () -> ()
    %mul3A_59 = arith.constant 16 : i32
    %mul3A_60 = arith.muli %arg0, %mul3A_59 : i32
    %add3A_61 = arith.constant 7 : i32
    %add3A_62 = arith.addi %mul3A_60, %add3A_61 : i32
    %run_scoped3A_63 = arith.constant 0 : i32
    "tpu.region"() ({
      %run_scoped3A_206 = tpu.sem_alloc : memref<!tpu.dma_semaphore, #tpu.memory_space<semaphore_mem>>
      %dma_start3A = arith.constant 4480 : i32
      %dma_start3A_207 = tpu.memref_slice %arg17[%dma_start3A] : memref<10240xi32, #tpu.memory_space<vmem>> -> memref<640xi32, #tpu.memory_space<vmem>>
      %dma_start3A_208 = tpu.memref_slice %arg2[%add3A_62, %run_scoped3A_63, %mul3A_8] : memref<32x1x10240xi32, #tpu.memory_space<hbm>> -> memref<1x1x640xi32, #tpu.memory_space<hbm>>
      %dma_start3A_209 = tpu.memref_squeeze %dma_start3A_208 : memref<1x1x640xi32, #tpu.memory_space<hbm>> -> memref<640xi32, #tpu.memory_space<hbm>>
      %dma_start3A_210 = arith.constant 4480 : i32
      %dma_start3A_211 = tpu.memref_slice %arg17[%dma_start3A_210] : memref<10240xi32, #tpu.memory_space<vmem>> -> memref<640xi32, #tpu.memory_space<vmem>>
      %dma_start3A_212 = tpu.memref_slice %arg2[%add3A_62, %run_scoped3A_63, %mul3A_8] : memref<32x1x10240xi32, #tpu.memory_space<hbm>> -> memref<1x1x640xi32, #tpu.memory_space<hbm>>
      %dma_start3A_213 = tpu.memref_squeeze %dma_start3A_212 : memref<1x1x640xi32, #tpu.memory_space<hbm>> -> memref<640xi32, #tpu.memory_space<hbm>>
      tpu.enqueue_dma source(%dma_start3A_213 : memref<640xi32, #tpu.memory_space<hbm>>) target(%dma_start3A_211 : memref<640xi32, #tpu.memory_space<vmem>>) target_semaphore(%run_scoped3A_206 : memref<!tpu.dma_semaphore, #tpu.memory_space<semaphore_mem>>)
      %dma_wait3A = arith.constant 4480 : i32
      %dma_wait3A_214 = tpu.memref_slice %arg17[%dma_wait3A] : memref<10240xi32, #tpu.memory_space<vmem>> -> memref<640xi32, #tpu.memory_space<vmem>>
      %dma_wait3A_215 = tpu.memref_slice %arg2[%add3A_62, %run_scoped3A_63, %mul3A_8] : memref<32x1x10240xi32, #tpu.memory_space<hbm>> -> memref<1x1x640xi32, #tpu.memory_space<hbm>>
      %dma_wait3A_216 = tpu.memref_squeeze %dma_wait3A_215 : memref<1x1x640xi32, #tpu.memory_space<hbm>> -> memref<640xi32, #tpu.memory_space<hbm>>
      %dma_wait3A_217 = arith.constant 4480 : i32
      %dma_wait3A_218 = tpu.memref_slice %arg17[%dma_wait3A_217] : memref<10240xi32, #tpu.memory_space<vmem>> -> memref<640xi32, #tpu.memory_space<vmem>>
      %dma_wait3A_219 = tpu.memref_slice %arg2[%add3A_62, %run_scoped3A_63, %mul3A_8] : memref<32x1x10240xi32, #tpu.memory_space<hbm>> -> memref<1x1x640xi32, #tpu.memory_space<hbm>>
      %dma_wait3A_220 = tpu.memref_squeeze %dma_wait3A_219 : memref<1x1x640xi32, #tpu.memory_space<hbm>> -> memref<640xi32, #tpu.memory_space<hbm>>
      tpu.wait_dma2 semaphore(%run_scoped3A_206 : memref<!tpu.dma_semaphore, #tpu.memory_space<semaphore_mem>>) src(%dma_wait3A_220 : memref<640xi32, #tpu.memory_space<hbm>>) dst(%dma_wait3A_218 : memref<640xi32, #tpu.memory_space<vmem>>)
      tpu.yield
    }) : () -> ()
    %run_scoped3A_64 = arith.constant 8 : i32
    %run_scoped3A_65 = arith.constant 0 : i32
    "tpu.region"() ({
      %run_scoped3A_206 = tpu.sem_alloc : memref<!tpu.dma_semaphore, #tpu.memory_space<semaphore_mem>>
      %dma_start3A = arith.constant 5120 : i32
      %dma_start3A_207 = tpu.memref_slice %arg16[%dma_start3A] : memref<10240xi32, #tpu.memory_space<vmem>> -> memref<640xi32, #tpu.memory_space<vmem>>
      %dma_start3A_208 = tpu.memref_slice %arg2[%run_scoped3A_64, %run_scoped3A_65, %mul3A_8] : memref<32x1x10240xi32, #tpu.memory_space<hbm>> -> memref<1x1x640xi32, #tpu.memory_space<hbm>>
      %dma_start3A_209 = tpu.memref_squeeze %dma_start3A_208 : memref<1x1x640xi32, #tpu.memory_space<hbm>> -> memref<640xi32, #tpu.memory_space<hbm>>
      %dma_start3A_210 = arith.constant 5120 : i32
      %dma_start3A_211 = tpu.memref_slice %arg16[%dma_start3A_210] : memref<10240xi32, #tpu.memory_space<vmem>> -> memref<640xi32, #tpu.memory_space<vmem>>
      %dma_start3A_212 = tpu.memref_slice %arg2[%run_scoped3A_64, %run_scoped3A_65, %mul3A_8] : memref<32x1x10240xi32, #tpu.memory_space<hbm>> -> memref<1x1x640xi32, #tpu.memory_space<hbm>>
      %dma_start3A_213 = tpu.memref_squeeze %dma_start3A_212 : memref<1x1x640xi32, #tpu.memory_space<hbm>> -> memref<640xi32, #tpu.memory_space<hbm>>
      tpu.enqueue_dma source(%dma_start3A_213 : memref<640xi32, #tpu.memory_space<hbm>>) target(%dma_start3A_211 : memref<640xi32, #tpu.memory_space<vmem>>) target_semaphore(%run_scoped3A_206 : memref<!tpu.dma_semaphore, #tpu.memory_space<semaphore_mem>>)
      %dma_wait3A = arith.constant 5120 : i32
      %dma_wait3A_214 = tpu.memref_slice %arg16[%dma_wait3A] : memref<10240xi32, #tpu.memory_space<vmem>> -> memref<640xi32, #tpu.memory_space<vmem>>
      %dma_wait3A_215 = tpu.memref_slice %arg2[%run_scoped3A_64, %run_scoped3A_65, %mul3A_8] : memref<32x1x10240xi32, #tpu.memory_space<hbm>> -> memref<1x1x640xi32, #tpu.memory_space<hbm>>
      %dma_wait3A_216 = tpu.memref_squeeze %dma_wait3A_215 : memref<1x1x640xi32, #tpu.memory_space<hbm>> -> memref<640xi32, #tpu.memory_space<hbm>>
      %dma_wait3A_217 = arith.constant 5120 : i32
      %dma_wait3A_218 = tpu.memref_slice %arg16[%dma_wait3A_217] : memref<10240xi32, #tpu.memory_space<vmem>> -> memref<640xi32, #tpu.memory_space<vmem>>
      %dma_wait3A_219 = tpu.memref_slice %arg2[%run_scoped3A_64, %run_scoped3A_65, %mul3A_8] : memref<32x1x10240xi32, #tpu.memory_space<hbm>> -> memref<1x1x640xi32, #tpu.memory_space<hbm>>
      %dma_wait3A_220 = tpu.memref_squeeze %dma_wait3A_219 : memref<1x1x640xi32, #tpu.memory_space<hbm>> -> memref<640xi32, #tpu.memory_space<hbm>>
      tpu.wait_dma2 semaphore(%run_scoped3A_206 : memref<!tpu.dma_semaphore, #tpu.memory_space<semaphore_mem>>) src(%dma_wait3A_220 : memref<640xi32, #tpu.memory_space<hbm>>) dst(%dma_wait3A_218 : memref<640xi32, #tpu.memory_space<vmem>>)
      tpu.yield
    }) : () -> ()
    %mul3A_66 = arith.constant 16 : i32
    %mul3A_67 = arith.muli %arg0, %mul3A_66 : i32
    %add3A_68 = arith.constant 8 : i32
    %add3A_69 = arith.addi %mul3A_67, %add3A_68 : i32
    %run_scoped3A_70 = arith.constant 0 : i32
    "tpu.region"() ({
      %run_scoped3A_206 = tpu.sem_alloc : memref<!tpu.dma_semaphore, #tpu.memory_space<semaphore_mem>>
      %dma_start3A = arith.constant 5120 : i32
      %dma_start3A_207 = tpu.memref_slice %arg17[%dma_start3A] : memref<10240xi32, #tpu.memory_space<vmem>> -> memref<640xi32, #tpu.memory_space<vmem>>
      %dma_start3A_208 = tpu.memref_slice %arg2[%add3A_69, %run_scoped3A_70, %mul3A_8] : memref<32x1x10240xi32, #tpu.memory_space<hbm>> -> memref<1x1x640xi32, #tpu.memory_space<hbm>>
      %dma_start3A_209 = tpu.memref_squeeze %dma_start3A_208 : memref<1x1x640xi32, #tpu.memory_space<hbm>> -> memref<640xi32, #tpu.memory_space<hbm>>
      %dma_start3A_210 = arith.constant 5120 : i32
      %dma_start3A_211 = tpu.memref_slice %arg17[%dma_start3A_210] : memref<10240xi32, #tpu.memory_space<vmem>> -> memref<640xi32, #tpu.memory_space<vmem>>
      %dma_start3A_212 = tpu.memref_slice %arg2[%add3A_69, %run_scoped3A_70, %mul3A_8] : memref<32x1x10240xi32, #tpu.memory_space<hbm>> -> memref<1x1x640xi32, #tpu.memory_space<hbm>>
      %dma_start3A_213 = tpu.memref_squeeze %dma_start3A_212 : memref<1x1x640xi32, #tpu.memory_space<hbm>> -> memref<640xi32, #tpu.memory_space<hbm>>
      tpu.enqueue_dma source(%dma_start3A_213 : memref<640xi32, #tpu.memory_space<hbm>>) target(%dma_start3A_211 : memref<640xi32, #tpu.memory_space<vmem>>) target_semaphore(%run_scoped3A_206 : memref<!tpu.dma_semaphore, #tpu.memory_space<semaphore_mem>>)
      %dma_wait3A = arith.constant 5120 : i32
      %dma_wait3A_214 = tpu.memref_slice %arg17[%dma_wait3A] : memref<10240xi32, #tpu.memory_space<vmem>> -> memref<640xi32, #tpu.memory_space<vmem>>
      %dma_wait3A_215 = tpu.memref_slice %arg2[%add3A_69, %run_scoped3A_70, %mul3A_8] : memref<32x1x10240xi32, #tpu.memory_space<hbm>> -> memref<1x1x640xi32, #tpu.memory_space<hbm>>
      %dma_wait3A_216 = tpu.memref_squeeze %dma_wait3A_215 : memref<1x1x640xi32, #tpu.memory_space<hbm>> -> memref<640xi32, #tpu.memory_space<hbm>>
      %dma_wait3A_217 = arith.constant 5120 : i32
      %dma_wait3A_218 = tpu.memref_slice %arg17[%dma_wait3A_217] : memref<10240xi32, #tpu.memory_space<vmem>> -> memref<640xi32, #tpu.memory_space<vmem>>
      %dma_wait3A_219 = tpu.memref_slice %arg2[%add3A_69, %run_scoped3A_70, %mul3A_8] : memref<32x1x10240xi32, #tpu.memory_space<hbm>> -> memref<1x1x640xi32, #tpu.memory_space<hbm>>
      %dma_wait3A_220 = tpu.memref_squeeze %dma_wait3A_219 : memref<1x1x640xi32, #tpu.memory_space<hbm>> -> memref<640xi32, #tpu.memory_space<hbm>>
      tpu.wait_dma2 semaphore(%run_scoped3A_206 : memref<!tpu.dma_semaphore, #tpu.memory_space<semaphore_mem>>) src(%dma_wait3A_220 : memref<640xi32, #tpu.memory_space<hbm>>) dst(%dma_wait3A_218 : memref<640xi32, #tpu.memory_space<vmem>>)
      tpu.yield
    }) : () -> ()
    %run_scoped3A_71 = arith.constant 9 : i32
    %run_scoped3A_72 = arith.constant 0 : i32
    "tpu.region"() ({
      %run_scoped3A_206 = tpu.sem_alloc : memref<!tpu.dma_semaphore, #tpu.memory_space<semaphore_mem>>
      %dma_start3A = arith.constant 5760 : i32
      %dma_start3A_207 = tpu.memref_slice %arg16[%dma_start3A] : memref<10240xi32, #tpu.memory_space<vmem>> -> memref<640xi32, #tpu.memory_space<vmem>>
      %dma_start3A_208 = tpu.memref_slice %arg2[%run_scoped3A_71, %run_scoped3A_72, %mul3A_8] : memref<32x1x10240xi32, #tpu.memory_space<hbm>> -> memref<1x1x640xi32, #tpu.memory_space<hbm>>
      %dma_start3A_209 = tpu.memref_squeeze %dma_start3A_208 : memref<1x1x640xi32, #tpu.memory_space<hbm>> -> memref<640xi32, #tpu.memory_space<hbm>>
      %dma_start3A_210 = arith.constant 5760 : i32
      %dma_start3A_211 = tpu.memref_slice %arg16[%dma_start3A_210] : memref<10240xi32, #tpu.memory_space<vmem>> -> memref<640xi32, #tpu.memory_space<vmem>>
      %dma_start3A_212 = tpu.memref_slice %arg2[%run_scoped3A_71, %run_scoped3A_72, %mul3A_8] : memref<32x1x10240xi32, #tpu.memory_space<hbm>> -> memref<1x1x640xi32, #tpu.memory_space<hbm>>
      %dma_start3A_213 = tpu.memref_squeeze %dma_start3A_212 : memref<1x1x640xi32, #tpu.memory_space<hbm>> -> memref<640xi32, #tpu.memory_space<hbm>>
      tpu.enqueue_dma source(%dma_start3A_213 : memref<640xi32, #tpu.memory_space<hbm>>) target(%dma_start3A_211 : memref<640xi32, #tpu.memory_space<vmem>>) target_semaphore(%run_scoped3A_206 : memref<!tpu.dma_semaphore, #tpu.memory_space<semaphore_mem>>)
      %dma_wait3A = arith.constant 5760 : i32
      %dma_wait3A_214 = tpu.memref_slice %arg16[%dma_wait3A] : memref<10240xi32, #tpu.memory_space<vmem>> -> memref<640xi32, #tpu.memory_space<vmem>>
      %dma_wait3A_215 = tpu.memref_slice %arg2[%run_scoped3A_71, %run_scoped3A_72, %mul3A_8] : memref<32x1x10240xi32, #tpu.memory_space<hbm>> -> memref<1x1x640xi32, #tpu.memory_space<hbm>>
      %dma_wait3A_216 = tpu.memref_squeeze %dma_wait3A_215 : memref<1x1x640xi32, #tpu.memory_space<hbm>> -> memref<640xi32, #tpu.memory_space<hbm>>
      %dma_wait3A_217 = arith.constant 5760 : i32
      %dma_wait3A_218 = tpu.memref_slice %arg16[%dma_wait3A_217] : memref<10240xi32, #tpu.memory_space<vmem>> -> memref<640xi32, #tpu.memory_space<vmem>>
      %dma_wait3A_219 = tpu.memref_slice %arg2[%run_scoped3A_71, %run_scoped3A_72, %mul3A_8] : memref<32x1x10240xi32, #tpu.memory_space<hbm>> -> memref<1x1x640xi32, #tpu.memory_space<hbm>>
      %dma_wait3A_220 = tpu.memref_squeeze %dma_wait3A_219 : memref<1x1x640xi32, #tpu.memory_space<hbm>> -> memref<640xi32, #tpu.memory_space<hbm>>
      tpu.wait_dma2 semaphore(%run_scoped3A_206 : memref<!tpu.dma_semaphore, #tpu.memory_space<semaphore_mem>>) src(%dma_wait3A_220 : memref<640xi32, #tpu.memory_space<hbm>>) dst(%dma_wait3A_218 : memref<640xi32, #tpu.memory_space<vmem>>)
      tpu.yield
    }) : () -> ()
    %mul3A_73 = arith.constant 16 : i32
    %mul3A_74 = arith.muli %arg0, %mul3A_73 : i32
    %add3A_75 = arith.constant 9 : i32
    %add3A_76 = arith.addi %mul3A_74, %add3A_75 : i32
    %run_scoped3A_77 = arith.constant 0 : i32
    "tpu.region"() ({
      %run_scoped3A_206 = tpu.sem_alloc : memref<!tpu.dma_semaphore, #tpu.memory_space<semaphore_mem>>
      %dma_start3A = arith.constant 5760 : i32
      %dma_start3A_207 = tpu.memref_slice %arg17[%dma_start3A] : memref<10240xi32, #tpu.memory_space<vmem>> -> memref<640xi32, #tpu.memory_space<vmem>>
      %dma_start3A_208 = tpu.memref_slice %arg2[%add3A_76, %run_scoped3A_77, %mul3A_8] : memref<32x1x10240xi32, #tpu.memory_space<hbm>> -> memref<1x1x640xi32, #tpu.memory_space<hbm>>
      %dma_start3A_209 = tpu.memref_squeeze %dma_start3A_208 : memref<1x1x640xi32, #tpu.memory_space<hbm>> -> memref<640xi32, #tpu.memory_space<hbm>>
      %dma_start3A_210 = arith.constant 5760 : i32
      %dma_start3A_211 = tpu.memref_slice %arg17[%dma_start3A_210] : memref<10240xi32, #tpu.memory_space<vmem>> -> memref<640xi32, #tpu.memory_space<vmem>>
      %dma_start3A_212 = tpu.memref_slice %arg2[%add3A_76, %run_scoped3A_77, %mul3A_8] : memref<32x1x10240xi32, #tpu.memory_space<hbm>> -> memref<1x1x640xi32, #tpu.memory_space<hbm>>
      %dma_start3A_213 = tpu.memref_squeeze %dma_start3A_212 : memref<1x1x640xi32, #tpu.memory_space<hbm>> -> memref<640xi32, #tpu.memory_space<hbm>>
      tpu.enqueue_dma source(%dma_start3A_213 : memref<640xi32, #tpu.memory_space<hbm>>) target(%dma_start3A_211 : memref<640xi32, #tpu.memory_space<vmem>>) target_semaphore(%run_scoped3A_206 : memref<!tpu.dma_semaphore, #tpu.memory_space<semaphore_mem>>)
      %dma_wait3A = arith.constant 5760 : i32
      %dma_wait3A_214 = tpu.memref_slice %arg17[%dma_wait3A] : memref<10240xi32, #tpu.memory_space<vmem>> -> memref<640xi32, #tpu.memory_space<vmem>>
      %dma_wait3A_215 = tpu.memref_slice %arg2[%add3A_76, %run_scoped3A_77, %mul3A_8] : memref<32x1x10240xi32, #tpu.memory_space<hbm>> -> memref<1x1x640xi32, #tpu.memory_space<hbm>>
      %dma_wait3A_216 = tpu.memref_squeeze %dma_wait3A_215 : memref<1x1x640xi32, #tpu.memory_space<hbm>> -> memref<640xi32, #tpu.memory_space<hbm>>
      %dma_wait3A_217 = arith.constant 5760 : i32
      %dma_wait3A_218 = tpu.memref_slice %arg17[%dma_wait3A_217] : memref<10240xi32, #tpu.memory_space<vmem>> -> memref<640xi32, #tpu.memory_space<vmem>>
      %dma_wait3A_219 = tpu.memref_slice %arg2[%add3A_76, %run_scoped3A_77, %mul3A_8] : memref<32x1x10240xi32, #tpu.memory_space<hbm>> -> memref<1x1x640xi32, #tpu.memory_space<hbm>>
      %dma_wait3A_220 = tpu.memref_squeeze %dma_wait3A_219 : memref<1x1x640xi32, #tpu.memory_space<hbm>> -> memref<640xi32, #tpu.memory_space<hbm>>
      tpu.wait_dma2 semaphore(%run_scoped3A_206 : memref<!tpu.dma_semaphore, #tpu.memory_space<semaphore_mem>>) src(%dma_wait3A_220 : memref<640xi32, #tpu.memory_space<hbm>>) dst(%dma_wait3A_218 : memref<640xi32, #tpu.memory_space<vmem>>)
      tpu.yield
    }) : () -> ()
    %run_scoped3A_78 = arith.constant 10 : i32
    %run_scoped3A_79 = arith.constant 0 : i32
    "tpu.region"() ({
      %run_scoped3A_206 = tpu.sem_alloc : memref<!tpu.dma_semaphore, #tpu.memory_space<semaphore_mem>>
      %dma_start3A = arith.constant 6400 : i32
      %dma_start3A_207 = tpu.memref_slice %arg16[%dma_start3A] : memref<10240xi32, #tpu.memory_space<vmem>> -> memref<640xi32, #tpu.memory_space<vmem>>
      %dma_start3A_208 = tpu.memref_slice %arg2[%run_scoped3A_78, %run_scoped3A_79, %mul3A_8] : memref<32x1x10240xi32, #tpu.memory_space<hbm>> -> memref<1x1x640xi32, #tpu.memory_space<hbm>>
      %dma_start3A_209 = tpu.memref_squeeze %dma_start3A_208 : memref<1x1x640xi32, #tpu.memory_space<hbm>> -> memref<640xi32, #tpu.memory_space<hbm>>
      %dma_start3A_210 = arith.constant 6400 : i32
      %dma_start3A_211 = tpu.memref_slice %arg16[%dma_start3A_210] : memref<10240xi32, #tpu.memory_space<vmem>> -> memref<640xi32, #tpu.memory_space<vmem>>
      %dma_start3A_212 = tpu.memref_slice %arg2[%run_scoped3A_78, %run_scoped3A_79, %mul3A_8] : memref<32x1x10240xi32, #tpu.memory_space<hbm>> -> memref<1x1x640xi32, #tpu.memory_space<hbm>>
      %dma_start3A_213 = tpu.memref_squeeze %dma_start3A_212 : memref<1x1x640xi32, #tpu.memory_space<hbm>> -> memref<640xi32, #tpu.memory_space<hbm>>
      tpu.enqueue_dma source(%dma_start3A_213 : memref<640xi32, #tpu.memory_space<hbm>>) target(%dma_start3A_211 : memref<640xi32, #tpu.memory_space<vmem>>) target_semaphore(%run_scoped3A_206 : memref<!tpu.dma_semaphore, #tpu.memory_space<semaphore_mem>>)
      %dma_wait3A = arith.constant 6400 : i32
      %dma_wait3A_214 = tpu.memref_slice %arg16[%dma_wait3A] : memref<10240xi32, #tpu.memory_space<vmem>> -> memref<640xi32, #tpu.memory_space<vmem>>
      %dma_wait3A_215 = tpu.memref_slice %arg2[%run_scoped3A_78, %run_scoped3A_79, %mul3A_8] : memref<32x1x10240xi32, #tpu.memory_space<hbm>> -> memref<1x1x640xi32, #tpu.memory_space<hbm>>
      %dma_wait3A_216 = tpu.memref_squeeze %dma_wait3A_215 : memref<1x1x640xi32, #tpu.memory_space<hbm>> -> memref<640xi32, #tpu.memory_space<hbm>>
      %dma_wait3A_217 = arith.constant 6400 : i32
      %dma_wait3A_218 = tpu.memref_slice %arg16[%dma_wait3A_217] : memref<10240xi32, #tpu.memory_space<vmem>> -> memref<640xi32, #tpu.memory_space<vmem>>
      %dma_wait3A_219 = tpu.memref_slice %arg2[%run_scoped3A_78, %run_scoped3A_79, %mul3A_8] : memref<32x1x10240xi32, #tpu.memory_space<hbm>> -> memref<1x1x640xi32, #tpu.memory_space<hbm>>
      %dma_wait3A_220 = tpu.memref_squeeze %dma_wait3A_219 : memref<1x1x640xi32, #tpu.memory_space<hbm>> -> memref<640xi32, #tpu.memory_space<hbm>>
      tpu.wait_dma2 semaphore(%run_scoped3A_206 : memref<!tpu.dma_semaphore, #tpu.memory_space<semaphore_mem>>) src(%dma_wait3A_220 : memref<640xi32, #tpu.memory_space<hbm>>) dst(%dma_wait3A_218 : memref<640xi32, #tpu.memory_space<vmem>>)
      tpu.yield
    }) : () -> ()
    %mul3A_80 = arith.constant 16 : i32
    %mul3A_81 = arith.muli %arg0, %mul3A_80 : i32
    %add3A_82 = arith.constant 10 : i32
    %add3A_83 = arith.addi %mul3A_81, %add3A_82 : i32
    %run_scoped3A_84 = arith.constant 0 : i32
    "tpu.region"() ({
      %run_scoped3A_206 = tpu.sem_alloc : memref<!tpu.dma_semaphore, #tpu.memory_space<semaphore_mem>>
      %dma_start3A = arith.constant 6400 : i32
      %dma_start3A_207 = tpu.memref_slice %arg17[%dma_start3A] : memref<10240xi32, #tpu.memory_space<vmem>> -> memref<640xi32, #tpu.memory_space<vmem>>
      %dma_start3A_208 = tpu.memref_slice %arg2[%add3A_83, %run_scoped3A_84, %mul3A_8] : memref<32x1x10240xi32, #tpu.memory_space<hbm>> -> memref<1x1x640xi32, #tpu.memory_space<hbm>>
      %dma_start3A_209 = tpu.memref_squeeze %dma_start3A_208 : memref<1x1x640xi32, #tpu.memory_space<hbm>> -> memref<640xi32, #tpu.memory_space<hbm>>
      %dma_start3A_210 = arith.constant 6400 : i32
      %dma_start3A_211 = tpu.memref_slice %arg17[%dma_start3A_210] : memref<10240xi32, #tpu.memory_space<vmem>> -> memref<640xi32, #tpu.memory_space<vmem>>
      %dma_start3A_212 = tpu.memref_slice %arg2[%add3A_83, %run_scoped3A_84, %mul3A_8] : memref<32x1x10240xi32, #tpu.memory_space<hbm>> -> memref<1x1x640xi32, #tpu.memory_space<hbm>>
      %dma_start3A_213 = tpu.memref_squeeze %dma_start3A_212 : memref<1x1x640xi32, #tpu.memory_space<hbm>> -> memref<640xi32, #tpu.memory_space<hbm>>
      tpu.enqueue_dma source(%dma_start3A_213 : memref<640xi32, #tpu.memory_space<hbm>>) target(%dma_start3A_211 : memref<640xi32, #tpu.memory_space<vmem>>) target_semaphore(%run_scoped3A_206 : memref<!tpu.dma_semaphore, #tpu.memory_space<semaphore_mem>>)
      %dma_wait3A = arith.constant 6400 : i32
      %dma_wait3A_214 = tpu.memref_slice %arg17[%dma_wait3A] : memref<10240xi32, #tpu.memory_space<vmem>> -> memref<640xi32, #tpu.memory_space<vmem>>
      %dma_wait3A_215 = tpu.memref_slice %arg2[%add3A_83, %run_scoped3A_84, %mul3A_8] : memref<32x1x10240xi32, #tpu.memory_space<hbm>> -> memref<1x1x640xi32, #tpu.memory_space<hbm>>
      %dma_wait3A_216 = tpu.memref_squeeze %dma_wait3A_215 : memref<1x1x640xi32, #tpu.memory_space<hbm>> -> memref<640xi32, #tpu.memory_space<hbm>>
      %dma_wait3A_217 = arith.constant 6400 : i32
      %dma_wait3A_218 = tpu.memref_slice %arg17[%dma_wait3A_217] : memref<10240xi32, #tpu.memory_space<vmem>> -> memref<640xi32, #tpu.memory_space<vmem>>
      %dma_wait3A_219 = tpu.memref_slice %arg2[%add3A_83, %run_scoped3A_84, %mul3A_8] : memref<32x1x10240xi32, #tpu.memory_space<hbm>> -> memref<1x1x640xi32, #tpu.memory_space<hbm>>
      %dma_wait3A_220 = tpu.memref_squeeze %dma_wait3A_219 : memref<1x1x640xi32, #tpu.memory_space<hbm>> -> memref<640xi32, #tpu.memory_space<hbm>>
      tpu.wait_dma2 semaphore(%run_scoped3A_206 : memref<!tpu.dma_semaphore, #tpu.memory_space<semaphore_mem>>) src(%dma_wait3A_220 : memref<640xi32, #tpu.memory_space<hbm>>) dst(%dma_wait3A_218 : memref<640xi32, #tpu.memory_space<vmem>>)
      tpu.yield
    }) : () -> ()
    %run_scoped3A_85 = arith.constant 11 : i32
    %run_scoped3A_86 = arith.constant 0 : i32
    "tpu.region"() ({
      %run_scoped3A_206 = tpu.sem_alloc : memref<!tpu.dma_semaphore, #tpu.memory_space<semaphore_mem>>
      %dma_start3A = arith.constant 7040 : i32
      %dma_start3A_207 = tpu.memref_slice %arg16[%dma_start3A] : memref<10240xi32, #tpu.memory_space<vmem>> -> memref<640xi32, #tpu.memory_space<vmem>>
      %dma_start3A_208 = tpu.memref_slice %arg2[%run_scoped3A_85, %run_scoped3A_86, %mul3A_8] : memref<32x1x10240xi32, #tpu.memory_space<hbm>> -> memref<1x1x640xi32, #tpu.memory_space<hbm>>
      %dma_start3A_209 = tpu.memref_squeeze %dma_start3A_208 : memref<1x1x640xi32, #tpu.memory_space<hbm>> -> memref<640xi32, #tpu.memory_space<hbm>>
      %dma_start3A_210 = arith.constant 7040 : i32
      %dma_start3A_211 = tpu.memref_slice %arg16[%dma_start3A_210] : memref<10240xi32, #tpu.memory_space<vmem>> -> memref<640xi32, #tpu.memory_space<vmem>>
      %dma_start3A_212 = tpu.memref_slice %arg2[%run_scoped3A_85, %run_scoped3A_86, %mul3A_8] : memref<32x1x10240xi32, #tpu.memory_space<hbm>> -> memref<1x1x640xi32, #tpu.memory_space<hbm>>
      %dma_start3A_213 = tpu.memref_squeeze %dma_start3A_212 : memref<1x1x640xi32, #tpu.memory_space<hbm>> -> memref<640xi32, #tpu.memory_space<hbm>>
      tpu.enqueue_dma source(%dma_start3A_213 : memref<640xi32, #tpu.memory_space<hbm>>) target(%dma_start3A_211 : memref<640xi32, #tpu.memory_space<vmem>>) target_semaphore(%run_scoped3A_206 : memref<!tpu.dma_semaphore, #tpu.memory_space<semaphore_mem>>)
      %dma_wait3A = arith.constant 7040 : i32
      %dma_wait3A_214 = tpu.memref_slice %arg16[%dma_wait3A] : memref<10240xi32, #tpu.memory_space<vmem>> -> memref<640xi32, #tpu.memory_space<vmem>>
      %dma_wait3A_215 = tpu.memref_slice %arg2[%run_scoped3A_85, %run_scoped3A_86, %mul3A_8] : memref<32x1x10240xi32, #tpu.memory_space<hbm>> -> memref<1x1x640xi32, #tpu.memory_space<hbm>>
      %dma_wait3A_216 = tpu.memref_squeeze %dma_wait3A_215 : memref<1x1x640xi32, #tpu.memory_space<hbm>> -> memref<640xi32, #tpu.memory_space<hbm>>
      %dma_wait3A_217 = arith.constant 7040 : i32
      %dma_wait3A_218 = tpu.memref_slice %arg16[%dma_wait3A_217] : memref<10240xi32, #tpu.memory_space<vmem>> -> memref<640xi32, #tpu.memory_space<vmem>>
      %dma_wait3A_219 = tpu.memref_slice %arg2[%run_scoped3A_85, %run_scoped3A_86, %mul3A_8] : memref<32x1x10240xi32, #tpu.memory_space<hbm>> -> memref<1x1x640xi32, #tpu.memory_space<hbm>>
      %dma_wait3A_220 = tpu.memref_squeeze %dma_wait3A_219 : memref<1x1x640xi32, #tpu.memory_space<hbm>> -> memref<640xi32, #tpu.memory_space<hbm>>
      tpu.wait_dma2 semaphore(%run_scoped3A_206 : memref<!tpu.dma_semaphore, #tpu.memory_space<semaphore_mem>>) src(%dma_wait3A_220 : memref<640xi32, #tpu.memory_space<hbm>>) dst(%dma_wait3A_218 : memref<640xi32, #tpu.memory_space<vmem>>)
      tpu.yield
    }) : () -> ()
    %mul3A_87 = arith.constant 16 : i32
    %mul3A_88 = arith.muli %arg0, %mul3A_87 : i32
    %add3A_89 = arith.constant 11 : i32
    %add3A_90 = arith.addi %mul3A_88, %add3A_89 : i32
    %run_scoped3A_91 = arith.constant 0 : i32
    "tpu.region"() ({
      %run_scoped3A_206 = tpu.sem_alloc : memref<!tpu.dma_semaphore, #tpu.memory_space<semaphore_mem>>
      %dma_start3A = arith.constant 7040 : i32
      %dma_start3A_207 = tpu.memref_slice %arg17[%dma_start3A] : memref<10240xi32, #tpu.memory_space<vmem>> -> memref<640xi32, #tpu.memory_space<vmem>>
      %dma_start3A_208 = tpu.memref_slice %arg2[%add3A_90, %run_scoped3A_91, %mul3A_8] : memref<32x1x10240xi32, #tpu.memory_space<hbm>> -> memref<1x1x640xi32, #tpu.memory_space<hbm>>
      %dma_start3A_209 = tpu.memref_squeeze %dma_start3A_208 : memref<1x1x640xi32, #tpu.memory_space<hbm>> -> memref<640xi32, #tpu.memory_space<hbm>>
      %dma_start3A_210 = arith.constant 7040 : i32
      %dma_start3A_211 = tpu.memref_slice %arg17[%dma_start3A_210] : memref<10240xi32, #tpu.memory_space<vmem>> -> memref<640xi32, #tpu.memory_space<vmem>>
      %dma_start3A_212 = tpu.memref_slice %arg2[%add3A_90, %run_scoped3A_91, %mul3A_8] : memref<32x1x10240xi32, #tpu.memory_space<hbm>> -> memref<1x1x640xi32, #tpu.memory_space<hbm>>
      %dma_start3A_213 = tpu.memref_squeeze %dma_start3A_212 : memref<1x1x640xi32, #tpu.memory_space<hbm>> -> memref<640xi32, #tpu.memory_space<hbm>>
      tpu.enqueue_dma source(%dma_start3A_213 : memref<640xi32, #tpu.memory_space<hbm>>) target(%dma_start3A_211 : memref<640xi32, #tpu.memory_space<vmem>>) target_semaphore(%run_scoped3A_206 : memref<!tpu.dma_semaphore, #tpu.memory_space<semaphore_mem>>)
      %dma_wait3A = arith.constant 7040 : i32
      %dma_wait3A_214 = tpu.memref_slice %arg17[%dma_wait3A] : memref<10240xi32, #tpu.memory_space<vmem>> -> memref<640xi32, #tpu.memory_space<vmem>>
      %dma_wait3A_215 = tpu.memref_slice %arg2[%add3A_90, %run_scoped3A_91, %mul3A_8] : memref<32x1x10240xi32, #tpu.memory_space<hbm>> -> memref<1x1x640xi32, #tpu.memory_space<hbm>>
      %dma_wait3A_216 = tpu.memref_squeeze %dma_wait3A_215 : memref<1x1x640xi32, #tpu.memory_space<hbm>> -> memref<640xi32, #tpu.memory_space<hbm>>
      %dma_wait3A_217 = arith.constant 7040 : i32
      %dma_wait3A_218 = tpu.memref_slice %arg17[%dma_wait3A_217] : memref<10240xi32, #tpu.memory_space<vmem>> -> memref<640xi32, #tpu.memory_space<vmem>>
      %dma_wait3A_219 = tpu.memref_slice %arg2[%add3A_90, %run_scoped3A_91, %mul3A_8] : memref<32x1x10240xi32, #tpu.memory_space<hbm>> -> memref<1x1x640xi32, #tpu.memory_space<hbm>>
      %dma_wait3A_220 = tpu.memref_squeeze %dma_wait3A_219 : memref<1x1x640xi32, #tpu.memory_space<hbm>> -> memref<640xi32, #tpu.memory_space<hbm>>
      tpu.wait_dma2 semaphore(%run_scoped3A_206 : memref<!tpu.dma_semaphore, #tpu.memory_space<semaphore_mem>>) src(%dma_wait3A_220 : memref<640xi32, #tpu.memory_space<hbm>>) dst(%dma_wait3A_218 : memref<640xi32, #tpu.memory_space<vmem>>)
      tpu.yield
    }) : () -> ()
    %run_scoped3A_92 = arith.constant 12 : i32
    %run_scoped3A_93 = arith.constant 0 : i32
    "tpu.region"() ({
      %run_scoped3A_206 = tpu.sem_alloc : memref<!tpu.dma_semaphore, #tpu.memory_space<semaphore_mem>>
      %dma_start3A = arith.constant 7680 : i32
      %dma_start3A_207 = tpu.memref_slice %arg16[%dma_start3A] : memref<10240xi32, #tpu.memory_space<vmem>> -> memref<640xi32, #tpu.memory_space<vmem>>
      %dma_start3A_208 = tpu.memref_slice %arg2[%run_scoped3A_92, %run_scoped3A_93, %mul3A_8] : memref<32x1x10240xi32, #tpu.memory_space<hbm>> -> memref<1x1x640xi32, #tpu.memory_space<hbm>>
      %dma_start3A_209 = tpu.memref_squeeze %dma_start3A_208 : memref<1x1x640xi32, #tpu.memory_space<hbm>> -> memref<640xi32, #tpu.memory_space<hbm>>
      %dma_start3A_210 = arith.constant 7680 : i32
      %dma_start3A_211 = tpu.memref_slice %arg16[%dma_start3A_210] : memref<10240xi32, #tpu.memory_space<vmem>> -> memref<640xi32, #tpu.memory_space<vmem>>
      %dma_start3A_212 = tpu.memref_slice %arg2[%run_scoped3A_92, %run_scoped3A_93, %mul3A_8] : memref<32x1x10240xi32, #tpu.memory_space<hbm>> -> memref<1x1x640xi32, #tpu.memory_space<hbm>>
      %dma_start3A_213 = tpu.memref_squeeze %dma_start3A_212 : memref<1x1x640xi32, #tpu.memory_space<hbm>> -> memref<640xi32, #tpu.memory_space<hbm>>
      tpu.enqueue_dma source(%dma_start3A_213 : memref<640xi32, #tpu.memory_space<hbm>>) target(%dma_start3A_211 : memref<640xi32, #tpu.memory_space<vmem>>) target_semaphore(%run_scoped3A_206 : memref<!tpu.dma_semaphore, #tpu.memory_space<semaphore_mem>>)
      %dma_wait3A = arith.constant 7680 : i32
      %dma_wait3A_214 = tpu.memref_slice %arg16[%dma_wait3A] : memref<10240xi32, #tpu.memory_space<vmem>> -> memref<640xi32, #tpu.memory_space<vmem>>
      %dma_wait3A_215 = tpu.memref_slice %arg2[%run_scoped3A_92, %run_scoped3A_93, %mul3A_8] : memref<32x1x10240xi32, #tpu.memory_space<hbm>> -> memref<1x1x640xi32, #tpu.memory_space<hbm>>
      %dma_wait3A_216 = tpu.memref_squeeze %dma_wait3A_215 : memref<1x1x640xi32, #tpu.memory_space<hbm>> -> memref<640xi32, #tpu.memory_space<hbm>>
      %dma_wait3A_217 = arith.constant 7680 : i32
      %dma_wait3A_218 = tpu.memref_slice %arg16[%dma_wait3A_217] : memref<10240xi32, #tpu.memory_space<vmem>> -> memref<640xi32, #tpu.memory_space<vmem>>
      %dma_wait3A_219 = tpu.memref_slice %arg2[%run_scoped3A_92, %run_scoped3A_93, %mul3A_8] : memref<32x1x10240xi32, #tpu.memory_space<hbm>> -> memref<1x1x640xi32, #tpu.memory_space<hbm>>
      %dma_wait3A_220 = tpu.memref_squeeze %dma_wait3A_219 : memref<1x1x640xi32, #tpu.memory_space<hbm>> -> memref<640xi32, #tpu.memory_space<hbm>>
      tpu.wait_dma2 semaphore(%run_scoped3A_206 : memref<!tpu.dma_semaphore, #tpu.memory_space<semaphore_mem>>) src(%dma_wait3A_220 : memref<640xi32, #tpu.memory_space<hbm>>) dst(%dma_wait3A_218 : memref<640xi32, #tpu.memory_space<vmem>>)
      tpu.yield
    }) : () -> ()
    %mul3A_94 = arith.constant 16 : i32
    %mul3A_95 = arith.muli %arg0, %mul3A_94 : i32
    %add3A_96 = arith.constant 12 : i32
    %add3A_97 = arith.addi %mul3A_95, %add3A_96 : i32
    %run_scoped3A_98 = arith.constant 0 : i32
    "tpu.region"() ({
      %run_scoped3A_206 = tpu.sem_alloc : memref<!tpu.dma_semaphore, #tpu.memory_space<semaphore_mem>>
      %dma_start3A = arith.constant 7680 : i32
      %dma_start3A_207 = tpu.memref_slice %arg17[%dma_start3A] : memref<10240xi32, #tpu.memory_space<vmem>> -> memref<640xi32, #tpu.memory_space<vmem>>
      %dma_start3A_208 = tpu.memref_slice %arg2[%add3A_97, %run_scoped3A_98, %mul3A_8] : memref<32x1x10240xi32, #tpu.memory_space<hbm>> -> memref<1x1x640xi32, #tpu.memory_space<hbm>>
      %dma_start3A_209 = tpu.memref_squeeze %dma_start3A_208 : memref<1x1x640xi32, #tpu.memory_space<hbm>> -> memref<640xi32, #tpu.memory_space<hbm>>
      %dma_start3A_210 = arith.constant 7680 : i32
      %dma_start3A_211 = tpu.memref_slice %arg17[%dma_start3A_210] : memref<10240xi32, #tpu.memory_space<vmem>> -> memref<640xi32, #tpu.memory_space<vmem>>
      %dma_start3A_212 = tpu.memref_slice %arg2[%add3A_97, %run_scoped3A_98, %mul3A_8] : memref<32x1x10240xi32, #tpu.memory_space<hbm>> -> memref<1x1x640xi32, #tpu.memory_space<hbm>>
      %dma_start3A_213 = tpu.memref_squeeze %dma_start3A_212 : memref<1x1x640xi32, #tpu.memory_space<hbm>> -> memref<640xi32, #tpu.memory_space<hbm>>
      tpu.enqueue_dma source(%dma_start3A_213 : memref<640xi32, #tpu.memory_space<hbm>>) target(%dma_start3A_211 : memref<640xi32, #tpu.memory_space<vmem>>) target_semaphore(%run_scoped3A_206 : memref<!tpu.dma_semaphore, #tpu.memory_space<semaphore_mem>>)
      %dma_wait3A = arith.constant 7680 : i32
      %dma_wait3A_214 = tpu.memref_slice %arg17[%dma_wait3A] : memref<10240xi32, #tpu.memory_space<vmem>> -> memref<640xi32, #tpu.memory_space<vmem>>
      %dma_wait3A_215 = tpu.memref_slice %arg2[%add3A_97, %run_scoped3A_98, %mul3A_8] : memref<32x1x10240xi32, #tpu.memory_space<hbm>> -> memref<1x1x640xi32, #tpu.memory_space<hbm>>
      %dma_wait3A_216 = tpu.memref_squeeze %dma_wait3A_215 : memref<1x1x640xi32, #tpu.memory_space<hbm>> -> memref<640xi32, #tpu.memory_space<hbm>>
      %dma_wait3A_217 = arith.constant 7680 : i32
      %dma_wait3A_218 = tpu.memref_slice %arg17[%dma_wait3A_217] : memref<10240xi32, #tpu.memory_space<vmem>> -> memref<640xi32, #tpu.memory_space<vmem>>
      %dma_wait3A_219 = tpu.memref_slice %arg2[%add3A_97, %run_scoped3A_98, %mul3A_8] : memref<32x1x10240xi32, #tpu.memory_space<hbm>> -> memref<1x1x640xi32, #tpu.memory_space<hbm>>
      %dma_wait3A_220 = tpu.memref_squeeze %dma_wait3A_219 : memref<1x1x640xi32, #tpu.memory_space<hbm>> -> memref<640xi32, #tpu.memory_space<hbm>>
      tpu.wait_dma2 semaphore(%run_scoped3A_206 : memref<!tpu.dma_semaphore, #tpu.memory_space<semaphore_mem>>) src(%dma_wait3A_220 : memref<640xi32, #tpu.memory_space<hbm>>) dst(%dma_wait3A_218 : memref<640xi32, #tpu.memory_space<vmem>>)
      tpu.yield
    }) : () -> ()
    %run_scoped3A_99 = arith.constant 13 : i32
    %run_scoped3A_100 = arith.constant 0 : i32
    "tpu.region"() ({
      %run_scoped3A_206 = tpu.sem_alloc : memref<!tpu.dma_semaphore, #tpu.memory_space<semaphore_mem>>
      %dma_start3A = arith.constant 8320 : i32
      %dma_start3A_207 = tpu.memref_slice %arg16[%dma_start3A] : memref<10240xi32, #tpu.memory_space<vmem>> -> memref<640xi32, #tpu.memory_space<vmem>>
      %dma_start3A_208 = tpu.memref_slice %arg2[%run_scoped3A_99, %run_scoped3A_100, %mul3A_8] : memref<32x1x10240xi32, #tpu.memory_space<hbm>> -> memref<1x1x640xi32, #tpu.memory_space<hbm>>
      %dma_start3A_209 = tpu.memref_squeeze %dma_start3A_208 : memref<1x1x640xi32, #tpu.memory_space<hbm>> -> memref<640xi32, #tpu.memory_space<hbm>>
      %dma_start3A_210 = arith.constant 8320 : i32
      %dma_start3A_211 = tpu.memref_slice %arg16[%dma_start3A_210] : memref<10240xi32, #tpu.memory_space<vmem>> -> memref<640xi32, #tpu.memory_space<vmem>>
      %dma_start3A_212 = tpu.memref_slice %arg2[%run_scoped3A_99, %run_scoped3A_100, %mul3A_8] : memref<32x1x10240xi32, #tpu.memory_space<hbm>> -> memref<1x1x640xi32, #tpu.memory_space<hbm>>
      %dma_start3A_213 = tpu.memref_squeeze %dma_start3A_212 : memref<1x1x640xi32, #tpu.memory_space<hbm>> -> memref<640xi32, #tpu.memory_space<hbm>>
      tpu.enqueue_dma source(%dma_start3A_213 : memref<640xi32, #tpu.memory_space<hbm>>) target(%dma_start3A_211 : memref<640xi32, #tpu.memory_space<vmem>>) target_semaphore(%run_scoped3A_206 : memref<!tpu.dma_semaphore, #tpu.memory_space<semaphore_mem>>)
      %dma_wait3A = arith.constant 8320 : i32
      %dma_wait3A_214 = tpu.memref_slice %arg16[%dma_wait3A] : memref<10240xi32, #tpu.memory_space<vmem>> -> memref<640xi32, #tpu.memory_space<vmem>>
      %dma_wait3A_215 = tpu.memref_slice %arg2[%run_scoped3A_99, %run_scoped3A_100, %mul3A_8] : memref<32x1x10240xi32, #tpu.memory_space<hbm>> -> memref<1x1x640xi32, #tpu.memory_space<hbm>>
      %dma_wait3A_216 = tpu.memref_squeeze %dma_wait3A_215 : memref<1x1x640xi32, #tpu.memory_space<hbm>> -> memref<640xi32, #tpu.memory_space<hbm>>
      %dma_wait3A_217 = arith.constant 8320 : i32
      %dma_wait3A_218 = tpu.memref_slice %arg16[%dma_wait3A_217] : memref<10240xi32, #tpu.memory_space<vmem>> -> memref<640xi32, #tpu.memory_space<vmem>>
      %dma_wait3A_219 = tpu.memref_slice %arg2[%run_scoped3A_99, %run_scoped3A_100, %mul3A_8] : memref<32x1x10240xi32, #tpu.memory_space<hbm>> -> memref<1x1x640xi32, #tpu.memory_space<hbm>>
      %dma_wait3A_220 = tpu.memref_squeeze %dma_wait3A_219 : memref<1x1x640xi32, #tpu.memory_space<hbm>> -> memref<640xi32, #tpu.memory_space<hbm>>
      tpu.wait_dma2 semaphore(%run_scoped3A_206 : memref<!tpu.dma_semaphore, #tpu.memory_space<semaphore_mem>>) src(%dma_wait3A_220 : memref<640xi32, #tpu.memory_space<hbm>>) dst(%dma_wait3A_218 : memref<640xi32, #tpu.memory_space<vmem>>)
      tpu.yield
    }) : () -> ()
    %mul3A_101 = arith.constant 16 : i32
    %mul3A_102 = arith.muli %arg0, %mul3A_101 : i32
    %add3A_103 = arith.constant 13 : i32
    %add3A_104 = arith.addi %mul3A_102, %add3A_103 : i32
    %run_scoped3A_105 = arith.constant 0 : i32
    "tpu.region"() ({
      %run_scoped3A_206 = tpu.sem_alloc : memref<!tpu.dma_semaphore, #tpu.memory_space<semaphore_mem>>
      %dma_start3A = arith.constant 8320 : i32
      %dma_start3A_207 = tpu.memref_slice %arg17[%dma_start3A] : memref<10240xi32, #tpu.memory_space<vmem>> -> memref<640xi32, #tpu.memory_space<vmem>>
      %dma_start3A_208 = tpu.memref_slice %arg2[%add3A_104, %run_scoped3A_105, %mul3A_8] : memref<32x1x10240xi32, #tpu.memory_space<hbm>> -> memref<1x1x640xi32, #tpu.memory_space<hbm>>
      %dma_start3A_209 = tpu.memref_squeeze %dma_start3A_208 : memref<1x1x640xi32, #tpu.memory_space<hbm>> -> memref<640xi32, #tpu.memory_space<hbm>>
      %dma_start3A_210 = arith.constant 8320 : i32
      %dma_start3A_211 = tpu.memref_slice %arg17[%dma_start3A_210] : memref<10240xi32, #tpu.memory_space<vmem>> -> memref<640xi32, #tpu.memory_space<vmem>>
      %dma_start3A_212 = tpu.memref_slice %arg2[%add3A_104, %run_scoped3A_105, %mul3A_8] : memref<32x1x10240xi32, #tpu.memory_space<hbm>> -> memref<1x1x640xi32, #tpu.memory_space<hbm>>
      %dma_start3A_213 = tpu.memref_squeeze %dma_start3A_212 : memref<1x1x640xi32, #tpu.memory_space<hbm>> -> memref<640xi32, #tpu.memory_space<hbm>>
      tpu.enqueue_dma source(%dma_start3A_213 : memref<640xi32, #tpu.memory_space<hbm>>) target(%dma_start3A_211 : memref<640xi32, #tpu.memory_space<vmem>>) target_semaphore(%run_scoped3A_206 : memref<!tpu.dma_semaphore, #tpu.memory_space<semaphore_mem>>)
      %dma_wait3A = arith.constant 8320 : i32
      %dma_wait3A_214 = tpu.memref_slice %arg17[%dma_wait3A] : memref<10240xi32, #tpu.memory_space<vmem>> -> memref<640xi32, #tpu.memory_space<vmem>>
      %dma_wait3A_215 = tpu.memref_slice %arg2[%add3A_104, %run_scoped3A_105, %mul3A_8] : memref<32x1x10240xi32, #tpu.memory_space<hbm>> -> memref<1x1x640xi32, #tpu.memory_space<hbm>>
      %dma_wait3A_216 = tpu.memref_squeeze %dma_wait3A_215 : memref<1x1x640xi32, #tpu.memory_space<hbm>> -> memref<640xi32, #tpu.memory_space<hbm>>
      %dma_wait3A_217 = arith.constant 8320 : i32
      %dma_wait3A_218 = tpu.memref_slice %arg17[%dma_wait3A_217] : memref<10240xi32, #tpu.memory_space<vmem>> -> memref<640xi32, #tpu.memory_space<vmem>>
      %dma_wait3A_219 = tpu.memref_slice %arg2[%add3A_104, %run_scoped3A_105, %mul3A_8] : memref<32x1x10240xi32, #tpu.memory_space<hbm>> -> memref<1x1x640xi32, #tpu.memory_space<hbm>>
      %dma_wait3A_220 = tpu.memref_squeeze %dma_wait3A_219 : memref<1x1x640xi32, #tpu.memory_space<hbm>> -> memref<640xi32, #tpu.memory_space<hbm>>
      tpu.wait_dma2 semaphore(%run_scoped3A_206 : memref<!tpu.dma_semaphore, #tpu.memory_space<semaphore_mem>>) src(%dma_wait3A_220 : memref<640xi32, #tpu.memory_space<hbm>>) dst(%dma_wait3A_218 : memref<640xi32, #tpu.memory_space<vmem>>)
      tpu.yield
    }) : () -> ()
    %run_scoped3A_106 = arith.constant 14 : i32
    %run_scoped3A_107 = arith.constant 0 : i32
    "tpu.region"() ({
      %run_scoped3A_206 = tpu.sem_alloc : memref<!tpu.dma_semaphore, #tpu.memory_space<semaphore_mem>>
      %dma_start3A = arith.constant 8960 : i32
      %dma_start3A_207 = tpu.memref_slice %arg16[%dma_start3A] : memref<10240xi32, #tpu.memory_space<vmem>> -> memref<640xi32, #tpu.memory_space<vmem>>
      %dma_start3A_208 = tpu.memref_slice %arg2[%run_scoped3A_106, %run_scoped3A_107, %mul3A_8] : memref<32x1x10240xi32, #tpu.memory_space<hbm>> -> memref<1x1x640xi32, #tpu.memory_space<hbm>>
      %dma_start3A_209 = tpu.memref_squeeze %dma_start3A_208 : memref<1x1x640xi32, #tpu.memory_space<hbm>> -> memref<640xi32, #tpu.memory_space<hbm>>
      %dma_start3A_210 = arith.constant 8960 : i32
      %dma_start3A_211 = tpu.memref_slice %arg16[%dma_start3A_210] : memref<10240xi32, #tpu.memory_space<vmem>> -> memref<640xi32, #tpu.memory_space<vmem>>
      %dma_start3A_212 = tpu.memref_slice %arg2[%run_scoped3A_106, %run_scoped3A_107, %mul3A_8] : memref<32x1x10240xi32, #tpu.memory_space<hbm>> -> memref<1x1x640xi32, #tpu.memory_space<hbm>>
      %dma_start3A_213 = tpu.memref_squeeze %dma_start3A_212 : memref<1x1x640xi32, #tpu.memory_space<hbm>> -> memref<640xi32, #tpu.memory_space<hbm>>
      tpu.enqueue_dma source(%dma_start3A_213 : memref<640xi32, #tpu.memory_space<hbm>>) target(%dma_start3A_211 : memref<640xi32, #tpu.memory_space<vmem>>) target_semaphore(%run_scoped3A_206 : memref<!tpu.dma_semaphore, #tpu.memory_space<semaphore_mem>>)
      %dma_wait3A = arith.constant 8960 : i32
      %dma_wait3A_214 = tpu.memref_slice %arg16[%dma_wait3A] : memref<10240xi32, #tpu.memory_space<vmem>> -> memref<640xi32, #tpu.memory_space<vmem>>
      %dma_wait3A_215 = tpu.memref_slice %arg2[%run_scoped3A_106, %run_scoped3A_107, %mul3A_8] : memref<32x1x10240xi32, #tpu.memory_space<hbm>> -> memref<1x1x640xi32, #tpu.memory_space<hbm>>
      %dma_wait3A_216 = tpu.memref_squeeze %dma_wait3A_215 : memref<1x1x640xi32, #tpu.memory_space<hbm>> -> memref<640xi32, #tpu.memory_space<hbm>>
      %dma_wait3A_217 = arith.constant 8960 : i32
      %dma_wait3A_218 = tpu.memref_slice %arg16[%dma_wait3A_217] : memref<10240xi32, #tpu.memory_space<vmem>> -> memref<640xi32, #tpu.memory_space<vmem>>
      %dma_wait3A_219 = tpu.memref_slice %arg2[%run_scoped3A_106, %run_scoped3A_107, %mul3A_8] : memref<32x1x10240xi32, #tpu.memory_space<hbm>> -> memref<1x1x640xi32, #tpu.memory_space<hbm>>
      %dma_wait3A_220 = tpu.memref_squeeze %dma_wait3A_219 : memref<1x1x640xi32, #tpu.memory_space<hbm>> -> memref<640xi32, #tpu.memory_space<hbm>>
      tpu.wait_dma2 semaphore(%run_scoped3A_206 : memref<!tpu.dma_semaphore, #tpu.memory_space<semaphore_mem>>) src(%dma_wait3A_220 : memref<640xi32, #tpu.memory_space<hbm>>) dst(%dma_wait3A_218 : memref<640xi32, #tpu.memory_space<vmem>>)
      tpu.yield
    }) : () -> ()
    %mul3A_108 = arith.constant 16 : i32
    %mul3A_109 = arith.muli %arg0, %mul3A_108 : i32
    %add3A_110 = arith.constant 14 : i32
    %add3A_111 = arith.addi %mul3A_109, %add3A_110 : i32
    %run_scoped3A_112 = arith.constant 0 : i32
    "tpu.region"() ({
      %run_scoped3A_206 = tpu.sem_alloc : memref<!tpu.dma_semaphore, #tpu.memory_space<semaphore_mem>>
      %dma_start3A = arith.constant 8960 : i32
      %dma_start3A_207 = tpu.memref_slice %arg17[%dma_start3A] : memref<10240xi32, #tpu.memory_space<vmem>> -> memref<640xi32, #tpu.memory_space<vmem>>
      %dma_start3A_208 = tpu.memref_slice %arg2[%add3A_111, %run_scoped3A_112, %mul3A_8] : memref<32x1x10240xi32, #tpu.memory_space<hbm>> -> memref<1x1x640xi32, #tpu.memory_space<hbm>>
      %dma_start3A_209 = tpu.memref_squeeze %dma_start3A_208 : memref<1x1x640xi32, #tpu.memory_space<hbm>> -> memref<640xi32, #tpu.memory_space<hbm>>
      %dma_start3A_210 = arith.constant 8960 : i32
      %dma_start3A_211 = tpu.memref_slice %arg17[%dma_start3A_210] : memref<10240xi32, #tpu.memory_space<vmem>> -> memref<640xi32, #tpu.memory_space<vmem>>
      %dma_start3A_212 = tpu.memref_slice %arg2[%add3A_111, %run_scoped3A_112, %mul3A_8] : memref<32x1x10240xi32, #tpu.memory_space<hbm>> -> memref<1x1x640xi32, #tpu.memory_space<hbm>>
      %dma_start3A_213 = tpu.memref_squeeze %dma_start3A_212 : memref<1x1x640xi32, #tpu.memory_space<hbm>> -> memref<640xi32, #tpu.memory_space<hbm>>
      tpu.enqueue_dma source(%dma_start3A_213 : memref<640xi32, #tpu.memory_space<hbm>>) target(%dma_start3A_211 : memref<640xi32, #tpu.memory_space<vmem>>) target_semaphore(%run_scoped3A_206 : memref<!tpu.dma_semaphore, #tpu.memory_space<semaphore_mem>>)
      %dma_wait3A = arith.constant 8960 : i32
      %dma_wait3A_214 = tpu.memref_slice %arg17[%dma_wait3A] : memref<10240xi32, #tpu.memory_space<vmem>> -> memref<640xi32, #tpu.memory_space<vmem>>
      %dma_wait3A_215 = tpu.memref_slice %arg2[%add3A_111, %run_scoped3A_112, %mul3A_8] : memref<32x1x10240xi32, #tpu.memory_space<hbm>> -> memref<1x1x640xi32, #tpu.memory_space<hbm>>
      %dma_wait3A_216 = tpu.memref_squeeze %dma_wait3A_215 : memref<1x1x640xi32, #tpu.memory_space<hbm>> -> memref<640xi32, #tpu.memory_space<hbm>>
      %dma_wait3A_217 = arith.constant 8960 : i32
      %dma_wait3A_218 = tpu.memref_slice %arg17[%dma_wait3A_217] : memref<10240xi32, #tpu.memory_space<vmem>> -> memref<640xi32, #tpu.memory_space<vmem>>
      %dma_wait3A_219 = tpu.memref_slice %arg2[%add3A_111, %run_scoped3A_112, %mul3A_8] : memref<32x1x10240xi32, #tpu.memory_space<hbm>> -> memref<1x1x640xi32, #tpu.memory_space<hbm>>
      %dma_wait3A_220 = tpu.memref_squeeze %dma_wait3A_219 : memref<1x1x640xi32, #tpu.memory_space<hbm>> -> memref<640xi32, #tpu.memory_space<hbm>>
      tpu.wait_dma2 semaphore(%run_scoped3A_206 : memref<!tpu.dma_semaphore, #tpu.memory_space<semaphore_mem>>) src(%dma_wait3A_220 : memref<640xi32, #tpu.memory_space<hbm>>) dst(%dma_wait3A_218 : memref<640xi32, #tpu.memory_space<vmem>>)
      tpu.yield
    }) : () -> ()
    %run_scoped3A_113 = arith.constant 15 : i32
    %run_scoped3A_114 = arith.constant 0 : i32
    "tpu.region"() ({
      %run_scoped3A_206 = tpu.sem_alloc : memref<!tpu.dma_semaphore, #tpu.memory_space<semaphore_mem>>
      %dma_start3A = arith.constant 9600 : i32
      %dma_start3A_207 = tpu.memref_slice %arg16[%dma_start3A] : memref<10240xi32, #tpu.memory_space<vmem>> -> memref<640xi32, #tpu.memory_space<vmem>>
      %dma_start3A_208 = tpu.memref_slice %arg2[%run_scoped3A_113, %run_scoped3A_114, %mul3A_8] : memref<32x1x10240xi32, #tpu.memory_space<hbm>> -> memref<1x1x640xi32, #tpu.memory_space<hbm>>
      %dma_start3A_209 = tpu.memref_squeeze %dma_start3A_208 : memref<1x1x640xi32, #tpu.memory_space<hbm>> -> memref<640xi32, #tpu.memory_space<hbm>>
      %dma_start3A_210 = arith.constant 9600 : i32
      %dma_start3A_211 = tpu.memref_slice %arg16[%dma_start3A_210] : memref<10240xi32, #tpu.memory_space<vmem>> -> memref<640xi32, #tpu.memory_space<vmem>>
      %dma_start3A_212 = tpu.memref_slice %arg2[%run_scoped3A_113, %run_scoped3A_114, %mul3A_8] : memref<32x1x10240xi32, #tpu.memory_space<hbm>> -> memref<1x1x640xi32, #tpu.memory_space<hbm>>
      %dma_start3A_213 = tpu.memref_squeeze %dma_start3A_212 : memref<1x1x640xi32, #tpu.memory_space<hbm>> -> memref<640xi32, #tpu.memory_space<hbm>>
      tpu.enqueue_dma source(%dma_start3A_213 : memref<640xi32, #tpu.memory_space<hbm>>) target(%dma_start3A_211 : memref<640xi32, #tpu.memory_space<vmem>>) target_semaphore(%run_scoped3A_206 : memref<!tpu.dma_semaphore, #tpu.memory_space<semaphore_mem>>)
      %dma_wait3A = arith.constant 9600 : i32
      %dma_wait3A_214 = tpu.memref_slice %arg16[%dma_wait3A] : memref<10240xi32, #tpu.memory_space<vmem>> -> memref<640xi32, #tpu.memory_space<vmem>>
      %dma_wait3A_215 = tpu.memref_slice %arg2[%run_scoped3A_113, %run_scoped3A_114, %mul3A_8] : memref<32x1x10240xi32, #tpu.memory_space<hbm>> -> memref<1x1x640xi32, #tpu.memory_space<hbm>>
      %dma_wait3A_216 = tpu.memref_squeeze %dma_wait3A_215 : memref<1x1x640xi32, #tpu.memory_space<hbm>> -> memref<640xi32, #tpu.memory_space<hbm>>
      %dma_wait3A_217 = arith.constant 9600 : i32
      %dma_wait3A_218 = tpu.memref_slice %arg16[%dma_wait3A_217] : memref<10240xi32, #tpu.memory_space<vmem>> -> memref<640xi32, #tpu.memory_space<vmem>>
      %dma_wait3A_219 = tpu.memref_slice %arg2[%run_scoped3A_113, %run_scoped3A_114, %mul3A_8] : memref<32x1x10240xi32, #tpu.memory_space<hbm>> -> memref<1x1x640xi32, #tpu.memory_space<hbm>>
      %dma_wait3A_220 = tpu.memref_squeeze %dma_wait3A_219 : memref<1x1x640xi32, #tpu.memory_space<hbm>> -> memref<640xi32, #tpu.memory_space<hbm>>
      tpu.wait_dma2 semaphore(%run_scoped3A_206 : memref<!tpu.dma_semaphore, #tpu.memory_space<semaphore_mem>>) src(%dma_wait3A_220 : memref<640xi32, #tpu.memory_space<hbm>>) dst(%dma_wait3A_218 : memref<640xi32, #tpu.memory_space<vmem>>)
      tpu.yield
    }) : () -> ()
    %mul3A_115 = arith.constant 16 : i32
    %mul3A_116 = arith.muli %arg0, %mul3A_115 : i32
    %add3A_117 = arith.constant 15 : i32
    %add3A_118 = arith.addi %mul3A_116, %add3A_117 : i32
    %run_scoped3A_119 = arith.constant 0 : i32
    "tpu.region"() ({
      %run_scoped3A_206 = tpu.sem_alloc : memref<!tpu.dma_semaphore, #tpu.memory_space<semaphore_mem>>
      %dma_start3A = arith.constant 9600 : i32
      %dma_start3A_207 = tpu.memref_slice %arg17[%dma_start3A] : memref<10240xi32, #tpu.memory_space<vmem>> -> memref<640xi32, #tpu.memory_space<vmem>>
      %dma_start3A_208 = tpu.memref_slice %arg2[%add3A_118, %run_scoped3A_119, %mul3A_8] : memref<32x1x10240xi32, #tpu.memory_space<hbm>> -> memref<1x1x640xi32, #tpu.memory_space<hbm>>
      %dma_start3A_209 = tpu.memref_squeeze %dma_start3A_208 : memref<1x1x640xi32, #tpu.memory_space<hbm>> -> memref<640xi32, #tpu.memory_space<hbm>>
      %dma_start3A_210 = arith.constant 9600 : i32
      %dma_start3A_211 = tpu.memref_slice %arg17[%dma_start3A_210] : memref<10240xi32, #tpu.memory_space<vmem>> -> memref<640xi32, #tpu.memory_space<vmem>>
      %dma_start3A_212 = tpu.memref_slice %arg2[%add3A_118, %run_scoped3A_119, %mul3A_8] : memref<32x1x10240xi32, #tpu.memory_space<hbm>> -> memref<1x1x640xi32, #tpu.memory_space<hbm>>
      %dma_start3A_213 = tpu.memref_squeeze %dma_start3A_212 : memref<1x1x640xi32, #tpu.memory_space<hbm>> -> memref<640xi32, #tpu.memory_space<hbm>>
      tpu.enqueue_dma source(%dma_start3A_213 : memref<640xi32, #tpu.memory_space<hbm>>) target(%dma_start3A_211 : memref<640xi32, #tpu.memory_space<vmem>>) target_semaphore(%run_scoped3A_206 : memref<!tpu.dma_semaphore, #tpu.memory_space<semaphore_mem>>)
      %dma_wait3A = arith.constant 9600 : i32
      %dma_wait3A_214 = tpu.memref_slice %arg17[%dma_wait3A] : memref<10240xi32, #tpu.memory_space<vmem>> -> memref<640xi32, #tpu.memory_space<vmem>>
      %dma_wait3A_215 = tpu.memref_slice %arg2[%add3A_118, %run_scoped3A_119, %mul3A_8] : memref<32x1x10240xi32, #tpu.memory_space<hbm>> -> memref<1x1x640xi32, #tpu.memory_space<hbm>>
      %dma_wait3A_216 = tpu.memref_squeeze %dma_wait3A_215 : memref<1x1x640xi32, #tpu.memory_space<hbm>> -> memref<640xi32, #tpu.memory_space<hbm>>
      %dma_wait3A_217 = arith.constant 9600 : i32
      %dma_wait3A_218 = tpu.memref_slice %arg17[%dma_wait3A_217] : memref<10240xi32, #tpu.memory_space<vmem>> -> memref<640xi32, #tpu.memory_space<vmem>>
      %dma_wait3A_219 = tpu.memref_slice %arg2[%add3A_118, %run_scoped3A_119, %mul3A_8] : memref<32x1x10240xi32, #tpu.memory_space<hbm>> -> memref<1x1x640xi32, #tpu.memory_space<hbm>>
      %dma_wait3A_220 = tpu.memref_squeeze %dma_wait3A_219 : memref<1x1x640xi32, #tpu.memory_space<hbm>> -> memref<640xi32, #tpu.memory_space<hbm>>
      tpu.wait_dma2 semaphore(%run_scoped3A_206 : memref<!tpu.dma_semaphore, #tpu.memory_space<semaphore_mem>>) src(%dma_wait3A_220 : memref<640xi32, #tpu.memory_space<hbm>>) dst(%dma_wait3A_218 : memref<640xi32, #tpu.memory_space<vmem>>)
      tpu.yield
    }) : () -> ()
    %broadcast_in_dim3A = arith.constant 0 : i32
    %broadcast_in_dim3A_120 = vector.broadcast %broadcast_in_dim3A : i32 to vector<16xi32>
    %add3A_121 = vector.broadcast %arg0 : i32 to vector<16xi32>
    %add3A_122 = arith.addi %broadcast_in_dim3A_120, %add3A_121 : vector<16xi32>
    %scan3A = arith.constant 0 : i32
    %scan3A_123 = arith.constant 0 : i32
    %scan3A_124 = arith.constant 40 : i32
    %scan3A_125 = arith.addi %scan3A_123, %scan3A_124 : i32
    %scan3A_126 = arith.constant 1 : i32
    scf.for %scan3A_206 = %scan3A_123 to %scan3A_125 step %scan3A_126  : i32 {
      %mul3A_207 = arith.constant 16 : i32
      %mul3A_208 = arith.muli %scan3A_206, %mul3A_207 : i32
      %get3A = arith.index_cast %mul3A_208 : i32 to index
      %get3A_209 = tpu.vector_load %arg16[%get3A] {strides = array<i32>} : memref<10240xi32, #tpu.memory_space<vmem>>, vector<16xi32>,
      %add3A_210 = arith.constant 640 : i32
      %add3A_211 = arith.addi %add3A_210, %mul3A_208 : i32
      %get3A_212 = arith.index_cast %add3A_211 : i32 to index
      %get3A_213 = tpu.vector_load %arg16[%get3A_212] {strides = array<i32>} : memref<10240xi32, #tpu.memory_space<vmem>>, vector<16xi32>,
      %add3A_214 = arith.addi %get3A_209, %get3A_213 : vector<16xi32>
      %add3A_215 = arith.constant 1280 : i32
      %add3A_216 = arith.addi %add3A_215, %mul3A_208 : i32
      %get3A_217 = arith.index_cast %add3A_216 : i32 to index
      %get3A_218 = tpu.vector_load %arg16[%get3A_217] {strides = array<i32>} : memref<10240xi32, #tpu.memory_space<vmem>>, vector<16xi32>,
      %add3A_219 = arith.addi %add3A_214, %get3A_218 : vector<16xi32>
      %add3A_220 = arith.constant 1920 : i32
      %add3A_221 = arith.addi %add3A_220, %mul3A_208 : i32
      %get3A_222 = arith.index_cast %add3A_221 : i32 to index
      %get3A_223 = tpu.vector_load %arg16[%get3A_222] {strides = array<i32>} : memref<10240xi32, #tpu.memory_space<vmem>>, vector<16xi32>,
      %add3A_224 = arith.addi %add3A_219, %get3A_223 : vector<16xi32>
      %add3A_225 = arith.constant 2560 : i32
      %add3A_226 = arith.addi %add3A_225, %mul3A_208 : i32
      %get3A_227 = arith.index_cast %add3A_226 : i32 to index
      %get3A_228 = tpu.vector_load %arg16[%get3A_227] {strides = array<i32>} : memref<10240xi32, #tpu.memory_space<vmem>>, vector<16xi32>,
      %add3A_229 = arith.addi %add3A_224, %get3A_228 : vector<16xi32>
      %add3A_230 = arith.constant 3200 : i32
      %add3A_231 = arith.addi %add3A_230, %mul3A_208 : i32
      %get3A_232 = arith.index_cast %add3A_231 : i32 to index
      %get3A_233 = tpu.vector_load %arg16[%get3A_232] {strides = array<i32>} : memref<10240xi32, #tpu.memory_space<vmem>>, vector<16xi32>,
      %add3A_234 = arith.addi %add3A_229, %get3A_233 : vector<16xi32>
      %add3A_235 = arith.constant 3840 : i32
      %add3A_236 = arith.addi %add3A_235, %mul3A_208 : i32
      %get3A_237 = arith.index_cast %add3A_236 : i32 to index
      %get3A_238 = tpu.vector_load %arg16[%get3A_237] {strides = array<i32>} : memref<10240xi32, #tpu.memory_space<vmem>>, vector<16xi32>,
      %add3A_239 = arith.addi %add3A_234, %get3A_238 : vector<16xi32>
      %add3A_240 = arith.constant 4480 : i32
      %add3A_241 = arith.addi %add3A_240, %mul3A_208 : i32
      %get3A_242 = arith.index_cast %add3A_241 : i32 to index
      %get3A_243 = tpu.vector_load %arg16[%get3A_242] {strides = array<i32>} : memref<10240xi32, #tpu.memory_space<vmem>>, vector<16xi32>,
      %add3A_244 = arith.addi %add3A_239, %get3A_243 : vector<16xi32>
      %add3A_245 = arith.constant 5120 : i32
      %add3A_246 = arith.addi %add3A_245, %mul3A_208 : i32
      %get3A_247 = arith.index_cast %add3A_246 : i32 to index
      %get3A_248 = tpu.vector_load %arg16[%get3A_247] {strides = array<i32>} : memref<10240xi32, #tpu.memory_space<vmem>>, vector<16xi32>,
      %add3A_249 = arith.addi %add3A_244, %get3A_248 : vector<16xi32>
      %add3A_250 = arith.constant 5760 : i32
      %add3A_251 = arith.addi %add3A_250, %mul3A_208 : i32
      %get3A_252 = arith.index_cast %add3A_251 : i32 to index
      %get3A_253 = tpu.vector_load %arg16[%get3A_252] {strides = array<i32>} : memref<10240xi32, #tpu.memory_space<vmem>>, vector<16xi32>,
      %add3A_254 = arith.addi %add3A_249, %get3A_253 : vector<16xi32>
      %add3A_255 = arith.constant 6400 : i32
      %add3A_256 = arith.addi %add3A_255, %mul3A_208 : i32
      %get3A_257 = arith.index_cast %add3A_256 : i32 to index
      %get3A_258 = tpu.vector_load %arg16[%get3A_257] {strides = array<i32>} : memref<10240xi32, #tpu.memory_space<vmem>>, vector<16xi32>,
      %add3A_259 = arith.addi %add3A_254, %get3A_258 : vector<16xi32>
      %add3A_260 = arith.constant 7040 : i32
      %add3A_261 = arith.addi %add3A_260, %mul3A_208 : i32
      %get3A_262 = arith.index_cast %add3A_261 : i32 to index
      %get3A_263 = tpu.vector_load %arg16[%get3A_262] {strides = array<i32>} : memref<10240xi32, #tpu.memory_space<vmem>>, vector<16xi32>,
      %add3A_264 = arith.addi %add3A_259, %get3A_263 : vector<16xi32>
      %add3A_265 = arith.constant 7680 : i32
      %add3A_266 = arith.addi %add3A_265, %mul3A_208 : i32
      %get3A_267 = arith.index_cast %add3A_266 : i32 to index
      %get3A_268 = tpu.vector_load %arg16[%get3A_267] {strides = array<i32>} : memref<10240xi32, #tpu.memory_space<vmem>>, vector<16xi32>,
      %add3A_269 = arith.addi %add3A_264, %get3A_268 : vector<16xi32>
      %add3A_270 = arith.constant 8320 : i32
      %add3A_271 = arith.addi %add3A_270, %mul3A_208 : i32
      %get3A_272 = arith.index_cast %add3A_271 : i32 to index
      %get3A_273 = tpu.vector_load %arg16[%get3A_272] {strides = array<i32>} : memref<10240xi32, #tpu.memory_space<vmem>>, vector<16xi32>,
      %add3A_274 = arith.addi %add3A_269, %get3A_273 : vector<16xi32>
      %add3A_275 = arith.constant 8960 : i32
      %add3A_276 = arith.addi %add3A_275, %mul3A_208 : i32
      %get3A_277 = arith.index_cast %add3A_276 : i32 to index
      %get3A_278 = tpu.vector_load %arg16[%get3A_277] {strides = array<i32>} : memref<10240xi32, #tpu.memory_space<vmem>>, vector<16xi32>,
      %add3A_279 = arith.addi %add3A_274, %get3A_278 : vector<16xi32>
      %add3A_280 = arith.constant 9600 : i32
      %add3A_281 = arith.addi %add3A_280, %mul3A_208 : i32
      %get3A_282 = arith.index_cast %add3A_281 : i32 to index
      %get3A_283 = tpu.vector_load %arg16[%get3A_282] {strides = array<i32>} : memref<10240xi32, #tpu.memory_space<vmem>>, vector<16xi32>,
      %add3A_284 = arith.addi %add3A_279, %get3A_283 : vector<16xi32>
      %mul3A_285 = arith.muli %add3A_284, %add3A_122 : vector<16xi32>
      %add3A_286 = arith.constant 0 : i32
      %add3A_287 = arith.addi %add3A_286, %mul3A_208 : i32
      %swap3A = arith.index_cast %add3A_287 : i32 to index
      %swap3A_288 = tpu.vector_load %arg18[%swap3A] {strides = array<i32>} : memref<10240xi32, #tpu.memory_space<vmem>>, vector<16xi32>,
      tpu.vector_store %arg18[%swap3A], %mul3A_285 {strides = array<i32>} : memref<10240xi32, #tpu.memory_space<vmem>>, vector<16xi32>,
      %add3A_289 = arith.constant 0 : i32
      %add3A_290 = arith.addi %add3A_289, %mul3A_208 : i32
      %get3A_291 = arith.index_cast %add3A_290 : i32 to index
      %get3A_292 = tpu.vector_load %arg17[%get3A_291] {strides = array<i32>} : memref<10240xi32, #tpu.memory_space<vmem>>, vector<16xi32>,
      %add3A_293 = arith.addi %mul3A_285, %get3A_292 : vector<16xi32>
      %add3A_294 = arith.constant 640 : i32
      %add3A_295 = arith.addi %add3A_294, %mul3A_208 : i32
      %swap3A_296 = arith.index_cast %add3A_295 : i32 to index
      %swap3A_297 = tpu.vector_load %arg18[%swap3A_296] {strides = array<i32>} : memref<10240xi32, #tpu.memory_space<vmem>>, vector<16xi32>,
      tpu.vector_store %arg18[%swap3A_296], %add3A_293 {strides = array<i32>} : memref<10240xi32, #tpu.memory_space<vmem>>, vector<16xi32>,
      %add3A_298 = arith.constant 640 : i32
      %add3A_299 = arith.addi %add3A_298, %mul3A_208 : i32
      %get3A_300 = arith.index_cast %add3A_299 : i32 to index
      %get3A_301 = tpu.vector_load %arg17[%get3A_300] {strides = array<i32>} : memref<10240xi32, #tpu.memory_space<vmem>>, vector<16xi32>,
      %add3A_302 = arith.addi %add3A_293, %get3A_301 : vector<16xi32>
      %add3A_303 = arith.constant 1280 : i32
      %add3A_304 = arith.addi %add3A_303, %mul3A_208 : i32
      %swap3A_305 = arith.index_cast %add3A_304 : i32 to index
      %swap3A_306 = tpu.vector_load %arg18[%swap3A_305] {strides = array<i32>} : memref<10240xi32, #tpu.memory_space<vmem>>, vector<16xi32>,
      tpu.vector_store %arg18[%swap3A_305], %add3A_302 {strides = array<i32>} : memref<10240xi32, #tpu.memory_space<vmem>>, vector<16xi32>,
      %add3A_307 = arith.constant 1280 : i32
      %add3A_308 = arith.addi %add3A_307, %mul3A_208 : i32
      %get3A_309 = arith.index_cast %add3A_308 : i32 to index
      %get3A_310 = tpu.vector_load %arg17[%get3A_309] {strides = array<i32>} : memref<10240xi32, #tpu.memory_space<vmem>>, vector<16xi32>,
      %add3A_311 = arith.addi %add3A_302, %get3A_310 : vector<16xi32>
      %add3A_312 = arith.constant 1920 : i32
      %add3A_313 = arith.addi %add3A_312, %mul3A_208 : i32
      %swap3A_314 = arith.index_cast %add3A_313 : i32 to index
      %swap3A_315 = tpu.vector_load %arg18[%swap3A_314] {strides = array<i32>} : memref<10240xi32, #tpu.memory_space<vmem>>, vector<16xi32>,
      tpu.vector_store %arg18[%swap3A_314], %add3A_311 {strides = array<i32>} : memref<10240xi32, #tpu.memory_space<vmem>>, vector<16xi32>,
      %add3A_316 = arith.constant 1920 : i32
      %add3A_317 = arith.addi %add3A_316, %mul3A_208 : i32
      %get3A_318 = arith.index_cast %add3A_317 : i32 to index
      %get3A_319 = tpu.vector_load %arg17[%get3A_318] {strides = array<i32>} : memref<10240xi32, #tpu.memory_space<vmem>>, vector<16xi32>,
      %add3A_320 = arith.addi %add3A_311, %get3A_319 : vector<16xi32>
      %add3A_321 = arith.constant 2560 : i32
      %add3A_322 = arith.addi %add3A_321, %mul3A_208 : i32
      %swap3A_323 = arith.index_cast %add3A_322 : i32 to index
      %swap3A_324 = tpu.vector_load %arg18[%swap3A_323] {strides = array<i32>} : memref<10240xi32, #tpu.memory_space<vmem>>, vector<16xi32>,
      tpu.vector_store %arg18[%swap3A_323], %add3A_320 {strides = array<i32>} : memref<10240xi32, #tpu.memory_space<vmem>>, vector<16xi32>,
      %add3A_325 = arith.constant 2560 : i32
      %add3A_326 = arith.addi %add3A_325, %mul3A_208 : i32
      %get3A_327 = arith.index_cast %add3A_326 : i32 to index
      %get3A_328 = tpu.vector_load %arg17[%get3A_327] {strides = array<i32>} : memref<10240xi32, #tpu.memory_space<vmem>>, vector<16xi32>,
      %add3A_329 = arith.addi %add3A_320, %get3A_328 : vector<16xi32>
      %add3A_330 = arith.constant 3200 : i32
      %add3A_331 = arith.addi %add3A_330, %mul3A_208 : i32
      %swap3A_332 = arith.index_cast %add3A_331 : i32 to index
      %swap3A_333 = tpu.vector_load %arg18[%swap3A_332] {strides = array<i32>} : memref<10240xi32, #tpu.memory_space<vmem>>, vector<16xi32>,
      tpu.vector_store %arg18[%swap3A_332], %add3A_329 {strides = array<i32>} : memref<10240xi32, #tpu.memory_space<vmem>>, vector<16xi32>,
      %add3A_334 = arith.constant 3200 : i32
      %add3A_335 = arith.addi %add3A_334, %mul3A_208 : i32
      %get3A_336 = arith.index_cast %add3A_335 : i32 to index
      %get3A_337 = tpu.vector_load %arg17[%get3A_336] {strides = array<i32>} : memref<10240xi32, #tpu.memory_space<vmem>>, vector<16xi32>,
      %add3A_338 = arith.addi %add3A_329, %get3A_337 : vector<16xi32>
      %add3A_339 = arith.constant 3840 : i32
      %add3A_340 = arith.addi %add3A_339, %mul3A_208 : i32
      %swap3A_341 = arith.index_cast %add3A_340 : i32 to index
      %swap3A_342 = tpu.vector_load %arg18[%swap3A_341] {strides = array<i32>} : memref<10240xi32, #tpu.memory_space<vmem>>, vector<16xi32>,
      tpu.vector_store %arg18[%swap3A_341], %add3A_338 {strides = array<i32>} : memref<10240xi32, #tpu.memory_space<vmem>>, vector<16xi32>,
      %add3A_343 = arith.constant 3840 : i32
      %add3A_344 = arith.addi %add3A_343, %mul3A_208 : i32
      %get3A_345 = arith.index_cast %add3A_344 : i32 to index
      %get3A_346 = tpu.vector_load %arg17[%get3A_345] {strides = array<i32>} : memref<10240xi32, #tpu.memory_space<vmem>>, vector<16xi32>,
      %add3A_347 = arith.addi %add3A_338, %get3A_346 : vector<16xi32>
      %add3A_348 = arith.constant 4480 : i32
      %add3A_349 = arith.addi %add3A_348, %mul3A_208 : i32
      %swap3A_350 = arith.index_cast %add3A_349 : i32 to index
      %swap3A_351 = tpu.vector_load %arg18[%swap3A_350] {strides = array<i32>} : memref<10240xi32, #tpu.memory_space<vmem>>, vector<16xi32>,
      tpu.vector_store %arg18[%swap3A_350], %add3A_347 {strides = array<i32>} : memref<10240xi32, #tpu.memory_space<vmem>>, vector<16xi32>,
      %add3A_352 = arith.constant 4480 : i32
      %add3A_353 = arith.addi %add3A_352, %mul3A_208 : i32
      %get3A_354 = arith.index_cast %add3A_353 : i32 to index
      %get3A_355 = tpu.vector_load %arg17[%get3A_354] {strides = array<i32>} : memref<10240xi32, #tpu.memory_space<vmem>>, vector<16xi32>,
      %add3A_356 = arith.addi %add3A_347, %get3A_355 : vector<16xi32>
      %add3A_357 = arith.constant 5120 : i32
      %add3A_358 = arith.addi %add3A_357, %mul3A_208 : i32
      %swap3A_359 = arith.index_cast %add3A_358 : i32 to index
      %swap3A_360 = tpu.vector_load %arg18[%swap3A_359] {strides = array<i32>} : memref<10240xi32, #tpu.memory_space<vmem>>, vector<16xi32>,
      tpu.vector_store %arg18[%swap3A_359], %add3A_356 {strides = array<i32>} : memref<10240xi32, #tpu.memory_space<vmem>>, vector<16xi32>,
      %add3A_361 = arith.constant 5120 : i32
      %add3A_362 = arith.addi %add3A_361, %mul3A_208 : i32
      %get3A_363 = arith.index_cast %add3A_362 : i32 to index
      %get3A_364 = tpu.vector_load %arg17[%get3A_363] {strides = array<i32>} : memref<10240xi32, #tpu.memory_space<vmem>>, vector<16xi32>,
      %add3A_365 = arith.addi %add3A_356, %get3A_364 : vector<16xi32>
      %add3A_366 = arith.constant 5760 : i32
      %add3A_367 = arith.addi %add3A_366, %mul3A_208 : i32
      %swap3A_368 = arith.index_cast %add3A_367 : i32 to index
      %swap3A_369 = tpu.vector_load %arg18[%swap3A_368] {strides = array<i32>} : memref<10240xi32, #tpu.memory_space<vmem>>, vector<16xi32>,
      tpu.vector_store %arg18[%swap3A_368], %add3A_365 {strides = array<i32>} : memref<10240xi32, #tpu.memory_space<vmem>>, vector<16xi32>,
      %add3A_370 = arith.constant 5760 : i32
      %add3A_371 = arith.addi %add3A_370, %mul3A_208 : i32
      %get3A_372 = arith.index_cast %add3A_371 : i32 to index
      %get3A_373 = tpu.vector_load %arg17[%get3A_372] {strides = array<i32>} : memref<10240xi32, #tpu.memory_space<vmem>>, vector<16xi32>,
      %add3A_374 = arith.addi %add3A_365, %get3A_373 : vector<16xi32>
      %add3A_375 = arith.constant 6400 : i32
      %add3A_376 = arith.addi %add3A_375, %mul3A_208 : i32
      %swap3A_377 = arith.index_cast %add3A_376 : i32 to index
      %swap3A_378 = tpu.vector_load %arg18[%swap3A_377] {strides = array<i32>} : memref<10240xi32, #tpu.memory_space<vmem>>, vector<16xi32>,
      tpu.vector_store %arg18[%swap3A_377], %add3A_374 {strides = array<i32>} : memref<10240xi32, #tpu.memory_space<vmem>>, vector<16xi32>,
      %add3A_379 = arith.constant 6400 : i32
      %add3A_380 = arith.addi %add3A_379, %mul3A_208 : i32
      %get3A_381 = arith.index_cast %add3A_380 : i32 to index
      %get3A_382 = tpu.vector_load %arg17[%get3A_381] {strides = array<i32>} : memref<10240xi32, #tpu.memory_space<vmem>>, vector<16xi32>,
      %add3A_383 = arith.addi %add3A_374, %get3A_382 : vector<16xi32>
      %add3A_384 = arith.constant 7040 : i32
      %add3A_385 = arith.addi %add3A_384, %mul3A_208 : i32
      %swap3A_386 = arith.index_cast %add3A_385 : i32 to index
      %swap3A_387 = tpu.vector_load %arg18[%swap3A_386] {strides = array<i32>} : memref<10240xi32, #tpu.memory_space<vmem>>, vector<16xi32>,
      tpu.vector_store %arg18[%swap3A_386], %add3A_383 {strides = array<i32>} : memref<10240xi32, #tpu.memory_space<vmem>>, vector<16xi32>,
      %add3A_388 = arith.constant 7040 : i32
      %add3A_389 = arith.addi %add3A_388, %mul3A_208 : i32
      %get3A_390 = arith.index_cast %add3A_389 : i32 to index
      %get3A_391 = tpu.vector_load %arg17[%get3A_390] {strides = array<i32>} : memref<10240xi32, #tpu.memory_space<vmem>>, vector<16xi32>,
      %add3A_392 = arith.addi %add3A_383, %get3A_391 : vector<16xi32>
      %add3A_393 = arith.constant 7680 : i32
      %add3A_394 = arith.addi %add3A_393, %mul3A_208 : i32
      %swap3A_395 = arith.index_cast %add3A_394 : i32 to index
      %swap3A_396 = tpu.vector_load %arg18[%swap3A_395] {strides = array<i32>} : memref<10240xi32, #tpu.memory_space<vmem>>, vector<16xi32>,
      tpu.vector_store %arg18[%swap3A_395], %add3A_392 {strides = array<i32>} : memref<10240xi32, #tpu.memory_space<vmem>>, vector<16xi32>,
      %add3A_397 = arith.constant 7680 : i32
      %add3A_398 = arith.addi %add3A_397, %mul3A_208 : i32
      %get3A_399 = arith.index_cast %add3A_398 : i32 to index
      %get3A_400 = tpu.vector_load %arg17[%get3A_399] {strides = array<i32>} : memref<10240xi32, #tpu.memory_space<vmem>>, vector<16xi32>,
      %add3A_401 = arith.addi %add3A_392, %get3A_400 : vector<16xi32>
      %add3A_402 = arith.constant 8320 : i32
      %add3A_403 = arith.addi %add3A_402, %mul3A_208 : i32
      %swap3A_404 = arith.index_cast %add3A_403 : i32 to index
      %swap3A_405 = tpu.vector_load %arg18[%swap3A_404] {strides = array<i32>} : memref<10240xi32, #tpu.memory_space<vmem>>, vector<16xi32>,
      tpu.vector_store %arg18[%swap3A_404], %add3A_401 {strides = array<i32>} : memref<10240xi32, #tpu.memory_space<vmem>>, vector<16xi32>,
      %add3A_406 = arith.constant 8320 : i32
      %add3A_407 = arith.addi %add3A_406, %mul3A_208 : i32
      %get3A_408 = arith.index_cast %add3A_407 : i32 to index
      %get3A_409 = tpu.vector_load %arg17[%get3A_408] {strides = array<i32>} : memref<10240xi32, #tpu.memory_space<vmem>>, vector<16xi32>,
      %add3A_410 = arith.addi %add3A_401, %get3A_409 : vector<16xi32>
      %add3A_411 = arith.constant 8960 : i32
      %add3A_412 = arith.addi %add3A_411, %mul3A_208 : i32
      %swap3A_413 = arith.index_cast %add3A_412 : i32 to index
      %swap3A_414 = tpu.vector_load %arg18[%swap3A_413] {strides = array<i32>} : memref<10240xi32, #tpu.memory_space<vmem>>, vector<16xi32>,
      tpu.vector_store %arg18[%swap3A_413], %add3A_410 {strides = array<i32>} : memref<10240xi32, #tpu.memory_space<vmem>>, vector<16xi32>,
      %add3A_415 = arith.constant 8960 : i32
      %add3A_416 = arith.addi %add3A_415, %mul3A_208 : i32
      %get3A_417 = arith.index_cast %add3A_416 : i32 to index
      %get3A_418 = tpu.vector_load %arg17[%get3A_417] {strides = array<i32>} : memref<10240xi32, #tpu.memory_space<vmem>>, vector<16xi32>,
      %add3A_419 = arith.addi %add3A_410, %get3A_418 : vector<16xi32>
      %add3A_420 = arith.constant 9600 : i32
      %add3A_421 = arith.addi %add3A_420, %mul3A_208 : i32
      %swap3A_422 = arith.index_cast %add3A_421 : i32 to index
      %swap3A_423 = tpu.vector_load %arg18[%swap3A_422] {strides = array<i32>} : memref<10240xi32, #tpu.memory_space<vmem>>, vector<16xi32>,
      tpu.vector_store %arg18[%swap3A_422], %add3A_419 {strides = array<i32>} : memref<10240xi32, #tpu.memory_space<vmem>>, vector<16xi32>,
      %add3A_424 = arith.constant 9600 : i32
      %add3A_425 = arith.addi %add3A_424, %mul3A_208 : i32
      %get3A_426 = arith.index_cast %add3A_425 : i32 to index
      %get3A_427 = tpu.vector_load %arg17[%get3A_426] {strides = array<i32>} : memref<10240xi32, #tpu.memory_space<vmem>>, vector<16xi32>,
      %add3A_428 = arith.addi %add3A_419, %get3A_427 : vector<16xi32>
    }
    %scan3A_127 = arith.constant 40 : i32
    %run_scoped3A_128 = arith.constant 0 : i32
    "tpu.region"() ({
      %run_scoped3A_206 = tpu.sem_alloc : memref<!tpu.dma_semaphore, #tpu.memory_space<semaphore_mem>>
      %dma_start3A = arith.constant 0 : i32
      %dma_start3A_207 = tpu.memref_slice %arg19[%arg1, %run_scoped3A_128, %dma_start3A] : memref<16x1x10240xi32, #tpu.memory_space<vmem_shared>> -> memref<1x1x10240xi32, #tpu.memory_space<vmem_shared>>
      %dma_start3A_208 = tpu.memref_squeeze %dma_start3A_207 : memref<1x1x10240xi32, #tpu.memory_space<vmem_shared>> -> memref<10240xi32, #tpu.memory_space<vmem_shared>>
      %dma_start3A_209 = arith.constant 0 : i32
      %dma_start3A_210 = tpu.memref_slice %arg19[%arg1, %run_scoped3A_128, %dma_start3A_209] : memref<16x1x10240xi32, #tpu.memory_space<vmem_shared>> -> memref<1x1x10240xi32, #tpu.memory_space<vmem_shared>>
      %dma_start3A_211 = tpu.memref_squeeze %dma_start3A_210 : memref<1x1x10240xi32, #tpu.memory_space<vmem_shared>> -> memref<10240xi32, #tpu.memory_space<vmem_shared>>
      tpu.enqueue_dma source(%arg18 : memref<10240xi32, #tpu.memory_space<vmem>>) target(%dma_start3A_211 : memref<10240xi32, #tpu.memory_space<vmem_shared>>) target_semaphore(%run_scoped3A_206 : memref<!tpu.dma_semaphore, #tpu.memory_space<semaphore_mem>>)
      %dma_wait3A = arith.constant 0 : i32
      %dma_wait3A_212 = tpu.memref_slice %arg19[%arg1, %run_scoped3A_128, %dma_wait3A] : memref<16x1x10240xi32, #tpu.memory_space<vmem_shared>> -> memref<1x1x10240xi32, #tpu.memory_space<vmem_shared>>
      %dma_wait3A_213 = tpu.memref_squeeze %dma_wait3A_212 : memref<1x1x10240xi32, #tpu.memory_space<vmem_shared>> -> memref<10240xi32, #tpu.memory_space<vmem_shared>>
      %dma_wait3A_214 = arith.constant 0 : i32
      %dma_wait3A_215 = tpu.memref_slice %arg19[%arg1, %run_scoped3A_128, %dma_wait3A_214] : memref<16x1x10240xi32, #tpu.memory_space<vmem_shared>> -> memref<1x1x10240xi32, #tpu.memory_space<vmem_shared>>
      %dma_wait3A_216 = tpu.memref_squeeze %dma_wait3A_215 : memref<1x1x10240xi32, #tpu.memory_space<vmem_shared>> -> memref<10240xi32, #tpu.memory_space<vmem_shared>>
      tpu.wait_dma2 semaphore(%run_scoped3A_206 : memref<!tpu.dma_semaphore, #tpu.memory_space<semaphore_mem>>) src(%arg18 : memref<10240xi32, #tpu.memory_space<vmem>>) dst(%dma_wait3A_216 : memref<10240xi32, #tpu.memory_space<vmem_shared>>)
      tpu.yield
    }) : () -> ()
    %barrier3A = arith.constant 0 : index
    tpu.barrier barrier_id(%barrier3A)
    %mul3A_129 = arith.constant 640 : i32
    %mul3A_130 = arith.muli %arg1, %mul3A_129 : i32
    %run_scoped3A_131 = arith.constant 0 : i32
    %run_scoped3A_132 = arith.constant 0 : i32
    "tpu.region"() ({
      %run_scoped3A_206 = tpu.sem_alloc : memref<!tpu.dma_semaphore, #tpu.memory_space<semaphore_mem>>
      %dma_start3A = arith.constant 0 : i32
      %dma_start3A_207 = tpu.memref_slice %arg9[%dma_start3A] : memref<10240xi32, #tpu.memory_space<vmem>> -> memref<640xi32, #tpu.memory_space<vmem>>
      %dma_start3A_208 = tpu.memref_slice %arg19[%run_scoped3A_131, %run_scoped3A_132, %mul3A_130] : memref<16x1x10240xi32, #tpu.memory_space<vmem_shared>> -> memref<1x1x640xi32, #tpu.memory_space<vmem_shared>>
      %dma_start3A_209 = tpu.memref_squeeze %dma_start3A_208 : memref<1x1x640xi32, #tpu.memory_space<vmem_shared>> -> memref<640xi32, #tpu.memory_space<vmem_shared>>
      %dma_start3A_210 = arith.constant 0 : i32
      %dma_start3A_211 = tpu.memref_slice %arg9[%dma_start3A_210] : memref<10240xi32, #tpu.memory_space<vmem>> -> memref<640xi32, #tpu.memory_space<vmem>>
      %dma_start3A_212 = tpu.memref_slice %arg19[%run_scoped3A_131, %run_scoped3A_132, %mul3A_130] : memref<16x1x10240xi32, #tpu.memory_space<vmem_shared>> -> memref<1x1x640xi32, #tpu.memory_space<vmem_shared>>
      %dma_start3A_213 = tpu.memref_squeeze %dma_start3A_212 : memref<1x1x640xi32, #tpu.memory_space<vmem_shared>> -> memref<640xi32, #tpu.memory_space<vmem_shared>>
      tpu.enqueue_dma source(%dma_start3A_213 : memref<640xi32, #tpu.memory_space<vmem_shared>>) target(%dma_start3A_211 : memref<640xi32, #tpu.memory_space<vmem>>) target_semaphore(%run_scoped3A_206 : memref<!tpu.dma_semaphore, #tpu.memory_space<semaphore_mem>>)
      %dma_wait3A = arith.constant 0 : i32
      %dma_wait3A_214 = tpu.memref_slice %arg9[%dma_wait3A] : memref<10240xi32, #tpu.memory_space<vmem>> -> memref<640xi32, #tpu.memory_space<vmem>>
      %dma_wait3A_215 = tpu.memref_slice %arg19[%run_scoped3A_131, %run_scoped3A_132, %mul3A_130] : memref<16x1x10240xi32, #tpu.memory_space<vmem_shared>> -> memref<1x1x640xi32, #tpu.memory_space<vmem_shared>>
      %dma_wait3A_216 = tpu.memref_squeeze %dma_wait3A_215 : memref<1x1x640xi32, #tpu.memory_space<vmem_shared>> -> memref<640xi32, #tpu.memory_space<vmem_shared>>
      %dma_wait3A_217 = arith.constant 0 : i32
      %dma_wait3A_218 = tpu.memref_slice %arg9[%dma_wait3A_217] : memref<10240xi32, #tpu.memory_space<vmem>> -> memref<640xi32, #tpu.memory_space<vmem>>
      %dma_wait3A_219 = tpu.memref_slice %arg19[%run_scoped3A_131, %run_scoped3A_132, %mul3A_130] : memref<16x1x10240xi32, #tpu.memory_space<vmem_shared>> -> memref<1x1x640xi32, #tpu.memory_space<vmem_shared>>
      %dma_wait3A_220 = tpu.memref_squeeze %dma_wait3A_219 : memref<1x1x640xi32, #tpu.memory_space<vmem_shared>> -> memref<640xi32, #tpu.memory_space<vmem_shared>>
      tpu.wait_dma2 semaphore(%run_scoped3A_206 : memref<!tpu.dma_semaphore, #tpu.memory_space<semaphore_mem>>) src(%dma_wait3A_220 : memref<640xi32, #tpu.memory_space<vmem_shared>>) dst(%dma_wait3A_218 : memref<640xi32, #tpu.memory_space<vmem>>)
      tpu.yield
    }) : () -> ()
    %mul3A_133 = arith.constant 640 : i32
    %mul3A_134 = arith.muli %arg1, %mul3A_133 : i32
    %run_scoped3A_135 = arith.constant 1 : i32
    %run_scoped3A_136 = arith.constant 0 : i32
    "tpu.region"() ({
      %run_scoped3A_206 = tpu.sem_alloc : memref<!tpu.dma_semaphore, #tpu.memory_space<semaphore_mem>>
      %dma_start3A = arith.constant 640 : i32
      %dma_start3A_207 = tpu.memref_slice %arg9[%dma_start3A] : memref<10240xi32, #tpu.memory_space<vmem>> -> memref<640xi32, #tpu.memory_space<vmem>>
      %dma_start3A_208 = tpu.memref_slice %arg19[%run_scoped3A_135, %run_scoped3A_136, %mul3A_134] : memref<16x1x10240xi32, #tpu.memory_space<vmem_shared>> -> memref<1x1x640xi32, #tpu.memory_space<vmem_shared>>
      %dma_start3A_209 = tpu.memref_squeeze %dma_start3A_208 : memref<1x1x640xi32, #tpu.memory_space<vmem_shared>> -> memref<640xi32, #tpu.memory_space<vmem_shared>>
      %dma_start3A_210 = arith.constant 640 : i32
      %dma_start3A_211 = tpu.memref_slice %arg9[%dma_start3A_210] : memref<10240xi32, #tpu.memory_space<vmem>> -> memref<640xi32, #tpu.memory_space<vmem>>
      %dma_start3A_212 = tpu.memref_slice %arg19[%run_scoped3A_135, %run_scoped3A_136, %mul3A_134] : memref<16x1x10240xi32, #tpu.memory_space<vmem_shared>> -> memref<1x1x640xi32, #tpu.memory_space<vmem_shared>>
      %dma_start3A_213 = tpu.memref_squeeze %dma_start3A_212 : memref<1x1x640xi32, #tpu.memory_space<vmem_shared>> -> memref<640xi32, #tpu.memory_space<vmem_shared>>
      tpu.enqueue_dma source(%dma_start3A_213 : memref<640xi32, #tpu.memory_space<vmem_shared>>) target(%dma_start3A_211 : memref<640xi32, #tpu.memory_space<vmem>>) target_semaphore(%run_scoped3A_206 : memref<!tpu.dma_semaphore, #tpu.memory_space<semaphore_mem>>)
      %dma_wait3A = arith.constant 640 : i32
      %dma_wait3A_214 = tpu.memref_slice %arg9[%dma_wait3A] : memref<10240xi32, #tpu.memory_space<vmem>> -> memref<640xi32, #tpu.memory_space<vmem>>
      %dma_wait3A_215 = tpu.memref_slice %arg19[%run_scoped3A_135, %run_scoped3A_136, %mul3A_134] : memref<16x1x10240xi32, #tpu.memory_space<vmem_shared>> -> memref<1x1x640xi32, #tpu.memory_space<vmem_shared>>
      %dma_wait3A_216 = tpu.memref_squeeze %dma_wait3A_215 : memref<1x1x640xi32, #tpu.memory_space<vmem_shared>> -> memref<640xi32, #tpu.memory_space<vmem_shared>>
      %dma_wait3A_217 = arith.constant 640 : i32
      %dma_wait3A_218 = tpu.memref_slice %arg9[%dma_wait3A_217] : memref<10240xi32, #tpu.memory_space<vmem>> -> memref<640xi32, #tpu.memory_space<vmem>>
      %dma_wait3A_219 = tpu.memref_slice %arg19[%run_scoped3A_135, %run_scoped3A_136, %mul3A_134] : memref<16x1x10240xi32, #tpu.memory_space<vmem_shared>> -> memref<1x1x640xi32, #tpu.memory_space<vmem_shared>>
      %dma_wait3A_220 = tpu.memref_squeeze %dma_wait3A_219 : memref<1x1x640xi32, #tpu.memory_space<vmem_shared>> -> memref<640xi32, #tpu.memory_space<vmem_shared>>
      tpu.wait_dma2 semaphore(%run_scoped3A_206 : memref<!tpu.dma_semaphore, #tpu.memory_space<semaphore_mem>>) src(%dma_wait3A_220 : memref<640xi32, #tpu.memory_space<vmem_shared>>) dst(%dma_wait3A_218 : memref<640xi32, #tpu.memory_space<vmem>>)
      tpu.yield
    }) : () -> ()
    %mul3A_137 = arith.constant 640 : i32
    %mul3A_138 = arith.muli %arg1, %mul3A_137 : i32
    %run_scoped3A_139 = arith.constant 2 : i32
    %run_scoped3A_140 = arith.constant 0 : i32
    "tpu.region"() ({
      %run_scoped3A_206 = tpu.sem_alloc : memref<!tpu.dma_semaphore, #tpu.memory_space<semaphore_mem>>
      %dma_start3A = arith.constant 1280 : i32
      %dma_start3A_207 = tpu.memref_slice %arg9[%dma_start3A] : memref<10240xi32, #tpu.memory_space<vmem>> -> memref<640xi32, #tpu.memory_space<vmem>>
      %dma_start3A_208 = tpu.memref_slice %arg19[%run_scoped3A_139, %run_scoped3A_140, %mul3A_138] : memref<16x1x10240xi32, #tpu.memory_space<vmem_shared>> -> memref<1x1x640xi32, #tpu.memory_space<vmem_shared>>
      %dma_start3A_209 = tpu.memref_squeeze %dma_start3A_208 : memref<1x1x640xi32, #tpu.memory_space<vmem_shared>> -> memref<640xi32, #tpu.memory_space<vmem_shared>>
      %dma_start3A_210 = arith.constant 1280 : i32
      %dma_start3A_211 = tpu.memref_slice %arg9[%dma_start3A_210] : memref<10240xi32, #tpu.memory_space<vmem>> -> memref<640xi32, #tpu.memory_space<vmem>>
      %dma_start3A_212 = tpu.memref_slice %arg19[%run_scoped3A_139, %run_scoped3A_140, %mul3A_138] : memref<16x1x10240xi32, #tpu.memory_space<vmem_shared>> -> memref<1x1x640xi32, #tpu.memory_space<vmem_shared>>
      %dma_start3A_213 = tpu.memref_squeeze %dma_start3A_212 : memref<1x1x640xi32, #tpu.memory_space<vmem_shared>> -> memref<640xi32, #tpu.memory_space<vmem_shared>>
      tpu.enqueue_dma source(%dma_start3A_213 : memref<640xi32, #tpu.memory_space<vmem_shared>>) target(%dma_start3A_211 : memref<640xi32, #tpu.memory_space<vmem>>) target_semaphore(%run_scoped3A_206 : memref<!tpu.dma_semaphore, #tpu.memory_space<semaphore_mem>>)
      %dma_wait3A = arith.constant 1280 : i32
      %dma_wait3A_214 = tpu.memref_slice %arg9[%dma_wait3A] : memref<10240xi32, #tpu.memory_space<vmem>> -> memref<640xi32, #tpu.memory_space<vmem>>
      %dma_wait3A_215 = tpu.memref_slice %arg19[%run_scoped3A_139, %run_scoped3A_140, %mul3A_138] : memref<16x1x10240xi32, #tpu.memory_space<vmem_shared>> -> memref<1x1x640xi32, #tpu.memory_space<vmem_shared>>
      %dma_wait3A_216 = tpu.memref_squeeze %dma_wait3A_215 : memref<1x1x640xi32, #tpu.memory_space<vmem_shared>> -> memref<640xi32, #tpu.memory_space<vmem_shared>>
      %dma_wait3A_217 = arith.constant 1280 : i32
      %dma_wait3A_218 = tpu.memref_slice %arg9[%dma_wait3A_217] : memref<10240xi32, #tpu.memory_space<vmem>> -> memref<640xi32, #tpu.memory_space<vmem>>
      %dma_wait3A_219 = tpu.memref_slice %arg19[%run_scoped3A_139, %run_scoped3A_140, %mul3A_138] : memref<16x1x10240xi32, #tpu.memory_space<vmem_shared>> -> memref<1x1x640xi32, #tpu.memory_space<vmem_shared>>
      %dma_wait3A_220 = tpu.memref_squeeze %dma_wait3A_219 : memref<1x1x640xi32, #tpu.memory_space<vmem_shared>> -> memref<640xi32, #tpu.memory_space<vmem_shared>>
      tpu.wait_dma2 semaphore(%run_scoped3A_206 : memref<!tpu.dma_semaphore, #tpu.memory_space<semaphore_mem>>) src(%dma_wait3A_220 : memref<640xi32, #tpu.memory_space<vmem_shared>>) dst(%dma_wait3A_218 : memref<640xi32, #tpu.memory_space<vmem>>)
      tpu.yield
    }) : () -> ()
    %mul3A_141 = arith.constant 640 : i32
    %mul3A_142 = arith.muli %arg1, %mul3A_141 : i32
    %run_scoped3A_143 = arith.constant 3 : i32
    %run_scoped3A_144 = arith.constant 0 : i32
    "tpu.region"() ({
      %run_scoped3A_206 = tpu.sem_alloc : memref<!tpu.dma_semaphore, #tpu.memory_space<semaphore_mem>>
      %dma_start3A = arith.constant 1920 : i32
      %dma_start3A_207 = tpu.memref_slice %arg9[%dma_start3A] : memref<10240xi32, #tpu.memory_space<vmem>> -> memref<640xi32, #tpu.memory_space<vmem>>
      %dma_start3A_208 = tpu.memref_slice %arg19[%run_scoped3A_143, %run_scoped3A_144, %mul3A_142] : memref<16x1x10240xi32, #tpu.memory_space<vmem_shared>> -> memref<1x1x640xi32, #tpu.memory_space<vmem_shared>>
      %dma_start3A_209 = tpu.memref_squeeze %dma_start3A_208 : memref<1x1x640xi32, #tpu.memory_space<vmem_shared>> -> memref<640xi32, #tpu.memory_space<vmem_shared>>
      %dma_start3A_210 = arith.constant 1920 : i32
      %dma_start3A_211 = tpu.memref_slice %arg9[%dma_start3A_210] : memref<10240xi32, #tpu.memory_space<vmem>> -> memref<640xi32, #tpu.memory_space<vmem>>
      %dma_start3A_212 = tpu.memref_slice %arg19[%run_scoped3A_143, %run_scoped3A_144, %mul3A_142] : memref<16x1x10240xi32, #tpu.memory_space<vmem_shared>> -> memref<1x1x640xi32, #tpu.memory_space<vmem_shared>>
      %dma_start3A_213 = tpu.memref_squeeze %dma_start3A_212 : memref<1x1x640xi32, #tpu.memory_space<vmem_shared>> -> memref<640xi32, #tpu.memory_space<vmem_shared>>
      tpu.enqueue_dma source(%dma_start3A_213 : memref<640xi32, #tpu.memory_space<vmem_shared>>) target(%dma_start3A_211 : memref<640xi32, #tpu.memory_space<vmem>>) target_semaphore(%run_scoped3A_206 : memref<!tpu.dma_semaphore, #tpu.memory_space<semaphore_mem>>)
      %dma_wait3A = arith.constant 1920 : i32
      %dma_wait3A_214 = tpu.memref_slice %arg9[%dma_wait3A] : memref<10240xi32, #tpu.memory_space<vmem>> -> memref<640xi32, #tpu.memory_space<vmem>>
      %dma_wait3A_215 = tpu.memref_slice %arg19[%run_scoped3A_143, %run_scoped3A_144, %mul3A_142] : memref<16x1x10240xi32, #tpu.memory_space<vmem_shared>> -> memref<1x1x640xi32, #tpu.memory_space<vmem_shared>>
      %dma_wait3A_216 = tpu.memref_squeeze %dma_wait3A_215 : memref<1x1x640xi32, #tpu.memory_space<vmem_shared>> -> memref<640xi32, #tpu.memory_space<vmem_shared>>
      %dma_wait3A_217 = arith.constant 1920 : i32
      %dma_wait3A_218 = tpu.memref_slice %arg9[%dma_wait3A_217] : memref<10240xi32, #tpu.memory_space<vmem>> -> memref<640xi32, #tpu.memory_space<vmem>>
      %dma_wait3A_219 = tpu.memref_slice %arg19[%run_scoped3A_143, %run_scoped3A_144, %mul3A_142] : memref<16x1x10240xi32, #tpu.memory_space<vmem_shared>> -> memref<1x1x640xi32, #tpu.memory_space<vmem_shared>>
      %dma_wait3A_220 = tpu.memref_squeeze %dma_wait3A_219 : memref<1x1x640xi32, #tpu.memory_space<vmem_shared>> -> memref<640xi32, #tpu.memory_space<vmem_shared>>
      tpu.wait_dma2 semaphore(%run_scoped3A_206 : memref<!tpu.dma_semaphore, #tpu.memory_space<semaphore_mem>>) src(%dma_wait3A_220 : memref<640xi32, #tpu.memory_space<vmem_shared>>) dst(%dma_wait3A_218 : memref<640xi32, #tpu.memory_space<vmem>>)
      tpu.yield
    }) : () -> ()
    %mul3A_145 = arith.constant 640 : i32
    %mul3A_146 = arith.muli %arg1, %mul3A_145 : i32
    %run_scoped3A_147 = arith.constant 4 : i32
    %run_scoped3A_148 = arith.constant 0 : i32
    "tpu.region"() ({
      %run_scoped3A_206 = tpu.sem_alloc : memref<!tpu.dma_semaphore, #tpu.memory_space<semaphore_mem>>
      %dma_start3A = arith.constant 2560 : i32
      %dma_start3A_207 = tpu.memref_slice %arg9[%dma_start3A] : memref<10240xi32, #tpu.memory_space<vmem>> -> memref<640xi32, #tpu.memory_space<vmem>>
      %dma_start3A_208 = tpu.memref_slice %arg19[%run_scoped3A_147, %run_scoped3A_148, %mul3A_146] : memref<16x1x10240xi32, #tpu.memory_space<vmem_shared>> -> memref<1x1x640xi32, #tpu.memory_space<vmem_shared>>
      %dma_start3A_209 = tpu.memref_squeeze %dma_start3A_208 : memref<1x1x640xi32, #tpu.memory_space<vmem_shared>> -> memref<640xi32, #tpu.memory_space<vmem_shared>>
      %dma_start3A_210 = arith.constant 2560 : i32
      %dma_start3A_211 = tpu.memref_slice %arg9[%dma_start3A_210] : memref<10240xi32, #tpu.memory_space<vmem>> -> memref<640xi32, #tpu.memory_space<vmem>>
      %dma_start3A_212 = tpu.memref_slice %arg19[%run_scoped3A_147, %run_scoped3A_148, %mul3A_146] : memref<16x1x10240xi32, #tpu.memory_space<vmem_shared>> -> memref<1x1x640xi32, #tpu.memory_space<vmem_shared>>
      %dma_start3A_213 = tpu.memref_squeeze %dma_start3A_212 : memref<1x1x640xi32, #tpu.memory_space<vmem_shared>> -> memref<640xi32, #tpu.memory_space<vmem_shared>>
      tpu.enqueue_dma source(%dma_start3A_213 : memref<640xi32, #tpu.memory_space<vmem_shared>>) target(%dma_start3A_211 : memref<640xi32, #tpu.memory_space<vmem>>) target_semaphore(%run_scoped3A_206 : memref<!tpu.dma_semaphore, #tpu.memory_space<semaphore_mem>>)
      %dma_wait3A = arith.constant 2560 : i32
      %dma_wait3A_214 = tpu.memref_slice %arg9[%dma_wait3A] : memref<10240xi32, #tpu.memory_space<vmem>> -> memref<640xi32, #tpu.memory_space<vmem>>
      %dma_wait3A_215 = tpu.memref_slice %arg19[%run_scoped3A_147, %run_scoped3A_148, %mul3A_146] : memref<16x1x10240xi32, #tpu.memory_space<vmem_shared>> -> memref<1x1x640xi32, #tpu.memory_space<vmem_shared>>
      %dma_wait3A_216 = tpu.memref_squeeze %dma_wait3A_215 : memref<1x1x640xi32, #tpu.memory_space<vmem_shared>> -> memref<640xi32, #tpu.memory_space<vmem_shared>>
      %dma_wait3A_217 = arith.constant 2560 : i32
      %dma_wait3A_218 = tpu.memref_slice %arg9[%dma_wait3A_217] : memref<10240xi32, #tpu.memory_space<vmem>> -> memref<640xi32, #tpu.memory_space<vmem>>
      %dma_wait3A_219 = tpu.memref_slice %arg19[%run_scoped3A_147, %run_scoped3A_148, %mul3A_146] : memref<16x1x10240xi32, #tpu.memory_space<vmem_shared>> -> memref<1x1x640xi32, #tpu.memory_space<vmem_shared>>
      %dma_wait3A_220 = tpu.memref_squeeze %dma_wait3A_219 : memref<1x1x640xi32, #tpu.memory_space<vmem_shared>> -> memref<640xi32, #tpu.memory_space<vmem_shared>>
      tpu.wait_dma2 semaphore(%run_scoped3A_206 : memref<!tpu.dma_semaphore, #tpu.memory_space<semaphore_mem>>) src(%dma_wait3A_220 : memref<640xi32, #tpu.memory_space<vmem_shared>>) dst(%dma_wait3A_218 : memref<640xi32, #tpu.memory_space<vmem>>)
      tpu.yield
    }) : () -> ()
    %mul3A_149 = arith.constant 640 : i32
    %mul3A_150 = arith.muli %arg1, %mul3A_149 : i32
    %run_scoped3A_151 = arith.constant 5 : i32
    %run_scoped3A_152 = arith.constant 0 : i32
    "tpu.region"() ({
      %run_scoped3A_206 = tpu.sem_alloc : memref<!tpu.dma_semaphore, #tpu.memory_space<semaphore_mem>>
      %dma_start3A = arith.constant 3200 : i32
      %dma_start3A_207 = tpu.memref_slice %arg9[%dma_start3A] : memref<10240xi32, #tpu.memory_space<vmem>> -> memref<640xi32, #tpu.memory_space<vmem>>
      %dma_start3A_208 = tpu.memref_slice %arg19[%run_scoped3A_151, %run_scoped3A_152, %mul3A_150] : memref<16x1x10240xi32, #tpu.memory_space<vmem_shared>> -> memref<1x1x640xi32, #tpu.memory_space<vmem_shared>>
      %dma_start3A_209 = tpu.memref_squeeze %dma_start3A_208 : memref<1x1x640xi32, #tpu.memory_space<vmem_shared>> -> memref<640xi32, #tpu.memory_space<vmem_shared>>
      %dma_start3A_210 = arith.constant 3200 : i32
      %dma_start3A_211 = tpu.memref_slice %arg9[%dma_start3A_210] : memref<10240xi32, #tpu.memory_space<vmem>> -> memref<640xi32, #tpu.memory_space<vmem>>
      %dma_start3A_212 = tpu.memref_slice %arg19[%run_scoped3A_151, %run_scoped3A_152, %mul3A_150] : memref<16x1x10240xi32, #tpu.memory_space<vmem_shared>> -> memref<1x1x640xi32, #tpu.memory_space<vmem_shared>>
      %dma_start3A_213 = tpu.memref_squeeze %dma_start3A_212 : memref<1x1x640xi32, #tpu.memory_space<vmem_shared>> -> memref<640xi32, #tpu.memory_space<vmem_shared>>
      tpu.enqueue_dma source(%dma_start3A_213 : memref<640xi32, #tpu.memory_space<vmem_shared>>) target(%dma_start3A_211 : memref<640xi32, #tpu.memory_space<vmem>>) target_semaphore(%run_scoped3A_206 : memref<!tpu.dma_semaphore, #tpu.memory_space<semaphore_mem>>)
      %dma_wait3A = arith.constant 3200 : i32
      %dma_wait3A_214 = tpu.memref_slice %arg9[%dma_wait3A] : memref<10240xi32, #tpu.memory_space<vmem>> -> memref<640xi32, #tpu.memory_space<vmem>>
      %dma_wait3A_215 = tpu.memref_slice %arg19[%run_scoped3A_151, %run_scoped3A_152, %mul3A_150] : memref<16x1x10240xi32, #tpu.memory_space<vmem_shared>> -> memref<1x1x640xi32, #tpu.memory_space<vmem_shared>>
      %dma_wait3A_216 = tpu.memref_squeeze %dma_wait3A_215 : memref<1x1x640xi32, #tpu.memory_space<vmem_shared>> -> memref<640xi32, #tpu.memory_space<vmem_shared>>
      %dma_wait3A_217 = arith.constant 3200 : i32
      %dma_wait3A_218 = tpu.memref_slice %arg9[%dma_wait3A_217] : memref<10240xi32, #tpu.memory_space<vmem>> -> memref<640xi32, #tpu.memory_space<vmem>>
      %dma_wait3A_219 = tpu.memref_slice %arg19[%run_scoped3A_151, %run_scoped3A_152, %mul3A_150] : memref<16x1x10240xi32, #tpu.memory_space<vmem_shared>> -> memref<1x1x640xi32, #tpu.memory_space<vmem_shared>>
      %dma_wait3A_220 = tpu.memref_squeeze %dma_wait3A_219 : memref<1x1x640xi32, #tpu.memory_space<vmem_shared>> -> memref<640xi32, #tpu.memory_space<vmem_shared>>
      tpu.wait_dma2 semaphore(%run_scoped3A_206 : memref<!tpu.dma_semaphore, #tpu.memory_space<semaphore_mem>>) src(%dma_wait3A_220 : memref<640xi32, #tpu.memory_space<vmem_shared>>) dst(%dma_wait3A_218 : memref<640xi32, #tpu.memory_space<vmem>>)
      tpu.yield
    }) : () -> ()
    %mul3A_153 = arith.constant 640 : i32
    %mul3A_154 = arith.muli %arg1, %mul3A_153 : i32
    %run_scoped3A_155 = arith.constant 6 : i32
    %run_scoped3A_156 = arith.constant 0 : i32
    "tpu.region"() ({
      %run_scoped3A_206 = tpu.sem_alloc : memref<!tpu.dma_semaphore, #tpu.memory_space<semaphore_mem>>
      %dma_start3A = arith.constant 3840 : i32
      %dma_start3A_207 = tpu.memref_slice %arg9[%dma_start3A] : memref<10240xi32, #tpu.memory_space<vmem>> -> memref<640xi32, #tpu.memory_space<vmem>>
      %dma_start3A_208 = tpu.memref_slice %arg19[%run_scoped3A_155, %run_scoped3A_156, %mul3A_154] : memref<16x1x10240xi32, #tpu.memory_space<vmem_shared>> -> memref<1x1x640xi32, #tpu.memory_space<vmem_shared>>
      %dma_start3A_209 = tpu.memref_squeeze %dma_start3A_208 : memref<1x1x640xi32, #tpu.memory_space<vmem_shared>> -> memref<640xi32, #tpu.memory_space<vmem_shared>>
      %dma_start3A_210 = arith.constant 3840 : i32
      %dma_start3A_211 = tpu.memref_slice %arg9[%dma_start3A_210] : memref<10240xi32, #tpu.memory_space<vmem>> -> memref<640xi32, #tpu.memory_space<vmem>>
      %dma_start3A_212 = tpu.memref_slice %arg19[%run_scoped3A_155, %run_scoped3A_156, %mul3A_154] : memref<16x1x10240xi32, #tpu.memory_space<vmem_shared>> -> memref<1x1x640xi32, #tpu.memory_space<vmem_shared>>
      %dma_start3A_213 = tpu.memref_squeeze %dma_start3A_212 : memref<1x1x640xi32, #tpu.memory_space<vmem_shared>> -> memref<640xi32, #tpu.memory_space<vmem_shared>>
      tpu.enqueue_dma source(%dma_start3A_213 : memref<640xi32, #tpu.memory_space<vmem_shared>>) target(%dma_start3A_211 : memref<640xi32, #tpu.memory_space<vmem>>) target_semaphore(%run_scoped3A_206 : memref<!tpu.dma_semaphore, #tpu.memory_space<semaphore_mem>>)
      %dma_wait3A = arith.constant 3840 : i32
      %dma_wait3A_214 = tpu.memref_slice %arg9[%dma_wait3A] : memref<10240xi32, #tpu.memory_space<vmem>> -> memref<640xi32, #tpu.memory_space<vmem>>
      %dma_wait3A_215 = tpu.memref_slice %arg19[%run_scoped3A_155, %run_scoped3A_156, %mul3A_154] : memref<16x1x10240xi32, #tpu.memory_space<vmem_shared>> -> memref<1x1x640xi32, #tpu.memory_space<vmem_shared>>
      %dma_wait3A_216 = tpu.memref_squeeze %dma_wait3A_215 : memref<1x1x640xi32, #tpu.memory_space<vmem_shared>> -> memref<640xi32, #tpu.memory_space<vmem_shared>>
      %dma_wait3A_217 = arith.constant 3840 : i32
      %dma_wait3A_218 = tpu.memref_slice %arg9[%dma_wait3A_217] : memref<10240xi32, #tpu.memory_space<vmem>> -> memref<640xi32, #tpu.memory_space<vmem>>
      %dma_wait3A_219 = tpu.memref_slice %arg19[%run_scoped3A_155, %run_scoped3A_156, %mul3A_154] : memref<16x1x10240xi32, #tpu.memory_space<vmem_shared>> -> memref<1x1x640xi32, #tpu.memory_space<vmem_shared>>
      %dma_wait3A_220 = tpu.memref_squeeze %dma_wait3A_219 : memref<1x1x640xi32, #tpu.memory_space<vmem_shared>> -> memref<640xi32, #tpu.memory_space<vmem_shared>>
      tpu.wait_dma2 semaphore(%run_scoped3A_206 : memref<!tpu.dma_semaphore, #tpu.memory_space<semaphore_mem>>) src(%dma_wait3A_220 : memref<640xi32, #tpu.memory_space<vmem_shared>>) dst(%dma_wait3A_218 : memref<640xi32, #tpu.memory_space<vmem>>)
      tpu.yield
    }) : () -> ()
    %mul3A_157 = arith.constant 640 : i32
    %mul3A_158 = arith.muli %arg1, %mul3A_157 : i32
    %run_scoped3A_159 = arith.constant 7 : i32
    %run_scoped3A_160 = arith.constant 0 : i32
    "tpu.region"() ({
      %run_scoped3A_206 = tpu.sem_alloc : memref<!tpu.dma_semaphore, #tpu.memory_space<semaphore_mem>>
      %dma_start3A = arith.constant 4480 : i32
      %dma_start3A_207 = tpu.memref_slice %arg9[%dma_start3A] : memref<10240xi32, #tpu.memory_space<vmem>> -> memref<640xi32, #tpu.memory_space<vmem>>
      %dma_start3A_208 = tpu.memref_slice %arg19[%run_scoped3A_159, %run_scoped3A_160, %mul3A_158] : memref<16x1x10240xi32, #tpu.memory_space<vmem_shared>> -> memref<1x1x640xi32, #tpu.memory_space<vmem_shared>>
      %dma_start3A_209 = tpu.memref_squeeze %dma_start3A_208 : memref<1x1x640xi32, #tpu.memory_space<vmem_shared>> -> memref<640xi32, #tpu.memory_space<vmem_shared>>
      %dma_start3A_210 = arith.constant 4480 : i32
      %dma_start3A_211 = tpu.memref_slice %arg9[%dma_start3A_210] : memref<10240xi32, #tpu.memory_space<vmem>> -> memref<640xi32, #tpu.memory_space<vmem>>
      %dma_start3A_212 = tpu.memref_slice %arg19[%run_scoped3A_159, %run_scoped3A_160, %mul3A_158] : memref<16x1x10240xi32, #tpu.memory_space<vmem_shared>> -> memref<1x1x640xi32, #tpu.memory_space<vmem_shared>>
      %dma_start3A_213 = tpu.memref_squeeze %dma_start3A_212 : memref<1x1x640xi32, #tpu.memory_space<vmem_shared>> -> memref<640xi32, #tpu.memory_space<vmem_shared>>
      tpu.enqueue_dma source(%dma_start3A_213 : memref<640xi32, #tpu.memory_space<vmem_shared>>) target(%dma_start3A_211 : memref<640xi32, #tpu.memory_space<vmem>>) target_semaphore(%run_scoped3A_206 : memref<!tpu.dma_semaphore, #tpu.memory_space<semaphore_mem>>)
      %dma_wait3A = arith.constant 4480 : i32
      %dma_wait3A_214 = tpu.memref_slice %arg9[%dma_wait3A] : memref<10240xi32, #tpu.memory_space<vmem>> -> memref<640xi32, #tpu.memory_space<vmem>>
      %dma_wait3A_215 = tpu.memref_slice %arg19[%run_scoped3A_159, %run_scoped3A_160, %mul3A_158] : memref<16x1x10240xi32, #tpu.memory_space<vmem_shared>> -> memref<1x1x640xi32, #tpu.memory_space<vmem_shared>>
      %dma_wait3A_216 = tpu.memref_squeeze %dma_wait3A_215 : memref<1x1x640xi32, #tpu.memory_space<vmem_shared>> -> memref<640xi32, #tpu.memory_space<vmem_shared>>
      %dma_wait3A_217 = arith.constant 4480 : i32
      %dma_wait3A_218 = tpu.memref_slice %arg9[%dma_wait3A_217] : memref<10240xi32, #tpu.memory_space<vmem>> -> memref<640xi32, #tpu.memory_space<vmem>>
      %dma_wait3A_219 = tpu.memref_slice %arg19[%run_scoped3A_159, %run_scoped3A_160, %mul3A_158] : memref<16x1x10240xi32, #tpu.memory_space<vmem_shared>> -> memref<1x1x640xi32, #tpu.memory_space<vmem_shared>>
      %dma_wait3A_220 = tpu.memref_squeeze %dma_wait3A_219 : memref<1x1x640xi32, #tpu.memory_space<vmem_shared>> -> memref<640xi32, #tpu.memory_space<vmem_shared>>
      tpu.wait_dma2 semaphore(%run_scoped3A_206 : memref<!tpu.dma_semaphore, #tpu.memory_space<semaphore_mem>>) src(%dma_wait3A_220 : memref<640xi32, #tpu.memory_space<vmem_shared>>) dst(%dma_wait3A_218 : memref<640xi32, #tpu.memory_space<vmem>>)
      tpu.yield
    }) : () -> ()
    %mul3A_161 = arith.constant 640 : i32
    %mul3A_162 = arith.muli %arg1, %mul3A_161 : i32
    %run_scoped3A_163 = arith.constant 8 : i32
    %run_scoped3A_164 = arith.constant 0 : i32
    "tpu.region"() ({
      %run_scoped3A_206 = tpu.sem_alloc : memref<!tpu.dma_semaphore, #tpu.memory_space<semaphore_mem>>
      %dma_start3A = arith.constant 5120 : i32
      %dma_start3A_207 = tpu.memref_slice %arg9[%dma_start3A] : memref<10240xi32, #tpu.memory_space<vmem>> -> memref<640xi32, #tpu.memory_space<vmem>>
      %dma_start3A_208 = tpu.memref_slice %arg19[%run_scoped3A_163, %run_scoped3A_164, %mul3A_162] : memref<16x1x10240xi32, #tpu.memory_space<vmem_shared>> -> memref<1x1x640xi32, #tpu.memory_space<vmem_shared>>
      %dma_start3A_209 = tpu.memref_squeeze %dma_start3A_208 : memref<1x1x640xi32, #tpu.memory_space<vmem_shared>> -> memref<640xi32, #tpu.memory_space<vmem_shared>>
      %dma_start3A_210 = arith.constant 5120 : i32
      %dma_start3A_211 = tpu.memref_slice %arg9[%dma_start3A_210] : memref<10240xi32, #tpu.memory_space<vmem>> -> memref<640xi32, #tpu.memory_space<vmem>>
      %dma_start3A_212 = tpu.memref_slice %arg19[%run_scoped3A_163, %run_scoped3A_164, %mul3A_162] : memref<16x1x10240xi32, #tpu.memory_space<vmem_shared>> -> memref<1x1x640xi32, #tpu.memory_space<vmem_shared>>
      %dma_start3A_213 = tpu.memref_squeeze %dma_start3A_212 : memref<1x1x640xi32, #tpu.memory_space<vmem_shared>> -> memref<640xi32, #tpu.memory_space<vmem_shared>>
      tpu.enqueue_dma source(%dma_start3A_213 : memref<640xi32, #tpu.memory_space<vmem_shared>>) target(%dma_start3A_211 : memref<640xi32, #tpu.memory_space<vmem>>) target_semaphore(%run_scoped3A_206 : memref<!tpu.dma_semaphore, #tpu.memory_space<semaphore_mem>>)
      %dma_wait3A = arith.constant 5120 : i32
      %dma_wait3A_214 = tpu.memref_slice %arg9[%dma_wait3A] : memref<10240xi32, #tpu.memory_space<vmem>> -> memref<640xi32, #tpu.memory_space<vmem>>
      %dma_wait3A_215 = tpu.memref_slice %arg19[%run_scoped3A_163, %run_scoped3A_164, %mul3A_162] : memref<16x1x10240xi32, #tpu.memory_space<vmem_shared>> -> memref<1x1x640xi32, #tpu.memory_space<vmem_shared>>
      %dma_wait3A_216 = tpu.memref_squeeze %dma_wait3A_215 : memref<1x1x640xi32, #tpu.memory_space<vmem_shared>> -> memref<640xi32, #tpu.memory_space<vmem_shared>>
      %dma_wait3A_217 = arith.constant 5120 : i32
      %dma_wait3A_218 = tpu.memref_slice %arg9[%dma_wait3A_217] : memref<10240xi32, #tpu.memory_space<vmem>> -> memref<640xi32, #tpu.memory_space<vmem>>
      %dma_wait3A_219 = tpu.memref_slice %arg19[%run_scoped3A_163, %run_scoped3A_164, %mul3A_162] : memref<16x1x10240xi32, #tpu.memory_space<vmem_shared>> -> memref<1x1x640xi32, #tpu.memory_space<vmem_shared>>
      %dma_wait3A_220 = tpu.memref_squeeze %dma_wait3A_219 : memref<1x1x640xi32, #tpu.memory_space<vmem_shared>> -> memref<640xi32, #tpu.memory_space<vmem_shared>>
      tpu.wait_dma2 semaphore(%run_scoped3A_206 : memref<!tpu.dma_semaphore, #tpu.memory_space<semaphore_mem>>) src(%dma_wait3A_220 : memref<640xi32, #tpu.memory_space<vmem_shared>>) dst(%dma_wait3A_218 : memref<640xi32, #tpu.memory_space<vmem>>)
      tpu.yield
    }) : () -> ()
    %mul3A_165 = arith.constant 640 : i32
    %mul3A_166 = arith.muli %arg1, %mul3A_165 : i32
    %run_scoped3A_167 = arith.constant 9 : i32
    %run_scoped3A_168 = arith.constant 0 : i32
    "tpu.region"() ({
      %run_scoped3A_206 = tpu.sem_alloc : memref<!tpu.dma_semaphore, #tpu.memory_space<semaphore_mem>>
      %dma_start3A = arith.constant 5760 : i32
      %dma_start3A_207 = tpu.memref_slice %arg9[%dma_start3A] : memref<10240xi32, #tpu.memory_space<vmem>> -> memref<640xi32, #tpu.memory_space<vmem>>
      %dma_start3A_208 = tpu.memref_slice %arg19[%run_scoped3A_167, %run_scoped3A_168, %mul3A_166] : memref<16x1x10240xi32, #tpu.memory_space<vmem_shared>> -> memref<1x1x640xi32, #tpu.memory_space<vmem_shared>>
      %dma_start3A_209 = tpu.memref_squeeze %dma_start3A_208 : memref<1x1x640xi32, #tpu.memory_space<vmem_shared>> -> memref<640xi32, #tpu.memory_space<vmem_shared>>
      %dma_start3A_210 = arith.constant 5760 : i32
      %dma_start3A_211 = tpu.memref_slice %arg9[%dma_start3A_210] : memref<10240xi32, #tpu.memory_space<vmem>> -> memref<640xi32, #tpu.memory_space<vmem>>
      %dma_start3A_212 = tpu.memref_slice %arg19[%run_scoped3A_167, %run_scoped3A_168, %mul3A_166] : memref<16x1x10240xi32, #tpu.memory_space<vmem_shared>> -> memref<1x1x640xi32, #tpu.memory_space<vmem_shared>>
      %dma_start3A_213 = tpu.memref_squeeze %dma_start3A_212 : memref<1x1x640xi32, #tpu.memory_space<vmem_shared>> -> memref<640xi32, #tpu.memory_space<vmem_shared>>
      tpu.enqueue_dma source(%dma_start3A_213 : memref<640xi32, #tpu.memory_space<vmem_shared>>) target(%dma_start3A_211 : memref<640xi32, #tpu.memory_space<vmem>>) target_semaphore(%run_scoped3A_206 : memref<!tpu.dma_semaphore, #tpu.memory_space<semaphore_mem>>)
      %dma_wait3A = arith.constant 5760 : i32
      %dma_wait3A_214 = tpu.memref_slice %arg9[%dma_wait3A] : memref<10240xi32, #tpu.memory_space<vmem>> -> memref<640xi32, #tpu.memory_space<vmem>>
      %dma_wait3A_215 = tpu.memref_slice %arg19[%run_scoped3A_167, %run_scoped3A_168, %mul3A_166] : memref<16x1x10240xi32, #tpu.memory_space<vmem_shared>> -> memref<1x1x640xi32, #tpu.memory_space<vmem_shared>>
      %dma_wait3A_216 = tpu.memref_squeeze %dma_wait3A_215 : memref<1x1x640xi32, #tpu.memory_space<vmem_shared>> -> memref<640xi32, #tpu.memory_space<vmem_shared>>
      %dma_wait3A_217 = arith.constant 5760 : i32
      %dma_wait3A_218 = tpu.memref_slice %arg9[%dma_wait3A_217] : memref<10240xi32, #tpu.memory_space<vmem>> -> memref<640xi32, #tpu.memory_space<vmem>>
      %dma_wait3A_219 = tpu.memref_slice %arg19[%run_scoped3A_167, %run_scoped3A_168, %mul3A_166] : memref<16x1x10240xi32, #tpu.memory_space<vmem_shared>> -> memref<1x1x640xi32, #tpu.memory_space<vmem_shared>>
      %dma_wait3A_220 = tpu.memref_squeeze %dma_wait3A_219 : memref<1x1x640xi32, #tpu.memory_space<vmem_shared>> -> memref<640xi32, #tpu.memory_space<vmem_shared>>
      tpu.wait_dma2 semaphore(%run_scoped3A_206 : memref<!tpu.dma_semaphore, #tpu.memory_space<semaphore_mem>>) src(%dma_wait3A_220 : memref<640xi32, #tpu.memory_space<vmem_shared>>) dst(%dma_wait3A_218 : memref<640xi32, #tpu.memory_space<vmem>>)
      tpu.yield
    }) : () -> ()
    %mul3A_169 = arith.constant 640 : i32
    %mul3A_170 = arith.muli %arg1, %mul3A_169 : i32
    %run_scoped3A_171 = arith.constant 10 : i32
    %run_scoped3A_172 = arith.constant 0 : i32
    "tpu.region"() ({
      %run_scoped3A_206 = tpu.sem_alloc : memref<!tpu.dma_semaphore, #tpu.memory_space<semaphore_mem>>
      %dma_start3A = arith.constant 6400 : i32
      %dma_start3A_207 = tpu.memref_slice %arg9[%dma_start3A] : memref<10240xi32, #tpu.memory_space<vmem>> -> memref<640xi32, #tpu.memory_space<vmem>>
      %dma_start3A_208 = tpu.memref_slice %arg19[%run_scoped3A_171, %run_scoped3A_172, %mul3A_170] : memref<16x1x10240xi32, #tpu.memory_space<vmem_shared>> -> memref<1x1x640xi32, #tpu.memory_space<vmem_shared>>
      %dma_start3A_209 = tpu.memref_squeeze %dma_start3A_208 : memref<1x1x640xi32, #tpu.memory_space<vmem_shared>> -> memref<640xi32, #tpu.memory_space<vmem_shared>>
      %dma_start3A_210 = arith.constant 6400 : i32
      %dma_start3A_211 = tpu.memref_slice %arg9[%dma_start3A_210] : memref<10240xi32, #tpu.memory_space<vmem>> -> memref<640xi32, #tpu.memory_space<vmem>>
      %dma_start3A_212 = tpu.memref_slice %arg19[%run_scoped3A_171, %run_scoped3A_172, %mul3A_170] : memref<16x1x10240xi32, #tpu.memory_space<vmem_shared>> -> memref<1x1x640xi32, #tpu.memory_space<vmem_shared>>
      %dma_start3A_213 = tpu.memref_squeeze %dma_start3A_212 : memref<1x1x640xi32, #tpu.memory_space<vmem_shared>> -> memref<640xi32, #tpu.memory_space<vmem_shared>>
      tpu.enqueue_dma source(%dma_start3A_213 : memref<640xi32, #tpu.memory_space<vmem_shared>>) target(%dma_start3A_211 : memref<640xi32, #tpu.memory_space<vmem>>) target_semaphore(%run_scoped3A_206 : memref<!tpu.dma_semaphore, #tpu.memory_space<semaphore_mem>>)
      %dma_wait3A = arith.constant 6400 : i32
      %dma_wait3A_214 = tpu.memref_slice %arg9[%dma_wait3A] : memref<10240xi32, #tpu.memory_space<vmem>> -> memref<640xi32, #tpu.memory_space<vmem>>
      %dma_wait3A_215 = tpu.memref_slice %arg19[%run_scoped3A_171, %run_scoped3A_172, %mul3A_170] : memref<16x1x10240xi32, #tpu.memory_space<vmem_shared>> -> memref<1x1x640xi32, #tpu.memory_space<vmem_shared>>
      %dma_wait3A_216 = tpu.memref_squeeze %dma_wait3A_215 : memref<1x1x640xi32, #tpu.memory_space<vmem_shared>> -> memref<640xi32, #tpu.memory_space<vmem_shared>>
      %dma_wait3A_217 = arith.constant 6400 : i32
      %dma_wait3A_218 = tpu.memref_slice %arg9[%dma_wait3A_217] : memref<10240xi32, #tpu.memory_space<vmem>> -> memref<640xi32, #tpu.memory_space<vmem>>
      %dma_wait3A_219 = tpu.memref_slice %arg19[%run_scoped3A_171, %run_scoped3A_172, %mul3A_170] : memref<16x1x10240xi32, #tpu.memory_space<vmem_shared>> -> memref<1x1x640xi32, #tpu.memory_space<vmem_shared>>
      %dma_wait3A_220 = tpu.memref_squeeze %dma_wait3A_219 : memref<1x1x640xi32, #tpu.memory_space<vmem_shared>> -> memref<640xi32, #tpu.memory_space<vmem_shared>>
      tpu.wait_dma2 semaphore(%run_scoped3A_206 : memref<!tpu.dma_semaphore, #tpu.memory_space<semaphore_mem>>) src(%dma_wait3A_220 : memref<640xi32, #tpu.memory_space<vmem_shared>>) dst(%dma_wait3A_218 : memref<640xi32, #tpu.memory_space<vmem>>)
      tpu.yield
    }) : () -> ()
    %mul3A_173 = arith.constant 640 : i32
    %mul3A_174 = arith.muli %arg1, %mul3A_173 : i32
    %run_scoped3A_175 = arith.constant 11 : i32
    %run_scoped3A_176 = arith.constant 0 : i32
    "tpu.region"() ({
      %run_scoped3A_206 = tpu.sem_alloc : memref<!tpu.dma_semaphore, #tpu.memory_space<semaphore_mem>>
      %dma_start3A = arith.constant 7040 : i32
      %dma_start3A_207 = tpu.memref_slice %arg9[%dma_start3A] : memref<10240xi32, #tpu.memory_space<vmem>> -> memref<640xi32, #tpu.memory_space<vmem>>
      %dma_start3A_208 = tpu.memref_slice %arg19[%run_scoped3A_175, %run_scoped3A_176, %mul3A_174] : memref<16x1x10240xi32, #tpu.memory_space<vmem_shared>> -> memref<1x1x640xi32, #tpu.memory_space<vmem_shared>>
      %dma_start3A_209 = tpu.memref_squeeze %dma_start3A_208 : memref<1x1x640xi32, #tpu.memory_space<vmem_shared>> -> memref<640xi32, #tpu.memory_space<vmem_shared>>
      %dma_start3A_210 = arith.constant 7040 : i32
      %dma_start3A_211 = tpu.memref_slice %arg9[%dma_start3A_210] : memref<10240xi32, #tpu.memory_space<vmem>> -> memref<640xi32, #tpu.memory_space<vmem>>
      %dma_start3A_212 = tpu.memref_slice %arg19[%run_scoped3A_175, %run_scoped3A_176, %mul3A_174] : memref<16x1x10240xi32, #tpu.memory_space<vmem_shared>> -> memref<1x1x640xi32, #tpu.memory_space<vmem_shared>>
      %dma_start3A_213 = tpu.memref_squeeze %dma_start3A_212 : memref<1x1x640xi32, #tpu.memory_space<vmem_shared>> -> memref<640xi32, #tpu.memory_space<vmem_shared>>
      tpu.enqueue_dma source(%dma_start3A_213 : memref<640xi32, #tpu.memory_space<vmem_shared>>) target(%dma_start3A_211 : memref<640xi32, #tpu.memory_space<vmem>>) target_semaphore(%run_scoped3A_206 : memref<!tpu.dma_semaphore, #tpu.memory_space<semaphore_mem>>)
      %dma_wait3A = arith.constant 7040 : i32
      %dma_wait3A_214 = tpu.memref_slice %arg9[%dma_wait3A] : memref<10240xi32, #tpu.memory_space<vmem>> -> memref<640xi32, #tpu.memory_space<vmem>>
      %dma_wait3A_215 = tpu.memref_slice %arg19[%run_scoped3A_175, %run_scoped3A_176, %mul3A_174] : memref<16x1x10240xi32, #tpu.memory_space<vmem_shared>> -> memref<1x1x640xi32, #tpu.memory_space<vmem_shared>>
      %dma_wait3A_216 = tpu.memref_squeeze %dma_wait3A_215 : memref<1x1x640xi32, #tpu.memory_space<vmem_shared>> -> memref<640xi32, #tpu.memory_space<vmem_shared>>
      %dma_wait3A_217 = arith.constant 7040 : i32
      %dma_wait3A_218 = tpu.memref_slice %arg9[%dma_wait3A_217] : memref<10240xi32, #tpu.memory_space<vmem>> -> memref<640xi32, #tpu.memory_space<vmem>>
      %dma_wait3A_219 = tpu.memref_slice %arg19[%run_scoped3A_175, %run_scoped3A_176, %mul3A_174] : memref<16x1x10240xi32, #tpu.memory_space<vmem_shared>> -> memref<1x1x640xi32, #tpu.memory_space<vmem_shared>>
      %dma_wait3A_220 = tpu.memref_squeeze %dma_wait3A_219 : memref<1x1x640xi32, #tpu.memory_space<vmem_shared>> -> memref<640xi32, #tpu.memory_space<vmem_shared>>
      tpu.wait_dma2 semaphore(%run_scoped3A_206 : memref<!tpu.dma_semaphore, #tpu.memory_space<semaphore_mem>>) src(%dma_wait3A_220 : memref<640xi32, #tpu.memory_space<vmem_shared>>) dst(%dma_wait3A_218 : memref<640xi32, #tpu.memory_space<vmem>>)
      tpu.yield
    }) : () -> ()
    %mul3A_177 = arith.constant 640 : i32
    %mul3A_178 = arith.muli %arg1, %mul3A_177 : i32
    %run_scoped3A_179 = arith.constant 12 : i32
    %run_scoped3A_180 = arith.constant 0 : i32
    "tpu.region"() ({
      %run_scoped3A_206 = tpu.sem_alloc : memref<!tpu.dma_semaphore, #tpu.memory_space<semaphore_mem>>
      %dma_start3A = arith.constant 7680 : i32
      %dma_start3A_207 = tpu.memref_slice %arg9[%dma_start3A] : memref<10240xi32, #tpu.memory_space<vmem>> -> memref<640xi32, #tpu.memory_space<vmem>>
      %dma_start3A_208 = tpu.memref_slice %arg19[%run_scoped3A_179, %run_scoped3A_180, %mul3A_178] : memref<16x1x10240xi32, #tpu.memory_space<vmem_shared>> -> memref<1x1x640xi32, #tpu.memory_space<vmem_shared>>
      %dma_start3A_209 = tpu.memref_squeeze %dma_start3A_208 : memref<1x1x640xi32, #tpu.memory_space<vmem_shared>> -> memref<640xi32, #tpu.memory_space<vmem_shared>>
      %dma_start3A_210 = arith.constant 7680 : i32
      %dma_start3A_211 = tpu.memref_slice %arg9[%dma_start3A_210] : memref<10240xi32, #tpu.memory_space<vmem>> -> memref<640xi32, #tpu.memory_space<vmem>>
      %dma_start3A_212 = tpu.memref_slice %arg19[%run_scoped3A_179, %run_scoped3A_180, %mul3A_178] : memref<16x1x10240xi32, #tpu.memory_space<vmem_shared>> -> memref<1x1x640xi32, #tpu.memory_space<vmem_shared>>
      %dma_start3A_213 = tpu.memref_squeeze %dma_start3A_212 : memref<1x1x640xi32, #tpu.memory_space<vmem_shared>> -> memref<640xi32, #tpu.memory_space<vmem_shared>>
      tpu.enqueue_dma source(%dma_start3A_213 : memref<640xi32, #tpu.memory_space<vmem_shared>>) target(%dma_start3A_211 : memref<640xi32, #tpu.memory_space<vmem>>) target_semaphore(%run_scoped3A_206 : memref<!tpu.dma_semaphore, #tpu.memory_space<semaphore_mem>>)
      %dma_wait3A = arith.constant 7680 : i32
      %dma_wait3A_214 = tpu.memref_slice %arg9[%dma_wait3A] : memref<10240xi32, #tpu.memory_space<vmem>> -> memref<640xi32, #tpu.memory_space<vmem>>
      %dma_wait3A_215 = tpu.memref_slice %arg19[%run_scoped3A_179, %run_scoped3A_180, %mul3A_178] : memref<16x1x10240xi32, #tpu.memory_space<vmem_shared>> -> memref<1x1x640xi32, #tpu.memory_space<vmem_shared>>
      %dma_wait3A_216 = tpu.memref_squeeze %dma_wait3A_215 : memref<1x1x640xi32, #tpu.memory_space<vmem_shared>> -> memref<640xi32, #tpu.memory_space<vmem_shared>>
      %dma_wait3A_217 = arith.constant 7680 : i32
      %dma_wait3A_218 = tpu.memref_slice %arg9[%dma_wait3A_217] : memref<10240xi32, #tpu.memory_space<vmem>> -> memref<640xi32, #tpu.memory_space<vmem>>
      %dma_wait3A_219 = tpu.memref_slice %arg19[%run_scoped3A_179, %run_scoped3A_180, %mul3A_178] : memref<16x1x10240xi32, #tpu.memory_space<vmem_shared>> -> memref<1x1x640xi32, #tpu.memory_space<vmem_shared>>
      %dma_wait3A_220 = tpu.memref_squeeze %dma_wait3A_219 : memref<1x1x640xi32, #tpu.memory_space<vmem_shared>> -> memref<640xi32, #tpu.memory_space<vmem_shared>>
      tpu.wait_dma2 semaphore(%run_scoped3A_206 : memref<!tpu.dma_semaphore, #tpu.memory_space<semaphore_mem>>) src(%dma_wait3A_220 : memref<640xi32, #tpu.memory_space<vmem_shared>>) dst(%dma_wait3A_218 : memref<640xi32, #tpu.memory_space<vmem>>)
      tpu.yield
    }) : () -> ()
    %mul3A_181 = arith.constant 640 : i32
    %mul3A_182 = arith.muli %arg1, %mul3A_181 : i32
    %run_scoped3A_183 = arith.constant 13 : i32
    %run_scoped3A_184 = arith.constant 0 : i32
    "tpu.region"() ({
      %run_scoped3A_206 = tpu.sem_alloc : memref<!tpu.dma_semaphore, #tpu.memory_space<semaphore_mem>>
      %dma_start3A = arith.constant 8320 : i32
      %dma_start3A_207 = tpu.memref_slice %arg9[%dma_start3A] : memref<10240xi32, #tpu.memory_space<vmem>> -> memref<640xi32, #tpu.memory_space<vmem>>
      %dma_start3A_208 = tpu.memref_slice %arg19[%run_scoped3A_183, %run_scoped3A_184, %mul3A_182] : memref<16x1x10240xi32, #tpu.memory_space<vmem_shared>> -> memref<1x1x640xi32, #tpu.memory_space<vmem_shared>>
      %dma_start3A_209 = tpu.memref_squeeze %dma_start3A_208 : memref<1x1x640xi32, #tpu.memory_space<vmem_shared>> -> memref<640xi32, #tpu.memory_space<vmem_shared>>
      %dma_start3A_210 = arith.constant 8320 : i32
      %dma_start3A_211 = tpu.memref_slice %arg9[%dma_start3A_210] : memref<10240xi32, #tpu.memory_space<vmem>> -> memref<640xi32, #tpu.memory_space<vmem>>
      %dma_start3A_212 = tpu.memref_slice %arg19[%run_scoped3A_183, %run_scoped3A_184, %mul3A_182] : memref<16x1x10240xi32, #tpu.memory_space<vmem_shared>> -> memref<1x1x640xi32, #tpu.memory_space<vmem_shared>>
      %dma_start3A_213 = tpu.memref_squeeze %dma_start3A_212 : memref<1x1x640xi32, #tpu.memory_space<vmem_shared>> -> memref<640xi32, #tpu.memory_space<vmem_shared>>
      tpu.enqueue_dma source(%dma_start3A_213 : memref<640xi32, #tpu.memory_space<vmem_shared>>) target(%dma_start3A_211 : memref<640xi32, #tpu.memory_space<vmem>>) target_semaphore(%run_scoped3A_206 : memref<!tpu.dma_semaphore, #tpu.memory_space<semaphore_mem>>)
      %dma_wait3A = arith.constant 8320 : i32
      %dma_wait3A_214 = tpu.memref_slice %arg9[%dma_wait3A] : memref<10240xi32, #tpu.memory_space<vmem>> -> memref<640xi32, #tpu.memory_space<vmem>>
      %dma_wait3A_215 = tpu.memref_slice %arg19[%run_scoped3A_183, %run_scoped3A_184, %mul3A_182] : memref<16x1x10240xi32, #tpu.memory_space<vmem_shared>> -> memref<1x1x640xi32, #tpu.memory_space<vmem_shared>>
      %dma_wait3A_216 = tpu.memref_squeeze %dma_wait3A_215 : memref<1x1x640xi32, #tpu.memory_space<vmem_shared>> -> memref<640xi32, #tpu.memory_space<vmem_shared>>
      %dma_wait3A_217 = arith.constant 8320 : i32
      %dma_wait3A_218 = tpu.memref_slice %arg9[%dma_wait3A_217] : memref<10240xi32, #tpu.memory_space<vmem>> -> memref<640xi32, #tpu.memory_space<vmem>>
      %dma_wait3A_219 = tpu.memref_slice %arg19[%run_scoped3A_183, %run_scoped3A_184, %mul3A_182] : memref<16x1x10240xi32, #tpu.memory_space<vmem_shared>> -> memref<1x1x640xi32, #tpu.memory_space<vmem_shared>>
      %dma_wait3A_220 = tpu.memref_squeeze %dma_wait3A_219 : memref<1x1x640xi32, #tpu.memory_space<vmem_shared>> -> memref<640xi32, #tpu.memory_space<vmem_shared>>
      tpu.wait_dma2 semaphore(%run_scoped3A_206 : memref<!tpu.dma_semaphore, #tpu.memory_space<semaphore_mem>>) src(%dma_wait3A_220 : memref<640xi32, #tpu.memory_space<vmem_shared>>) dst(%dma_wait3A_218 : memref<640xi32, #tpu.memory_space<vmem>>)
      tpu.yield
    }) : () -> ()
    %mul3A_185 = arith.constant 640 : i32
    %mul3A_186 = arith.muli %arg1, %mul3A_185 : i32
    %run_scoped3A_187 = arith.constant 14 : i32
    %run_scoped3A_188 = arith.constant 0 : i32
    "tpu.region"() ({
      %run_scoped3A_206 = tpu.sem_alloc : memref<!tpu.dma_semaphore, #tpu.memory_space<semaphore_mem>>
      %dma_start3A = arith.constant 8960 : i32
      %dma_start3A_207 = tpu.memref_slice %arg9[%dma_start3A] : memref<10240xi32, #tpu.memory_space<vmem>> -> memref<640xi32, #tpu.memory_space<vmem>>
      %dma_start3A_208 = tpu.memref_slice %arg19[%run_scoped3A_187, %run_scoped3A_188, %mul3A_186] : memref<16x1x10240xi32, #tpu.memory_space<vmem_shared>> -> memref<1x1x640xi32, #tpu.memory_space<vmem_shared>>
      %dma_start3A_209 = tpu.memref_squeeze %dma_start3A_208 : memref<1x1x640xi32, #tpu.memory_space<vmem_shared>> -> memref<640xi32, #tpu.memory_space<vmem_shared>>
      %dma_start3A_210 = arith.constant 8960 : i32
      %dma_start3A_211 = tpu.memref_slice %arg9[%dma_start3A_210] : memref<10240xi32, #tpu.memory_space<vmem>> -> memref<640xi32, #tpu.memory_space<vmem>>
      %dma_start3A_212 = tpu.memref_slice %arg19[%run_scoped3A_187, %run_scoped3A_188, %mul3A_186] : memref<16x1x10240xi32, #tpu.memory_space<vmem_shared>> -> memref<1x1x640xi32, #tpu.memory_space<vmem_shared>>
      %dma_start3A_213 = tpu.memref_squeeze %dma_start3A_212 : memref<1x1x640xi32, #tpu.memory_space<vmem_shared>> -> memref<640xi32, #tpu.memory_space<vmem_shared>>
      tpu.enqueue_dma source(%dma_start3A_213 : memref<640xi32, #tpu.memory_space<vmem_shared>>) target(%dma_start3A_211 : memref<640xi32, #tpu.memory_space<vmem>>) target_semaphore(%run_scoped3A_206 : memref<!tpu.dma_semaphore, #tpu.memory_space<semaphore_mem>>)
      %dma_wait3A = arith.constant 8960 : i32
      %dma_wait3A_214 = tpu.memref_slice %arg9[%dma_wait3A] : memref<10240xi32, #tpu.memory_space<vmem>> -> memref<640xi32, #tpu.memory_space<vmem>>
      %dma_wait3A_215 = tpu.memref_slice %arg19[%run_scoped3A_187, %run_scoped3A_188, %mul3A_186] : memref<16x1x10240xi32, #tpu.memory_space<vmem_shared>> -> memref<1x1x640xi32, #tpu.memory_space<vmem_shared>>
      %dma_wait3A_216 = tpu.memref_squeeze %dma_wait3A_215 : memref<1x1x640xi32, #tpu.memory_space<vmem_shared>> -> memref<640xi32, #tpu.memory_space<vmem_shared>>
      %dma_wait3A_217 = arith.constant 8960 : i32
      %dma_wait3A_218 = tpu.memref_slice %arg9[%dma_wait3A_217] : memref<10240xi32, #tpu.memory_space<vmem>> -> memref<640xi32, #tpu.memory_space<vmem>>
      %dma_wait3A_219 = tpu.memref_slice %arg19[%run_scoped3A_187, %run_scoped3A_188, %mul3A_186] : memref<16x1x10240xi32, #tpu.memory_space<vmem_shared>> -> memref<1x1x640xi32, #tpu.memory_space<vmem_shared>>
      %dma_wait3A_220 = tpu.memref_squeeze %dma_wait3A_219 : memref<1x1x640xi32, #tpu.memory_space<vmem_shared>> -> memref<640xi32, #tpu.memory_space<vmem_shared>>
      tpu.wait_dma2 semaphore(%run_scoped3A_206 : memref<!tpu.dma_semaphore, #tpu.memory_space<semaphore_mem>>) src(%dma_wait3A_220 : memref<640xi32, #tpu.memory_space<vmem_shared>>) dst(%dma_wait3A_218 : memref<640xi32, #tpu.memory_space<vmem>>)
      tpu.yield
    }) : () -> ()
    %mul3A_189 = arith.constant 640 : i32
    %mul3A_190 = arith.muli %arg1, %mul3A_189 : i32
    %run_scoped3A_191 = arith.constant 15 : i32
    %run_scoped3A_192 = arith.constant 0 : i32
    "tpu.region"() ({
      %run_scoped3A_206 = tpu.sem_alloc : memref<!tpu.dma_semaphore, #tpu.memory_space<semaphore_mem>>
      %dma_start3A = arith.constant 9600 : i32
      %dma_start3A_207 = tpu.memref_slice %arg9[%dma_start3A] : memref<10240xi32, #tpu.memory_space<vmem>> -> memref<640xi32, #tpu.memory_space<vmem>>
      %dma_start3A_208 = tpu.memref_slice %arg19[%run_scoped3A_191, %run_scoped3A_192, %mul3A_190] : memref<16x1x10240xi32, #tpu.memory_space<vmem_shared>> -> memref<1x1x640xi32, #tpu.memory_space<vmem_shared>>
      %dma_start3A_209 = tpu.memref_squeeze %dma_start3A_208 : memref<1x1x640xi32, #tpu.memory_space<vmem_shared>> -> memref<640xi32, #tpu.memory_space<vmem_shared>>
      %dma_start3A_210 = arith.constant 9600 : i32
      %dma_start3A_211 = tpu.memref_slice %arg9[%dma_start3A_210] : memref<10240xi32, #tpu.memory_space<vmem>> -> memref<640xi32, #tpu.memory_space<vmem>>
      %dma_start3A_212 = tpu.memref_slice %arg19[%run_scoped3A_191, %run_scoped3A_192, %mul3A_190] : memref<16x1x10240xi32, #tpu.memory_space<vmem_shared>> -> memref<1x1x640xi32, #tpu.memory_space<vmem_shared>>
      %dma_start3A_213 = tpu.memref_squeeze %dma_start3A_212 : memref<1x1x640xi32, #tpu.memory_space<vmem_shared>> -> memref<640xi32, #tpu.memory_space<vmem_shared>>
      tpu.enqueue_dma source(%dma_start3A_213 : memref<640xi32, #tpu.memory_space<vmem_shared>>) target(%dma_start3A_211 : memref<640xi32, #tpu.memory_space<vmem>>) target_semaphore(%run_scoped3A_206 : memref<!tpu.dma_semaphore, #tpu.memory_space<semaphore_mem>>)
      %dma_wait3A = arith.constant 9600 : i32
      %dma_wait3A_214 = tpu.memref_slice %arg9[%dma_wait3A] : memref<10240xi32, #tpu.memory_space<vmem>> -> memref<640xi32, #tpu.memory_space<vmem>>
      %dma_wait3A_215 = tpu.memref_slice %arg19[%run_scoped3A_191, %run_scoped3A_192, %mul3A_190] : memref<16x1x10240xi32, #tpu.memory_space<vmem_shared>> -> memref<1x1x640xi32, #tpu.memory_space<vmem_shared>>
      %dma_wait3A_216 = tpu.memref_squeeze %dma_wait3A_215 : memref<1x1x640xi32, #tpu.memory_space<vmem_shared>> -> memref<640xi32, #tpu.memory_space<vmem_shared>>
      %dma_wait3A_217 = arith.constant 9600 : i32
      %dma_wait3A_218 = tpu.memref_slice %arg9[%dma_wait3A_217] : memref<10240xi32, #tpu.memory_space<vmem>> -> memref<640xi32, #tpu.memory_space<vmem>>
      %dma_wait3A_219 = tpu.memref_slice %arg19[%run_scoped3A_191, %run_scoped3A_192, %mul3A_190] : memref<16x1x10240xi32, #tpu.memory_space<vmem_shared>> -> memref<1x1x640xi32, #tpu.memory_space<vmem_shared>>
      %dma_wait3A_220 = tpu.memref_squeeze %dma_wait3A_219 : memref<1x1x640xi32, #tpu.memory_space<vmem_shared>> -> memref<640xi32, #tpu.memory_space<vmem_shared>>
      tpu.wait_dma2 semaphore(%run_scoped3A_206 : memref<!tpu.dma_semaphore, #tpu.memory_space<semaphore_mem>>) src(%dma_wait3A_220 : memref<640xi32, #tpu.memory_space<vmem_shared>>) dst(%dma_wait3A_218 : memref<640xi32, #tpu.memory_space<vmem>>)
      tpu.yield
    }) : () -> ()
    %scan3A_193 = arith.constant 0 : i32
    %scan3A_194 = arith.constant 0 : i32
    %scan3A_195 = arith.constant 1920 : i32
    %scan3A_196 = arith.addi %scan3A_194, %scan3A_195 : i32
    %scan3A_197 = arith.constant 1 : i32
    scf.for %scan3A_206 = %scan3A_194 to %scan3A_196 step %scan3A_197  : i32 {
      %broadcast_in_dim3A_207 = arith.constant 0.000000e+00 : f32
      %broadcast_in_dim3A_208 = vector.broadcast %broadcast_in_dim3A_207 : f32 to vector<16xf32>
      %mul3A_209 = arith.constant 16 : i32
      %mul3A_210 = arith.muli %scan3A_206, %mul3A_209 : i32
      %swap3A = arith.index_cast %mul3A_210 : i32 to index
      %swap3A_211 = tpu.vector_load %arg15[%swap3A] {strides = array<i32>} : memref<30720xf32, #tpu.memory_space<vmem>>, vector<16xf32>,
      tpu.vector_store %arg15[%swap3A], %broadcast_in_dim3A_208 {strides = array<i32>} : memref<30720xf32, #tpu.memory_space<vmem>>, vector<16xf32>,
    }
    %scan3A_198 = arith.constant 1920 : i32
    %scan3A_199 = arith.constant 0 : i32
    %scan3A_200 = arith.constant 0 : i32
    %scan3A_201 = arith.constant 313 : i32
    %scan3A_202 = arith.addi %scan3A_200, %scan3A_201 : i32
    %scan3A_203 = arith.constant 1 : i32
    scf.for %scan3A_206 = %scan3A_200 to %scan3A_202 step %scan3A_203  : i32 {
      %mul3A_207 = arith.constant 16 : i32
      %mul3A_208 = arith.muli %scan3A_206, %mul3A_207 : i32
      %get3A = arith.index_cast %mul3A_208 : i32 to index
      %get3A_209 = tpu.vector_load %arg11[%get3A] {strides = array<i32>} : memref<5008xi32, #tpu.memory_space<vmem>>, vector<16xi32>,
      %shift_right_logical3A = arith.constant 13 : i32
      %shift_right_logical3A_210 = vector.broadcast %shift_right_logical3A : i32 to vector<16xi32>
      %shift_right_logical3A_211 = arith.shrui %get3A_209, %shift_right_logical3A_210 : vector<16xi32>
      %and3A = arith.constant 8191 : i32
      %and3A_212 = vector.broadcast %and3A : i32 to vector<16xi32>
      %and3A_213 = arith.andi %get3A_209, %and3A_212 : vector<16xi32>
      %get3A_214 = arith.index_cast %mul3A_208 : i32 to index
      %get3A_215 = tpu.vector_load %arg10[%get3A_214] {strides = array<i32>} : memref<5008xi32, #tpu.memory_space<vmem>>, vector<16xi32>,
      %get3A_216 = arith.index_cast %mul3A_208 : i32 to index
      %get3A_217 = tpu.vector_load %arg12[%get3A_216] {strides = array<i32>} : memref<5008xi32, #tpu.memory_space<vmem>>, vector<16xi32>,
      %and3A_218 = arith.constant -65536 : i32
      %and3A_219 = vector.broadcast %and3A_218 : i32 to vector<16xi32>
      %and3A_220 = arith.andi %get3A_217, %and3A_219 : vector<16xi32>
      %bitcast3A = vector.bitcast %and3A_220 : vector<16xi32> to vector<16xf32>
      %shift_left3A = arith.constant 16 : i32
      %shift_left3A_221 = vector.broadcast %shift_left3A : i32 to vector<16xi32>
      %shift_left3A_222 = arith.shli %get3A_217, %shift_left3A_221 : vector<16xi32>
      %bitcast3A_223 = vector.bitcast %shift_left3A_222 : vector<16xi32> to vector<16xf32>
      %gather3A = tpu.vector_load_idx %arg13[%get3A_215] : memref<10000xi32, #tpu.memory_space<vmem>>[vector<16xi32>], vector<16xi32>,
      %and3A_224 = arith.constant -65536 : i32
      %and3A_225 = vector.broadcast %and3A_224 : i32 to vector<16xi32>
      %and3A_226 = arith.andi %gather3A, %and3A_225 : vector<16xi32>
      %bitcast3A_227 = vector.bitcast %and3A_226 : vector<16xi32> to vector<16xf32>
      %shift_left3A_228 = arith.constant 16 : i32
      %shift_left3A_229 = vector.broadcast %shift_left3A_228 : i32 to vector<16xi32>
      %shift_left3A_230 = arith.shli %gather3A, %shift_left3A_229 : vector<16xi32>
      %bitcast3A_231 = vector.bitcast %shift_left3A_230 : vector<16xi32> to vector<16xf32>
      %gather3A_232 = tpu.vector_load_idx %arg9[%shift_right_logical3A_211] : memref<10240xi32, #tpu.memory_space<vmem>>[vector<16xi32>], vector<16xi32>,
      %add3A_233 = arith.addi %gather3A_232, %and3A_213 : vector<16xi32>
      %lt3A = arith.constant 3 : i32
      %lt3A_234 = vector.broadcast %lt3A : i32 to vector<16xi32>
      %lt3A_235 = arith.cmpi slt, %add3A_233, %lt3A_234 : vector<16xi32>
      %min3A = arith.constant 2 : i32
      %min3A_236 = vector.broadcast %min3A : i32 to vector<16xi32>
      %min3A_237 = arith.minsi %add3A_233, %min3A_236 : vector<16xi32>
      %mul3A_238 = arith.constant 12 : i32
      %mul3A_239 = vector.broadcast %mul3A_238 : i32 to vector<16xi32>
      %mul3A_240 = arith.muli %min3A_237, %mul3A_239 : vector<16xi32>
      %add3A_241 = arith.constant 0 : i32
      %add3A_242 = vector.broadcast %add3A_241 : i32 to vector<16xi32>
      %add3A_243 = arith.addi %mul3A_240, %add3A_242 : vector<16xi32>
      %gather3A_244 = tpu.vector_load_idx %arg14[%add3A_243] : memref<48xf32, #tpu.memory_space<vmem>>[vector<16xi32>], vector<16xf32>,
      %add3A_245 = arith.constant 1 : i32
      %add3A_246 = vector.broadcast %add3A_245 : i32 to vector<16xi32>
      %add3A_247 = arith.addi %mul3A_240, %add3A_246 : vector<16xi32>
      %gather3A_248 = tpu.vector_load_idx %arg14[%add3A_247] : memref<48xf32, #tpu.memory_space<vmem>>[vector<16xi32>], vector<16xf32>,
      %add3A_249 = arith.constant 2 : i32
      %add3A_250 = vector.broadcast %add3A_249 : i32 to vector<16xi32>
      %add3A_251 = arith.addi %mul3A_240, %add3A_250 : vector<16xi32>
      %gather3A_252 = tpu.vector_load_idx %arg14[%add3A_251] : memref<48xf32, #tpu.memory_space<vmem>>[vector<16xi32>], vector<16xf32>,
      %add3A_253 = arith.constant 3 : i32
      %add3A_254 = vector.broadcast %add3A_253 : i32 to vector<16xi32>
      %add3A_255 = arith.addi %mul3A_240, %add3A_254 : vector<16xi32>
      %gather3A_256 = tpu.vector_load_idx %arg14[%add3A_255] : memref<48xf32, #tpu.memory_space<vmem>>[vector<16xi32>], vector<16xf32>,
      %add3A_257 = arith.constant 4 : i32
      %add3A_258 = vector.broadcast %add3A_257 : i32 to vector<16xi32>
      %add3A_259 = arith.addi %mul3A_240, %add3A_258 : vector<16xi32>
      %gather3A_260 = tpu.vector_load_idx %arg14[%add3A_259] : memref<48xf32, #tpu.memory_space<vmem>>[vector<16xi32>], vector<16xf32>,
      %add3A_261 = arith.constant 5 : i32
      %add3A_262 = vector.broadcast %add3A_261 : i32 to vector<16xi32>
      %add3A_263 = arith.addi %mul3A_240, %add3A_262 : vector<16xi32>
      %gather3A_264 = tpu.vector_load_idx %arg14[%add3A_263] : memref<48xf32, #tpu.memory_space<vmem>>[vector<16xi32>], vector<16xf32>,
      %add3A_265 = arith.constant 6 : i32
      %add3A_266 = vector.broadcast %add3A_265 : i32 to vector<16xi32>
      %add3A_267 = arith.addi %mul3A_240, %add3A_266 : vector<16xi32>
      %gather3A_268 = tpu.vector_load_idx %arg14[%add3A_267] : memref<48xf32, #tpu.memory_space<vmem>>[vector<16xi32>], vector<16xf32>,
      %add3A_269 = arith.constant 7 : i32
      %add3A_270 = vector.broadcast %add3A_269 : i32 to vector<16xi32>
      %add3A_271 = arith.addi %mul3A_240, %add3A_270 : vector<16xi32>
      %gather3A_272 = tpu.vector_load_idx %arg14[%add3A_271] : memref<48xf32, #tpu.memory_space<vmem>>[vector<16xi32>], vector<16xf32>,
      %add3A_273 = arith.constant 8 : i32
      %add3A_274 = vector.broadcast %add3A_273 : i32 to vector<16xi32>
      %add3A_275 = arith.addi %mul3A_240, %add3A_274 : vector<16xi32>
      %gather3A_276 = tpu.vector_load_idx %arg14[%add3A_275] : memref<48xf32, #tpu.memory_space<vmem>>[vector<16xi32>], vector<16xf32>,
      %add3A_277 = arith.constant 9 : i32
      %add3A_278 = vector.broadcast %add3A_277 : i32 to vector<16xi32>
      %add3A_279 = arith.addi %mul3A_240, %add3A_278 : vector<16xi32>
      %gather3A_280 = tpu.vector_load_idx %arg14[%add3A_279] : memref<48xf32, #tpu.memory_space<vmem>>[vector<16xi32>], vector<16xf32>,
      %add3A_281 = arith.constant 10 : i32
      %add3A_282 = vector.broadcast %add3A_281 : i32 to vector<16xi32>
      %add3A_283 = arith.addi %mul3A_240, %add3A_282 : vector<16xi32>
      %gather3A_284 = tpu.vector_load_idx %arg14[%add3A_283] : memref<48xf32, #tpu.memory_space<vmem>>[vector<16xi32>], vector<16xf32>,
      %add3A_285 = arith.constant 11 : i32
      %add3A_286 = vector.broadcast %add3A_285 : i32 to vector<16xi32>
      %add3A_287 = arith.addi %mul3A_240, %add3A_286 : vector<16xi32>
      %gather3A_288 = tpu.vector_load_idx %arg14[%add3A_287] : memref<48xf32, #tpu.memory_space<vmem>>[vector<16xi32>], vector<16xf32>,
      %mul3A_289 = arith.mulf %bitcast3A, %gather3A_244 : vector<16xf32>
      %mul3A_290 = arith.mulf %bitcast3A_223, %gather3A_248 : vector<16xf32>
      %add3A_291 = arith.addf %mul3A_289, %mul3A_290 : vector<16xf32>
      %mul3A_292 = arith.mulf %bitcast3A_227, %gather3A_252 : vector<16xf32>
      %add3A_293 = arith.addf %add3A_291, %mul3A_292 : vector<16xf32>
      %mul3A_294 = arith.mulf %bitcast3A_231, %gather3A_256 : vector<16xf32>
      %add3A_295 = arith.addf %add3A_293, %mul3A_294 : vector<16xf32>
      %add3A_296 = arith.constant 0 : i32
      %add3A_297 = vector.broadcast %add3A_296 : i32 to vector<16xi32>
      %add3A_298 = arith.addi %add3A_297, %shift_right_logical3A_211 : vector<16xi32>
      tpu.vector_store_idx %arg15[%add3A_298], %add3A_295 masked %lt3A_235 {add = true} : memref<30720xf32, #tpu.memory_space<vmem>>[vector<16xi32>], vector<16xf32>, vector<16xi1>
      %mul3A_299 = arith.mulf %bitcast3A, %gather3A_260 : vector<16xf32>
      %mul3A_300 = arith.mulf %bitcast3A_223, %gather3A_264 : vector<16xf32>
      %add3A_301 = arith.addf %mul3A_299, %mul3A_300 : vector<16xf32>
      %mul3A_302 = arith.mulf %bitcast3A_227, %gather3A_268 : vector<16xf32>
      %add3A_303 = arith.addf %add3A_301, %mul3A_302 : vector<16xf32>
      %mul3A_304 = arith.mulf %bitcast3A_231, %gather3A_272 : vector<16xf32>
      %add3A_305 = arith.addf %add3A_303, %mul3A_304 : vector<16xf32>
      %add3A_306 = arith.constant 10240 : i32
      %add3A_307 = vector.broadcast %add3A_306 : i32 to vector<16xi32>
      %add3A_308 = arith.addi %add3A_307, %shift_right_logical3A_211 : vector<16xi32>
      tpu.vector_store_idx %arg15[%add3A_308], %add3A_305 masked %lt3A_235 {add = true} : memref<30720xf32, #tpu.memory_space<vmem>>[vector<16xi32>], vector<16xf32>, vector<16xi1>
      %mul3A_309 = arith.mulf %bitcast3A, %gather3A_276 : vector<16xf32>
      %mul3A_310 = arith.mulf %bitcast3A_223, %gather3A_280 : vector<16xf32>
      %add3A_311 = arith.addf %mul3A_309, %mul3A_310 : vector<16xf32>
      %mul3A_312 = arith.mulf %bitcast3A_227, %gather3A_284 : vector<16xf32>
      %add3A_313 = arith.addf %add3A_311, %mul3A_312 : vector<16xf32>
      %mul3A_314 = arith.mulf %bitcast3A_231, %gather3A_288 : vector<16xf32>
      %add3A_315 = arith.addf %add3A_313, %mul3A_314 : vector<16xf32>
      %add3A_316 = arith.constant 20480 : i32
      %add3A_317 = vector.broadcast %add3A_316 : i32 to vector<16xi32>
      %add3A_318 = arith.addi %add3A_317, %shift_right_logical3A_211 : vector<16xi32>
      tpu.vector_store_idx %arg15[%add3A_318], %add3A_315 masked %lt3A_235 {add = true} : memref<30720xf32, #tpu.memory_space<vmem>>[vector<16xi32>], vector<16xf32>, vector<16xi1>
    }
    %scan3A_204 = arith.constant 313 : i32
    %run_scoped3A_205 = arith.constant 0 : i32
    "tpu.region"() ({
      %run_scoped3A_206 = tpu.sem_alloc : memref<!tpu.dma_semaphore, #tpu.memory_space<semaphore_mem>>
      %dma_start3A = arith.constant 0 : i32
      %dma_start3A_207 = tpu.memref_slice %arg8[%add3A, %run_scoped3A_205, %dma_start3A] : memref<32x1x30720xf32, #tpu.memory_space<hbm>> -> memref<1x1x30720xf32, #tpu.memory_space<hbm>>
      %dma_start3A_208 = tpu.memref_squeeze %dma_start3A_207 : memref<1x1x30720xf32, #tpu.memory_space<hbm>> -> memref<30720xf32, #tpu.memory_space<hbm>>
      %dma_start3A_209 = arith.constant 0 : i32
      %dma_start3A_210 = tpu.memref_slice %arg8[%add3A, %run_scoped3A_205, %dma_start3A_209] : memref<32x1x30720xf32, #tpu.memory_space<hbm>> -> memref<1x1x30720xf32, #tpu.memory_space<hbm>>
      %dma_start3A_211 = tpu.memref_squeeze %dma_start3A_210 : memref<1x1x30720xf32, #tpu.memory_space<hbm>> -> memref<30720xf32, #tpu.memory_space<hbm>>
      tpu.enqueue_dma source(%arg15 : memref<30720xf32, #tpu.memory_space<vmem>>) target(%dma_start3A_211 : memref<30720xf32, #tpu.memory_space<hbm>>) target_semaphore(%run_scoped3A_206 : memref<!tpu.dma_semaphore, #tpu.memory_space<semaphore_mem>>)
      %dma_wait3A = arith.constant 0 : i32
      %dma_wait3A_212 = tpu.memref_slice %arg8[%add3A, %run_scoped3A_205, %dma_wait3A] : memref<32x1x30720xf32, #tpu.memory_space<hbm>> -> memref<1x1x30720xf32, #tpu.memory_space<hbm>>
      %dma_wait3A_213 = tpu.memref_squeeze %dma_wait3A_212 : memref<1x1x30720xf32, #tpu.memory_space<hbm>> -> memref<30720xf32, #tpu.memory_space<hbm>>
      %dma_wait3A_214 = arith.constant 0 : i32
      %dma_wait3A_215 = tpu.memref_slice %arg8[%add3A, %run_scoped3A_205, %dma_wait3A_214] : memref<32x1x30720xf32, #tpu.memory_space<hbm>> -> memref<1x1x30720xf32, #tpu.memory_space<hbm>>
      %dma_wait3A_216 = tpu.memref_squeeze %dma_wait3A_215 : memref<1x1x30720xf32, #tpu.memory_space<hbm>> -> memref<30720xf32, #tpu.memory_space<hbm>>
      tpu.wait_dma2 semaphore(%run_scoped3A_206 : memref<!tpu.dma_semaphore, #tpu.memory_space<semaphore_mem>>) src(%arg15 : memref<30720xf32, #tpu.memory_space<vmem>>) dst(%dma_wait3A_216 : memref<30720xf32, #tpu.memory_space<hbm>>)
      tpu.yield
    }) : () -> ()
    return
  }
}

module attributes {stable_mosaic.version = 14 : i64} {
  func.func @_edge_mlp_body(%arg0: i32, %arg1: i32, %arg2: memref<2000x128xf32, #tpu.memory_space<vmem>>, %arg3: memref<128x1024xf32, #tpu.memory_space<vmem>>, %arg4: memref<1x1024xf32, #tpu.memory_space<vmem>>, %arg5: memref<1024x16xf32, #tpu.memory_space<vmem>>, %arg6: memref<1x16xf32, #tpu.memory_space<vmem>>, %arg7: memref<2000x8xi32, #tpu.memory_space<vmem>>, %arg8: memref<4x1024xf32, #tpu.memory_space<vmem>>) attributes {dimension_semantics = [#tpu.dimension_semantics<arbitrary>, #tpu.dimension_semantics<arbitrary>], iteration_bounds = array<i64: 2, 10>, scalar_prefetch = 0 : i64, scratch_operands = 1 : i64, tpu.core_type = #tpu.core_type<tc>, window_params = [{transform_indices = @transform_0, window_bounds = array<i64: 2000, 128>}, {pipeline_mode = #tpu.pipeline_mode<synchronous>, transform_indices = @transform_1, window_bounds = array<i64: 128, 1024>}, {pipeline_mode = #tpu.pipeline_mode<synchronous>, transform_indices = @transform_2, window_bounds = array<i64: 1, 1024>}, {pipeline_mode = #tpu.pipeline_mode<synchronous>, transform_indices = @transform_3, window_bounds = array<i64: 1024, 16>}, {pipeline_mode = #tpu.pipeline_mode<synchronous>, transform_indices = @transform_4, window_bounds = array<i64: 1, 16>}, {transform_indices = @transform_5, window_bounds = array<i64: 2000, 8>}]} {
    %eq3A = arith.constant 0 : i32
    %eq3A_0 = arith.cmpi eq, %arg0, %eq3A : i32
    %eq3A_1 = arith.constant 0 : i32
    %eq3A_2 = arith.cmpi eq, %arg1, %eq3A_1 : i32
    %and3A = arith.andi %eq3A_0, %eq3A_2 : i1
    %convert_element_type3A = arith.extui %and3A : i1 to i32
    %cond3A = arith.constant 0 : i32
    %cond3A_3 = arith.cmpi ne, %convert_element_type3A, %cond3A : i32
    scf.if %cond3A_3 {
      %broadcast_in_dim3A = arith.constant 0.000000e+00 : f32
      %broadcast_in_dim3A_32 = vector.broadcast %broadcast_in_dim3A : f32 to vector<4x1024xf32>
      %swap3A = arith.constant 0 : index
      %swap3A_33 = arith.constant 0 : index
      %swap3A_34 = vector.load %arg8[%swap3A, %swap3A_33] : memref<4x1024xf32, #tpu.memory_space<vmem>>, vector<4x1024xf32>
      tpu.vector_store %arg8[%swap3A, %swap3A_33], %broadcast_in_dim3A_32 {strides = array<i32>} : memref<4x1024xf32, #tpu.memory_space<vmem>>, vector<4x1024xf32>,
    } else {
    }
    %get3A = arith.constant 0 : index
    %get3A_4 = arith.constant 0 : index
    %get3A_5 = vector.load %arg2[%get3A, %get3A_4] : memref<2000x128xf32, #tpu.memory_space<vmem>>, vector<2000x128xf32>
    %get3A_6 = arith.constant 0 : index
    %get3A_7 = arith.constant 0 : index
    %get3A_8 = vector.load %arg3[%get3A_6, %get3A_7] : memref<128x1024xf32, #tpu.memory_space<vmem>>, vector<128x1024xf32>
    %dot_general3A = arith.constant dense<0.000000e+00> : vector<2000x1024xf32>
    %dot_general3A_9 = tpu.matmul %get3A_5, %get3A_8, %dot_general3A {dimension_numbers = #tpu.dot_dimension_numbers<[1], [0], [0], [1], [0, 0, 1, 1], [], []>, transpose_lhs_hint = false} : vector<2000x128xf32>, vector<128x1024xf32>, vector<2000x1024xf32> -> vector<2000x1024xf32>
    %get3A_10 = arith.constant 0 : index
    %get3A_11 = arith.constant 0 : index
    %get3A_12 = vector.load %arg4[%get3A_10, %get3A_11] : memref<1x1024xf32, #tpu.memory_space<vmem>>, vector<1x1024xf32>
    %add3A = vector.broadcast %get3A_12 : vector<1x1024xf32> to vector<2000x1024xf32>
    %add3A_13 = arith.addf %dot_general3A_9, %add3A : vector<2000x1024xf32>
    %eq3A_14 = arith.constant 0 : i32
    %eq3A_15 = arith.cmpi eq, %arg0, %eq3A_14 : i32
    %convert_element_type3A_16 = arith.extui %eq3A_15 : i1 to i32
    %cond3A_17 = arith.constant 0 : i32
    %cond3A_18 = arith.cmpi ne, %convert_element_type3A_16, %cond3A_17 : i32
    scf.if %cond3A_18 {
      %get3A_32 = arith.constant 0 : index
      %get3A_33 = arith.constant 0 : index
      %get3A_34 = vector.load %arg8[%get3A_32, %get3A_33] : memref<4x1024xf32, #tpu.memory_space<vmem>>, vector<1x1024xf32>
      %reduce_sum3A = arith.constant dense<0.000000e+00> : vector<1024xf32>
      %reduce_sum3A_35 = vector.multi_reduction <add>, %add3A_13, %reduce_sum3A [0] : vector<2000x1024xf32> to vector<1024xf32>
      %broadcast_in_dim3A = vector.shape_cast %reduce_sum3A_35 : vector<1024xf32> to vector<1x1024xf32>
      %add3A_36 = arith.addf %get3A_34, %broadcast_in_dim3A : vector<1x1024xf32>
      %swap3A = arith.constant 0 : index
      %swap3A_37 = arith.constant 0 : index
      %swap3A_38 = vector.load %arg8[%swap3A, %swap3A_37] : memref<4x1024xf32, #tpu.memory_space<vmem>>, vector<1x1024xf32>
      tpu.vector_store %arg8[%swap3A, %swap3A_37], %add3A_36 {strides = array<i32>} : memref<4x1024xf32, #tpu.memory_space<vmem>>, vector<1x1024xf32>,
      %get3A_39 = arith.constant 1 : index
      %get3A_40 = arith.constant 0 : index
      %get3A_41 = vector.load %arg8[%get3A_39, %get3A_40] : memref<4x1024xf32, #tpu.memory_space<vmem>>, vector<1x1024xf32>
      %mul3A = arith.mulf %add3A_13, %add3A_13 : vector<2000x1024xf32>
      %reduce_sum3A_42 = arith.constant dense<0.000000e+00> : vector<1024xf32>
      %reduce_sum3A_43 = vector.multi_reduction <add>, %mul3A, %reduce_sum3A_42 [0] : vector<2000x1024xf32> to vector<1024xf32>
      %broadcast_in_dim3A_44 = vector.shape_cast %reduce_sum3A_43 : vector<1024xf32> to vector<1x1024xf32>
      %add3A_45 = arith.addf %get3A_41, %broadcast_in_dim3A_44 : vector<1x1024xf32>
      %swap3A_46 = arith.constant 1 : index
      %swap3A_47 = arith.constant 0 : index
      %swap3A_48 = vector.load %arg8[%swap3A_46, %swap3A_47] : memref<4x1024xf32, #tpu.memory_space<vmem>>, vector<1x1024xf32>
      tpu.vector_store %arg8[%swap3A_46, %swap3A_47], %add3A_45 {strides = array<i32>} : memref<4x1024xf32, #tpu.memory_space<vmem>>, vector<1x1024xf32>,
      %broadcast_in_dim3A_49 = arith.constant 0 : i32
      %broadcast_in_dim3A_50 = vector.broadcast %broadcast_in_dim3A_49 : i32 to vector<2000x8xi32>
      %swap3A_51 = arith.constant 0 : index
      %swap3A_52 = arith.constant 0 : index
      %swap3A_53 = vector.load %arg7[%swap3A_51, %swap3A_52] : memref<2000x8xi32, #tpu.memory_space<vmem>>, vector<2000x8xi32>
      tpu.vector_store %arg7[%swap3A_51, %swap3A_52], %broadcast_in_dim3A_50 {strides = array<i32>} : memref<2000x8xi32, #tpu.memory_space<vmem>>, vector<2000x8xi32>,
    } else {
    }
    %eq3A_19 = arith.constant 0 : i32
    %eq3A_20 = arith.cmpi eq, %arg0, %eq3A_19 : i32
    %eq3A_21 = arith.constant 9 : i32
    %eq3A_22 = arith.cmpi eq, %arg1, %eq3A_21 : i32
    %and3A_23 = arith.andi %eq3A_20, %eq3A_22 : i1
    %convert_element_type3A_24 = arith.extui %and3A_23 : i1 to i32
    %cond3A_25 = arith.constant 0 : i32
    %cond3A_26 = arith.cmpi ne, %convert_element_type3A_24, %cond3A_25 : i32
    scf.if %cond3A_26 {
      %get3A_32 = arith.constant 0 : index
      %get3A_33 = arith.constant 0 : index
      %get3A_34 = vector.load %arg8[%get3A_32, %get3A_33] : memref<4x1024xf32, #tpu.memory_space<vmem>>, vector<1x1024xf32>
      %reshape3A = vector.shape_cast %get3A_34 : vector<1x1024xf32> to vector<8x128xf32>
      %reduce_sum3A = arith.constant dense<0.000000e+00> : vector<128xf32>
      %reduce_sum3A_35 = vector.multi_reduction <add>, %reshape3A, %reduce_sum3A [0] : vector<8x128xf32> to vector<128xf32>
      %broadcast_in_dim3A = vector.shape_cast %reduce_sum3A_35 : vector<128xf32> to vector<1x128xf32>
      %div3A = arith.constant 1.600000e+05 : f32
      %div3A_36 = vector.broadcast %div3A : f32 to vector<1x128xf32>
      %div3A_37 = arith.divf %broadcast_in_dim3A, %div3A_36 : vector<1x128xf32>
      %get3A_38 = arith.constant 1 : index
      %get3A_39 = arith.constant 0 : index
      %get3A_40 = vector.load %arg8[%get3A_38, %get3A_39] : memref<4x1024xf32, #tpu.memory_space<vmem>>, vector<1x1024xf32>
      %reshape3A_41 = vector.shape_cast %get3A_40 : vector<1x1024xf32> to vector<8x128xf32>
      %reduce_sum3A_42 = arith.constant dense<0.000000e+00> : vector<128xf32>
      %reduce_sum3A_43 = vector.multi_reduction <add>, %reshape3A_41, %reduce_sum3A_42 [0] : vector<8x128xf32> to vector<128xf32>
      %broadcast_in_dim3A_44 = vector.shape_cast %reduce_sum3A_43 : vector<128xf32> to vector<1x128xf32>
      %div3A_45 = arith.constant 1.600000e+05 : f32
      %div3A_46 = vector.broadcast %div3A_45 : f32 to vector<1x128xf32>
      %div3A_47 = arith.divf %broadcast_in_dim3A_44, %div3A_46 : vector<1x128xf32>
      %mul3A = arith.mulf %div3A_37, %div3A_37 : vector<1x128xf32>
      %sub3A = arith.subf %div3A_47, %mul3A : vector<1x128xf32>
      %add3A_48 = arith.constant 9.99999974E-6 : f32
      %add3A_49 = vector.broadcast %add3A_48 : f32 to vector<1x128xf32>
      %add3A_50 = arith.addf %sub3A, %add3A_49 : vector<1x128xf32>
      %rsqrt3A = math.rsqrt %add3A_50 : vector<1x128xf32>
      %concatenate3A = tpu.concatenate %div3A_37, %div3A_37, %div3A_37, %div3A_37, %div3A_37, %div3A_37, %div3A_37, %div3A_37 in 1 : vector<1x128xf32>, vector<1x128xf32>, vector<1x128xf32>, vector<1x128xf32>, vector<1x128xf32>, vector<1x128xf32>, vector<1x128xf32>, vector<1x128xf32> -> vector<1x1024xf32>
      %swap3A = arith.constant 2 : index
      %swap3A_51 = arith.constant 0 : index
      %swap3A_52 = vector.load %arg8[%swap3A, %swap3A_51] : memref<4x1024xf32, #tpu.memory_space<vmem>>, vector<1x1024xf32>
      tpu.vector_store %arg8[%swap3A, %swap3A_51], %concatenate3A {strides = array<i32>} : memref<4x1024xf32, #tpu.memory_space<vmem>>, vector<1x1024xf32>,
      %concatenate3A_53 = tpu.concatenate %rsqrt3A, %rsqrt3A, %rsqrt3A, %rsqrt3A, %rsqrt3A, %rsqrt3A, %rsqrt3A, %rsqrt3A in 1 : vector<1x128xf32>, vector<1x128xf32>, vector<1x128xf32>, vector<1x128xf32>, vector<1x128xf32>, vector<1x128xf32>, vector<1x128xf32>, vector<1x128xf32> -> vector<1x1024xf32>
      %swap3A_54 = arith.constant 3 : index
      %swap3A_55 = arith.constant 0 : index
      %swap3A_56 = vector.load %arg8[%swap3A_54, %swap3A_55] : memref<4x1024xf32, #tpu.memory_space<vmem>>, vector<1x1024xf32>
      tpu.vector_store %arg8[%swap3A_54, %swap3A_55], %concatenate3A_53 {strides = array<i32>} : memref<4x1024xf32, #tpu.memory_space<vmem>>, vector<1x1024xf32>,
    } else {
    }
    %eq3A_27 = arith.constant 1 : i32
    %eq3A_28 = arith.cmpi eq, %arg0, %eq3A_27 : i32
    %convert_element_type3A_29 = arith.extui %eq3A_28 : i1 to i32
    %cond3A_30 = arith.constant 0 : i32
    %cond3A_31 = arith.cmpi ne, %convert_element_type3A_29, %cond3A_30 : i32
    scf.if %cond3A_31 {
      %get3A_32 = arith.constant 2 : index
      %get3A_33 = arith.constant 0 : index
      %get3A_34 = vector.load %arg8[%get3A_32, %get3A_33] : memref<4x1024xf32, #tpu.memory_space<vmem>>, vector<1x1024xf32>
      %sub3A = vector.broadcast %get3A_34 : vector<1x1024xf32> to vector<2000x1024xf32>
      %sub3A_35 = arith.subf %add3A_13, %sub3A : vector<2000x1024xf32>
      %get3A_36 = arith.constant 3 : index
      %get3A_37 = arith.constant 0 : index
      %get3A_38 = vector.load %arg8[%get3A_36, %get3A_37] : memref<4x1024xf32, #tpu.memory_space<vmem>>, vector<1x1024xf32>
      %mul3A = vector.broadcast %get3A_38 : vector<1x1024xf32> to vector<2000x1024xf32>
      %mul3A_39 = arith.mulf %sub3A_35, %mul3A : vector<2000x1024xf32>
      %ge3A = arith.constant 0.000000e+00 : f32
      %ge3A_40 = vector.broadcast %ge3A : f32 to vector<2000x1024xf32>
      %ge3A_41 = arith.cmpf oge, %mul3A_39, %ge3A_40 : vector<2000x1024xf32>
      %mul3A_42 = arith.constant 0.00999999977 : f32
      %mul3A_43 = vector.broadcast %mul3A_42 : f32 to vector<2000x1024xf32>
      %mul3A_44 = arith.mulf %mul3A_43, %mul3A_39 : vector<2000x1024xf32>
      %select_n3A = arith.select %ge3A_41, %mul3A_39, %mul3A_44 : vector<2000x1024xi1>, vector<2000x1024xf32>
      %get3A_45 = arith.constant 0 : index
      %get3A_46 = arith.constant 0 : index
      %get3A_47 = vector.load %arg5[%get3A_45, %get3A_46] : memref<1024x16xf32, #tpu.memory_space<vmem>>, vector<1024x16xf32>
      %dot_general3A_48 = arith.constant dense<0.000000e+00> : vector<2000x16xf32>
      %dot_general3A_49 = tpu.matmul %select_n3A, %get3A_47, %dot_general3A_48 {dimension_numbers = #tpu.dot_dimension_numbers<[1], [0], [0], [1], [0, 0, 1, 1], [], []>, transpose_lhs_hint = false} : vector<2000x1024xf32>, vector<1024x16xf32>, vector<2000x16xf32> -> vector<2000x16xf32>
      %get3A_50 = arith.constant 0 : index
      %get3A_51 = arith.constant 0 : index
      %get3A_52 = vector.load %arg6[%get3A_50, %get3A_51] : memref<1x16xf32, #tpu.memory_space<vmem>>, vector<1x16xf32>
      %add3A_53 = vector.broadcast %get3A_52 : vector<1x16xf32> to vector<2000x16xf32>
      %add3A_54 = arith.addf %dot_general3A_49, %add3A_53 : vector<2000x16xf32>
      %tanh3A = math.tanh %add3A_54 : vector<2000x16xf32>
      %mul3A_55 = arith.constant 3.14159274 : f32
      %mul3A_56 = vector.broadcast %mul3A_55 : f32 to vector<2000x16xf32>
      %mul3A_57 = arith.mulf %tanh3A, %mul3A_56 : vector<2000x16xf32>
      %slice3A = vector.extract_strided_slice %mul3A_57 {offsets = [0, 0], sizes = [2000, 8], strides = [1, 1]} : vector<2000x16xf32> to vector<2000x8xf32>
      %convert_element_type3A_58 = arith.truncf %slice3A : vector<2000x8xf32> to vector<2000x8xbf16>
      %convert_element_type3A_59 = arith.extf %convert_element_type3A_58 : vector<2000x8xbf16> to vector<2000x8xf32>
      %bitcast_convert_type3A = tpu.bitcast %convert_element_type3A_59 : vector<2000x8xf32> -> vector<2000x8xi32>
      %slice3A_60 = vector.extract_strided_slice %mul3A_57 {offsets = [0, 8], sizes = [2000, 8], strides = [1, 1]} : vector<2000x16xf32> to vector<2000x8xf32>
      %convert_element_type3A_61 = arith.truncf %slice3A_60 : vector<2000x8xf32> to vector<2000x8xbf16>
      %convert_element_type3A_62 = arith.extf %convert_element_type3A_61 : vector<2000x8xbf16> to vector<2000x8xf32>
      %bitcast_convert_type3A_63 = tpu.bitcast %convert_element_type3A_62 : vector<2000x8xf32> -> vector<2000x8xi32>
      %and3A_64 = arith.constant -65536 : i32
      %and3A_65 = vector.broadcast %and3A_64 : i32 to vector<2000x8xi32>
      %and3A_66 = arith.andi %bitcast_convert_type3A, %and3A_65 : vector<2000x8xi32>
      %shift_right_logical3A = arith.constant 16 : i32
      %shift_right_logical3A_67 = vector.broadcast %shift_right_logical3A : i32 to vector<2000x8xi32>
      %shift_right_logical3A_68 = arith.shrui %bitcast_convert_type3A_63, %shift_right_logical3A_67 : vector<2000x8xi32>
      %or3A = arith.ori %and3A_66, %shift_right_logical3A_68 : vector<2000x8xi32>
      %swap3A = arith.constant 0 : index
      %swap3A_69 = arith.constant 0 : index
      %swap3A_70 = vector.load %arg7[%swap3A, %swap3A_69] : memref<2000x8xi32, #tpu.memory_space<vmem>>, vector<2000x8xi32>
      tpu.vector_store %arg7[%swap3A, %swap3A_69], %or3A {strides = array<i32>} : memref<2000x8xi32, #tpu.memory_space<vmem>>, vector<2000x8xi32>,
    } else {
    }
    return
  }
  func.func @transform_0(%arg0: i32, %arg1: i32) -> (i32, i32) {
    %c0_i32 = arith.constant 0 : i32
    %c0_i32_0 = arith.constant 0 : i32
    return %arg1, %c0_i32 : i32, i32
  }
  func.func @transform_1(%arg0: i32, %arg1: i32) -> (i32, i32) {
    %c0_i32 = arith.constant 0 : i32
    %c0_i32_0 = arith.constant 0 : i32
    %c0_i32_1 = arith.constant 0 : i32
    return %c0_i32, %c0_i32_0 : i32, i32
  }
  func.func @transform_2(%arg0: i32, %arg1: i32) -> (i32, i32) {
    %c0_i32 = arith.constant 0 : i32
    %c0_i32_0 = arith.constant 0 : i32
    %c0_i32_1 = arith.constant 0 : i32
    return %c0_i32, %c0_i32_0 : i32, i32
  }
  func.func @transform_3(%arg0: i32, %arg1: i32) -> (i32, i32) {
    %c0_i32 = arith.constant 0 : i32
    %c0_i32_0 = arith.constant 0 : i32
    %c0_i32_1 = arith.constant 0 : i32
    return %c0_i32, %c0_i32_0 : i32, i32
  }
  func.func @transform_4(%arg0: i32, %arg1: i32) -> (i32, i32) {
    %c0_i32 = arith.constant 0 : i32
    %c0_i32_0 = arith.constant 0 : i32
    %c0_i32_1 = arith.constant 0 : i32
    return %c0_i32, %c0_i32_0 : i32, i32
  }
  func.func @transform_5(%arg0: i32, %arg1: i32) -> (i32, i32) {
    %c0_i32 = arith.constant 0 : i32
    %c0_i32_0 = arith.constant 0 : i32
    return %arg1, %c0_i32 : i32, i32
  }
}

module attributes {stable_mosaic.version = 14 : i64} {
  func.func @_node_mlp_body(%arg0: memref<10000x128xf32, #tpu.memory_space<vmem>>, %arg1: memref<128x128xf32, #tpu.memory_space<vmem>>, %arg2: memref<1x128xf32, #tpu.memory_space<vmem>>, %arg3: memref<128x2xf32, #tpu.memory_space<vmem>>, %arg4: memref<2x1xf32, #tpu.memory_space<vmem>>, %arg5: memref<2x10000xf32, #tpu.memory_space<vmem>>) attributes {dimension_semantics = [], scalar_prefetch = 0 : i64, scratch_operands = 0 : i64, tpu.core_type = #tpu.core_type<tc>} {
    %get3A = arith.constant 0 : index
    %get3A_0 = arith.constant 0 : index
    %get3A_1 = vector.load %arg0[%get3A, %get3A_0] : memref<10000x128xf32, #tpu.memory_space<vmem>>, vector<10000x128xf32>
    %get3A_2 = arith.constant 0 : index
    %get3A_3 = arith.constant 0 : index
    %get3A_4 = vector.load %arg1[%get3A_2, %get3A_3] : memref<128x128xf32, #tpu.memory_space<vmem>>, vector<128x128xf32>
    %dot_general3A = arith.constant dense<0.000000e+00> : vector<10000x128xf32>
    %dot_general3A_5 = tpu.matmul %get3A_1, %get3A_4, %dot_general3A {dimension_numbers = #tpu.dot_dimension_numbers<[1], [0], [0], [1], [0, 0, 1, 1], [], []>, transpose_lhs_hint = false} : vector<10000x128xf32>, vector<128x128xf32>, vector<10000x128xf32> -> vector<10000x128xf32>
    %get3A_6 = arith.constant 0 : index
    %get3A_7 = arith.constant 0 : index
    %get3A_8 = vector.load %arg2[%get3A_6, %get3A_7] : memref<1x128xf32, #tpu.memory_space<vmem>>, vector<1x128xf32>
    %add3A = vector.broadcast %get3A_8 : vector<1x128xf32> to vector<10000x128xf32>
    %add3A_9 = arith.addf %dot_general3A_5, %add3A : vector<10000x128xf32>
    %reduce_sum3A = arith.constant dense<0.000000e+00> : vector<128xf32>
    %reduce_sum3A_10 = vector.multi_reduction <add>, %add3A_9, %reduce_sum3A [0] : vector<10000x128xf32> to vector<128xf32>
    %broadcast_in_dim3A = vector.shape_cast %reduce_sum3A_10 : vector<128xf32> to vector<1x128xf32>
    %div3A = arith.constant 1.000000e+04 : f32
    %div3A_11 = vector.broadcast %div3A : f32 to vector<1x128xf32>
    %div3A_12 = arith.divf %broadcast_in_dim3A, %div3A_11 : vector<1x128xf32>
    %sub3A = vector.broadcast %div3A_12 : vector<1x128xf32> to vector<10000x128xf32>
    %sub3A_13 = arith.subf %add3A_9, %sub3A : vector<10000x128xf32>
    %integer_pow3A = arith.mulf %sub3A_13, %sub3A_13 : vector<10000x128xf32>
    %reduce_sum3A_14 = arith.constant dense<0.000000e+00> : vector<128xf32>
    %reduce_sum3A_15 = vector.multi_reduction <add>, %integer_pow3A, %reduce_sum3A_14 [0] : vector<10000x128xf32> to vector<128xf32>
    %broadcast_in_dim3A_16 = vector.shape_cast %reduce_sum3A_15 : vector<128xf32> to vector<1x128xf32>
    %div3A_17 = arith.constant 1.000000e+04 : f32
    %div3A_18 = vector.broadcast %div3A_17 : f32 to vector<1x128xf32>
    %div3A_19 = arith.divf %broadcast_in_dim3A_16, %div3A_18 : vector<1x128xf32>
    %sub3A_20 = vector.broadcast %div3A_12 : vector<1x128xf32> to vector<10000x128xf32>
    %sub3A_21 = arith.subf %add3A_9, %sub3A_20 : vector<10000x128xf32>
    %add3A_22 = arith.constant 9.99999974E-6 : f32
    %add3A_23 = vector.broadcast %add3A_22 : f32 to vector<1x128xf32>
    %add3A_24 = arith.addf %div3A_19, %add3A_23 : vector<1x128xf32>
    %rsqrt3A = math.rsqrt %add3A_24 : vector<1x128xf32>
    %mul3A = vector.broadcast %rsqrt3A : vector<1x128xf32> to vector<10000x128xf32>
    %mul3A_25 = arith.mulf %sub3A_21, %mul3A : vector<10000x128xf32>
    %ge3A = arith.constant 0.000000e+00 : f32
    %ge3A_26 = vector.broadcast %ge3A : f32 to vector<10000x128xf32>
    %ge3A_27 = arith.cmpf oge, %mul3A_25, %ge3A_26 : vector<10000x128xf32>
    %mul3A_28 = arith.constant 0.00999999977 : f32
    %mul3A_29 = vector.broadcast %mul3A_28 : f32 to vector<10000x128xf32>
    %mul3A_30 = arith.mulf %mul3A_29, %mul3A_25 : vector<10000x128xf32>
    %select_n3A = arith.select %ge3A_27, %mul3A_25, %mul3A_30 : vector<10000x128xi1>, vector<10000x128xf32>
    %get3A_31 = arith.constant 0 : index
    %get3A_32 = arith.constant 0 : index
    %get3A_33 = vector.load %arg3[%get3A_31, %get3A_32] : memref<128x2xf32, #tpu.memory_space<vmem>>, vector<128x2xf32>
    %dot_general3A_34 = arith.constant dense<0.000000e+00> : vector<2x10000xf32>
    %dot_general3A_35 = tpu.matmul %get3A_33, %select_n3A, %dot_general3A_34 {dimension_numbers = #tpu.dot_dimension_numbers<[0], [1], [1], [0], [0, 1, 1, 0], [], []>, transpose_lhs_hint = false} : vector<128x2xf32>, vector<10000x128xf32>, vector<2x10000xf32> -> vector<2x10000xf32>
    %get3A_36 = arith.constant 0 : index
    %get3A_37 = arith.constant 0 : index
    %get3A_38 = vector.load %arg4[%get3A_36, %get3A_37] : memref<2x1xf32, #tpu.memory_space<vmem>>, vector<2x1xf32>
    %add3A_39 = vector.broadcast %get3A_38 : vector<2x1xf32> to vector<2x10000xf32>
    %add3A_40 = arith.addf %dot_general3A_35, %add3A_39 : vector<2x10000xf32>
    %tanh3A = math.tanh %add3A_40 : vector<2x10000xf32>
    %mul3A_41 = arith.constant 3.14159274 : f32
    %mul3A_42 = vector.broadcast %mul3A_41 : f32 to vector<2x10000xf32>
    %mul3A_43 = arith.mulf %tanh3A, %mul3A_42 : vector<2x10000xf32>
    %swap3A = arith.constant 0 : index
    %swap3A_44 = arith.constant 0 : index
    %swap3A_45 = vector.load %arg5[%swap3A, %swap3A_44] : memref<2x10000xf32, #tpu.memory_space<vmem>>, vector<2x10000xf32>
    tpu.vector_store %arg5[%swap3A, %swap3A_44], %mul3A_43 {strides = array<i32>} : memref<2x10000xf32, #tpu.memory_space<vmem>>, vector<2x10000xf32>,
    return
  }
}

module attributes {stable_mosaic.version = 14 : i64} {
  func.func @_tail_body(%arg0: memref<2x10000xf32, #tpu.memory_space<vmem>>, %arg1: memref<32x30720xf32, #tpu.memory_space<vmem>>, %arg2: memref<32x10240xi32, #tpu.memory_space<vmem>>, %arg3: memref<10000x1xi32, #tpu.memory_space<vmem>>, %arg4: memref<2x3xf32, #tpu.memory_space<vmem>>, %arg5: memref<2x128xf32, #tpu.memory_space<vmem>>, %arg6: memref<3x128xf32, #tpu.memory_space<vmem>>, %arg7: memref<128x1xf32, #tpu.memory_space<vmem>>, %arg8: memref<128x2xf32, #tpu.memory_space<vmem>>, %arg9: memref<2x1xf32, #tpu.memory_space<vmem>>, %arg10: memref<2x1xf32, #tpu.memory_space<vmem>>, %arg11: memref<2x1xf32, #tpu.memory_space<vmem>>, %arg12: memref<2x128xf32, #tpu.memory_space<vmem>>, %arg13: memref<128x1xf32, #tpu.memory_space<vmem>>, %arg14: memref<128x128xf32, #tpu.memory_space<vmem>>, %arg15: memref<128x1xf32, #tpu.memory_space<vmem>>, %arg16: memref<128x2xf32, #tpu.memory_space<vmem>>, %arg17: memref<1x2xf32, #tpu.memory_space<vmem>>, %arg18: memref<64x2xf32, #tpu.memory_space<vmem>>) attributes {dimension_semantics = [], scalar_prefetch = 0 : i64, scratch_operands = 0 : i64, tpu.core_type = #tpu.core_type<tc>} {
    %get3A = arith.constant 0 : index
    %get3A_0 = arith.constant 0 : index
    %get3A_1 = vector.load %arg0[%get3A, %get3A_0] : memref<2x10000xf32, #tpu.memory_space<vmem>>, vector<2x10000xf32>
    %get3A_2 = arith.constant 0 : index
    %get3A_3 = arith.constant 0 : index
    %get3A_4 = vector.load %arg1[%get3A_2, %get3A_3] : memref<32x30720xf32, #tpu.memory_space<vmem>>, vector<32x30720xf32>
    %slice3A = vector.extract_strided_slice %get3A_4 {offsets = [0, 0], sizes = [32, 10000], strides = [1, 1]} : vector<32x30720xf32> to vector<32x10000xf32>
    %reduce_sum3A = arith.constant dense<0.000000e+00> : vector<10000xf32>
    %reduce_sum3A_5 = vector.multi_reduction <add>, %slice3A, %reduce_sum3A [0] : vector<32x10000xf32> to vector<10000xf32>
    %broadcast_in_dim3A = vector.shape_cast %reduce_sum3A_5 : vector<10000xf32> to vector<1x10000xf32>
    %slice3A_6 = vector.extract_strided_slice %get3A_4 {offsets = [0, 10240], sizes = [32, 10000], strides = [1, 1]} : vector<32x30720xf32> to vector<32x10000xf32>
    %reduce_sum3A_7 = arith.constant dense<0.000000e+00> : vector<10000xf32>
    %reduce_sum3A_8 = vector.multi_reduction <add>, %slice3A_6, %reduce_sum3A_7 [0] : vector<32x10000xf32> to vector<10000xf32>
    %broadcast_in_dim3A_9 = vector.shape_cast %reduce_sum3A_8 : vector<10000xf32> to vector<1x10000xf32>
    %slice3A_10 = vector.extract_strided_slice %get3A_4 {offsets = [0, 20480], sizes = [32, 10000], strides = [1, 1]} : vector<32x30720xf32> to vector<32x10000xf32>
    %reduce_sum3A_11 = arith.constant dense<0.000000e+00> : vector<10000xf32>
    %reduce_sum3A_12 = vector.multi_reduction <add>, %slice3A_10, %reduce_sum3A_11 [0] : vector<32x10000xf32> to vector<10000xf32>
    %broadcast_in_dim3A_13 = vector.shape_cast %reduce_sum3A_12 : vector<10000xf32> to vector<1x10000xf32>
    %concatenate3A = tpu.concatenate %broadcast_in_dim3A, %broadcast_in_dim3A_9, %broadcast_in_dim3A_13 in 0 : vector<1x10000xf32>, vector<1x10000xf32>, vector<1x10000xf32> -> vector<3x10000xf32>
    %get3A_14 = arith.constant 0 : index
    %get3A_15 = arith.constant 0 : index
    %get3A_16 = vector.load %arg4[%get3A_14, %get3A_15] : memref<2x3xf32, #tpu.memory_space<vmem>>, vector<2x3xf32>
    %dot_general3A = arith.constant dense<0.000000e+00> : vector<3x10000xf32>
    %dot_general3A_17 = tpu.matmul %get3A_16, %get3A_1, %dot_general3A {dimension_numbers = #tpu.dot_dimension_numbers<[0], [0], [1], [1], [0, 1, 1, 1], [], []>, transpose_lhs_hint = false} : vector<2x3xf32>, vector<2x10000xf32>, vector<3x10000xf32> -> vector<3x10000xf32>
    %add3A = arith.addf %concatenate3A, %dot_general3A_17 : vector<3x10000xf32>
    %cos3A = math.cos %add3A : vector<3x10000xf32>
    %get3A_18 = arith.constant 0 : index
    %get3A_19 = arith.constant 0 : index
    %get3A_20 = vector.load %arg5[%get3A_18, %get3A_19] : memref<2x128xf32, #tpu.memory_space<vmem>>, vector<2x128xf32>
    %dot_general3A_21 = arith.constant dense<0.000000e+00> : vector<128x10000xf32>
    %dot_general3A_22 = tpu.matmul %get3A_20, %get3A_1, %dot_general3A_21 {dimension_numbers = #tpu.dot_dimension_numbers<[0], [0], [1], [1], [0, 1, 1, 1], [], []>, transpose_lhs_hint = false} : vector<2x128xf32>, vector<2x10000xf32>, vector<128x10000xf32> -> vector<128x10000xf32>
    %get3A_23 = arith.constant 0 : index
    %get3A_24 = arith.constant 0 : index
    %get3A_25 = vector.load %arg6[%get3A_23, %get3A_24] : memref<3x128xf32, #tpu.memory_space<vmem>>, vector<3x128xf32>
    %dot_general3A_26 = arith.constant dense<0.000000e+00> : vector<128x10000xf32>
    %dot_general3A_27 = tpu.matmul %get3A_25, %cos3A, %dot_general3A_26 {dimension_numbers = #tpu.dot_dimension_numbers<[0], [0], [1], [1], [0, 1, 1, 1], [], []>, transpose_lhs_hint = false} : vector<3x128xf32>, vector<3x10000xf32>, vector<128x10000xf32> -> vector<128x10000xf32>
    %add3A_28 = arith.addf %dot_general3A_22, %dot_general3A_27 : vector<128x10000xf32>
    %get3A_29 = arith.constant 0 : index
    %get3A_30 = arith.constant 0 : index
    %get3A_31 = vector.load %arg7[%get3A_29, %get3A_30] : memref<128x1xf32, #tpu.memory_space<vmem>>, vector<128x1xf32>
    %add3A_32 = vector.broadcast %get3A_31 : vector<128x1xf32> to vector<128x10000xf32>
    %add3A_33 = arith.addf %add3A_28, %add3A_32 : vector<128x10000xf32>
    %ge3A = arith.constant 0.000000e+00 : f32
    %ge3A_34 = vector.broadcast %ge3A : f32 to vector<128x10000xf32>
    %ge3A_35 = arith.cmpf oge, %add3A_33, %ge3A_34 : vector<128x10000xf32>
    %mul3A = arith.constant 0.00999999977 : f32
    %mul3A_36 = vector.broadcast %mul3A : f32 to vector<128x10000xf32>
    %mul3A_37 = arith.mulf %mul3A_36, %add3A_33 : vector<128x10000xf32>
    %select_n3A = arith.select %ge3A_35, %add3A_33, %mul3A_37 : vector<128x10000xi1>, vector<128x10000xf32>
    %get3A_38 = arith.constant 0 : index
    %get3A_39 = arith.constant 0 : index
    %get3A_40 = vector.load %arg8[%get3A_38, %get3A_39] : memref<128x2xf32, #tpu.memory_space<vmem>>, vector<128x2xf32>
    %dot_general3A_41 = arith.constant dense<0.000000e+00> : vector<2x10000xf32>
    %dot_general3A_42 = tpu.matmul %get3A_40, %select_n3A, %dot_general3A_41 {dimension_numbers = #tpu.dot_dimension_numbers<[0], [0], [1], [1], [0, 1, 1, 1], [], []>, transpose_lhs_hint = false} : vector<128x2xf32>, vector<128x10000xf32>, vector<2x10000xf32> -> vector<2x10000xf32>
    %get3A_43 = arith.constant 0 : index
    %get3A_44 = arith.constant 0 : index
    %get3A_45 = vector.load %arg9[%get3A_43, %get3A_44] : memref<2x1xf32, #tpu.memory_space<vmem>>, vector<2x1xf32>
    %add3A_46 = vector.broadcast %get3A_45 : vector<2x1xf32> to vector<2x10000xf32>
    %add3A_47 = arith.addf %dot_general3A_42, %add3A_46 : vector<2x10000xf32>
    %get3A_48 = arith.constant 0 : index
    %get3A_49 = arith.constant 0 : index
    %get3A_50 = vector.load %arg2[%get3A_48, %get3A_49] : memref<32x10240xi32, #tpu.memory_space<vmem>>, vector<32x10240xi32>
    %slice3A_51 = vector.extract_strided_slice %get3A_50 {offsets = [0, 0], sizes = [32, 10000], strides = [1, 1]} : vector<32x10240xi32> to vector<32x10000xi32>
    %convert_element_type3A = arith.sitofp %slice3A_51 : vector<32x10000xi32> to vector<32x10000xf32>
    %reduce_sum3A_52 = arith.constant dense<0.000000e+00> : vector<10000xf32>
    %reduce_sum3A_53 = vector.multi_reduction <add>, %convert_element_type3A, %reduce_sum3A_52 [0] : vector<32x10000xf32> to vector<10000xf32>
    %broadcast_in_dim3A_54 = vector.shape_cast %reduce_sum3A_53 : vector<10000xf32> to vector<1x10000xf32>
    %gt3A = arith.constant 5.000000e-01 : f32
    %gt3A_55 = vector.broadcast %gt3A : f32 to vector<1x10000xf32>
    %gt3A_56 = arith.cmpf ogt, %broadcast_in_dim3A_54, %gt3A_55 : vector<1x10000xf32>
    %convert_element_type3A_57 = arith.extui %gt3A_56 : vector<1x10000xi1> to vector<1x10000xi32>
    %convert_element_type3A_58 = arith.sitofp %convert_element_type3A_57 : vector<1x10000xi32> to vector<1x10000xf32>
    %mul3A_59 = vector.broadcast %convert_element_type3A_58 : vector<1x10000xf32> to vector<2x10000xf32>
    %mul3A_60 = arith.mulf %add3A_47, %mul3A_59 : vector<2x10000xf32>
    %reduce_sum3A_61 = arith.constant dense<0.000000e+00> : vector<10000xf32>
    %reduce_sum3A_62 = vector.multi_reduction <add>, %mul3A_60, %reduce_sum3A_61 [0] : vector<2x10000xf32> to vector<10000xf32>
    %broadcast_in_dim3A_63 = vector.shape_cast %reduce_sum3A_62 : vector<10000xf32> to vector<1x10000xf32>
    %div3A = arith.constant 2.000000e+00 : f32
    %div3A_64 = vector.broadcast %div3A : f32 to vector<1x10000xf32>
    %div3A_65 = arith.divf %broadcast_in_dim3A_63, %div3A_64 : vector<1x10000xf32>
    %sub3A = vector.broadcast %div3A_65 : vector<1x10000xf32> to vector<2x10000xf32>
    %sub3A_66 = arith.subf %mul3A_60, %sub3A : vector<2x10000xf32>
    %integer_pow3A = arith.mulf %sub3A_66, %sub3A_66 : vector<2x10000xf32>
    %reduce_sum3A_67 = arith.constant dense<0.000000e+00> : vector<10000xf32>
    %reduce_sum3A_68 = vector.multi_reduction <add>, %integer_pow3A, %reduce_sum3A_67 [0] : vector<2x10000xf32> to vector<10000xf32>
    %broadcast_in_dim3A_69 = vector.shape_cast %reduce_sum3A_68 : vector<10000xf32> to vector<1x10000xf32>
    %div3A_70 = arith.constant 2.000000e+00 : f32
    %div3A_71 = vector.broadcast %div3A_70 : f32 to vector<1x10000xf32>
    %div3A_72 = arith.divf %broadcast_in_dim3A_69, %div3A_71 : vector<1x10000xf32>
    %sub3A_73 = vector.broadcast %div3A_65 : vector<1x10000xf32> to vector<2x10000xf32>
    %sub3A_74 = arith.subf %mul3A_60, %sub3A_73 : vector<2x10000xf32>
    %add3A_75 = arith.constant 9.99999974E-6 : f32
    %add3A_76 = vector.broadcast %add3A_75 : f32 to vector<1x10000xf32>
    %add3A_77 = arith.addf %div3A_72, %add3A_76 : vector<1x10000xf32>
    %rsqrt3A = math.rsqrt %add3A_77 : vector<1x10000xf32>
    %mul3A_78 = vector.broadcast %rsqrt3A : vector<1x10000xf32> to vector<2x10000xf32>
    %mul3A_79 = arith.mulf %sub3A_74, %mul3A_78 : vector<2x10000xf32>
    %get3A_80 = arith.constant 0 : index
    %get3A_81 = arith.constant 0 : index
    %get3A_82 = vector.load %arg10[%get3A_80, %get3A_81] : memref<2x1xf32, #tpu.memory_space<vmem>>, vector<2x1xf32>
    %mul3A_83 = vector.broadcast %get3A_82 : vector<2x1xf32> to vector<2x10000xf32>
    %mul3A_84 = arith.mulf %mul3A_79, %mul3A_83 : vector<2x10000xf32>
    %get3A_85 = arith.constant 0 : index
    %get3A_86 = arith.constant 0 : index
    %get3A_87 = vector.load %arg11[%get3A_85, %get3A_86] : memref<2x1xf32, #tpu.memory_space<vmem>>, vector<2x1xf32>
    %add3A_88 = vector.broadcast %get3A_87 : vector<2x1xf32> to vector<2x10000xf32>
    %add3A_89 = arith.addf %mul3A_84, %add3A_88 : vector<2x10000xf32>
    %add3A_90 = arith.addf %add3A_89, %get3A_1 : vector<2x10000xf32>
    %get3A_91 = arith.constant 0 : index
    %get3A_92 = arith.constant 0 : index
    %get3A_93 = vector.load %arg3[%get3A_91, %get3A_92] : memref<10000x1xi32, #tpu.memory_space<vmem>>, vector<10000x1xi32>
    %iota3A = tpu.iota {dimensions = array<i32: 1>} : vector<10000x64xi32>
    %eq3A = vector.broadcast %get3A_93 : vector<10000x1xi32> to vector<10000x64xi32>
    %eq3A_94 = arith.cmpi eq, %eq3A, %iota3A : vector<10000x64xi32>
    %convert_element_type3A_95 = arith.extui %eq3A_94 : vector<10000x64xi1> to vector<10000x64xi32>
    %convert_element_type3A_96 = arith.sitofp %convert_element_type3A_95 : vector<10000x64xi32> to vector<10000x64xf32>
    %dot_general3A_97 = arith.constant dense<0.000000e+00> : vector<2x64xf32>
    %dot_general3A_98 = tpu.matmul %add3A_90, %convert_element_type3A_96, %dot_general3A_97 {dimension_numbers = #tpu.dot_dimension_numbers<[1], [0], [0], [1], [0, 0, 1, 1], [], []>, precision = #tpu.contract_precision<fp32>, transpose_lhs_hint = false} : vector<2x10000xf32>, vector<10000x64xf32>, vector<2x64xf32> -> vector<2x64xf32>
    %get3A_99 = arith.constant 0 : index
    %get3A_100 = arith.constant 0 : index
    %get3A_101 = vector.load %arg12[%get3A_99, %get3A_100] : memref<2x128xf32, #tpu.memory_space<vmem>>, vector<2x128xf32>
    %dot_general3A_102 = arith.constant dense<0.000000e+00> : vector<128x64xf32>
    %dot_general3A_103 = tpu.matmul %get3A_101, %dot_general3A_98, %dot_general3A_102 {dimension_numbers = #tpu.dot_dimension_numbers<[0], [0], [1], [1], [0, 1, 1, 1], [], []>, transpose_lhs_hint = false} : vector<2x128xf32>, vector<2x64xf32>, vector<128x64xf32> -> vector<128x64xf32>
    %get3A_104 = arith.constant 0 : index
    %get3A_105 = arith.constant 0 : index
    %get3A_106 = vector.load %arg13[%get3A_104, %get3A_105] : memref<128x1xf32, #tpu.memory_space<vmem>>, vector<128x1xf32>
    %add3A_107 = vector.broadcast %get3A_106 : vector<128x1xf32> to vector<128x64xf32>
    %add3A_108 = arith.addf %dot_general3A_103, %add3A_107 : vector<128x64xf32>
    %reduce_sum3A_109 = arith.constant dense<0.000000e+00> : vector<128xf32>
    %reduce_sum3A_110 = vector.multi_reduction <add>, %add3A_108, %reduce_sum3A_109 [1] : vector<128x64xf32> to vector<128xf32>
    %broadcast_in_dim3A_111 = vector.shape_cast %reduce_sum3A_110 : vector<128xf32> to vector<128x1xf32>
    %div3A_112 = arith.constant 6.400000e+01 : f32
    %div3A_113 = vector.broadcast %div3A_112 : f32 to vector<128x1xf32>
    %div3A_114 = arith.divf %broadcast_in_dim3A_111, %div3A_113 : vector<128x1xf32>
    %sub3A_115 = vector.broadcast %div3A_114 : vector<128x1xf32> to vector<128x64xf32>
    %sub3A_116 = arith.subf %add3A_108, %sub3A_115 : vector<128x64xf32>
    %integer_pow3A_117 = arith.mulf %sub3A_116, %sub3A_116 : vector<128x64xf32>
    %reduce_sum3A_118 = arith.constant dense<0.000000e+00> : vector<128xf32>
    %reduce_sum3A_119 = vector.multi_reduction <add>, %integer_pow3A_117, %reduce_sum3A_118 [1] : vector<128x64xf32> to vector<128xf32>
    %broadcast_in_dim3A_120 = vector.shape_cast %reduce_sum3A_119 : vector<128xf32> to vector<128x1xf32>
    %div3A_121 = arith.constant 6.400000e+01 : f32
    %div3A_122 = vector.broadcast %div3A_121 : f32 to vector<128x1xf32>
    %div3A_123 = arith.divf %broadcast_in_dim3A_120, %div3A_122 : vector<128x1xf32>
    %sub3A_124 = vector.broadcast %div3A_114 : vector<128x1xf32> to vector<128x64xf32>
    %sub3A_125 = arith.subf %add3A_108, %sub3A_124 : vector<128x64xf32>
    %add3A_126 = arith.constant 9.99999974E-6 : f32
    %add3A_127 = vector.broadcast %add3A_126 : f32 to vector<128x1xf32>
    %add3A_128 = arith.addf %div3A_123, %add3A_127 : vector<128x1xf32>
    %rsqrt3A_129 = math.rsqrt %add3A_128 : vector<128x1xf32>
    %mul3A_130 = vector.broadcast %rsqrt3A_129 : vector<128x1xf32> to vector<128x64xf32>
    %mul3A_131 = arith.mulf %sub3A_125, %mul3A_130 : vector<128x64xf32>
    %ge3A_132 = arith.constant 0.000000e+00 : f32
    %ge3A_133 = vector.broadcast %ge3A_132 : f32 to vector<128x64xf32>
    %ge3A_134 = arith.cmpf oge, %mul3A_131, %ge3A_133 : vector<128x64xf32>
    %mul3A_135 = arith.constant 0.00999999977 : f32
    %mul3A_136 = vector.broadcast %mul3A_135 : f32 to vector<128x64xf32>
    %mul3A_137 = arith.mulf %mul3A_136, %mul3A_131 : vector<128x64xf32>
    %select_n3A_138 = arith.select %ge3A_134, %mul3A_131, %mul3A_137 : vector<128x64xi1>, vector<128x64xf32>
    %get3A_139 = arith.constant 0 : index
    %get3A_140 = arith.constant 0 : index
    %get3A_141 = vector.load %arg14[%get3A_139, %get3A_140] : memref<128x128xf32, #tpu.memory_space<vmem>>, vector<128x128xf32>
    %dot_general3A_142 = arith.constant dense<0.000000e+00> : vector<128x64xf32>
    %dot_general3A_143 = tpu.matmul %get3A_141, %select_n3A_138, %dot_general3A_142 {dimension_numbers = #tpu.dot_dimension_numbers<[0], [0], [1], [1], [0, 1, 1, 1], [], []>, transpose_lhs_hint = false} : vector<128x128xf32>, vector<128x64xf32>, vector<128x64xf32> -> vector<128x64xf32>
    %get3A_144 = arith.constant 0 : index
    %get3A_145 = arith.constant 0 : index
    %get3A_146 = vector.load %arg15[%get3A_144, %get3A_145] : memref<128x1xf32, #tpu.memory_space<vmem>>, vector<128x1xf32>
    %add3A_147 = vector.broadcast %get3A_146 : vector<128x1xf32> to vector<128x64xf32>
    %add3A_148 = arith.addf %dot_general3A_143, %add3A_147 : vector<128x64xf32>
    %reduce_sum3A_149 = arith.constant dense<0.000000e+00> : vector<128xf32>
    %reduce_sum3A_150 = vector.multi_reduction <add>, %add3A_148, %reduce_sum3A_149 [1] : vector<128x64xf32> to vector<128xf32>
    %broadcast_in_dim3A_151 = vector.shape_cast %reduce_sum3A_150 : vector<128xf32> to vector<128x1xf32>
    %div3A_152 = arith.constant 6.400000e+01 : f32
    %div3A_153 = vector.broadcast %div3A_152 : f32 to vector<128x1xf32>
    %div3A_154 = arith.divf %broadcast_in_dim3A_151, %div3A_153 : vector<128x1xf32>
    %sub3A_155 = vector.broadcast %div3A_154 : vector<128x1xf32> to vector<128x64xf32>
    %sub3A_156 = arith.subf %add3A_148, %sub3A_155 : vector<128x64xf32>
    %integer_pow3A_157 = arith.mulf %sub3A_156, %sub3A_156 : vector<128x64xf32>
    %reduce_sum3A_158 = arith.constant dense<0.000000e+00> : vector<128xf32>
    %reduce_sum3A_159 = vector.multi_reduction <add>, %integer_pow3A_157, %reduce_sum3A_158 [1] : vector<128x64xf32> to vector<128xf32>
    %broadcast_in_dim3A_160 = vector.shape_cast %reduce_sum3A_159 : vector<128xf32> to vector<128x1xf32>
    %div3A_161 = arith.constant 6.400000e+01 : f32
    %div3A_162 = vector.broadcast %div3A_161 : f32 to vector<128x1xf32>
    %div3A_163 = arith.divf %broadcast_in_dim3A_160, %div3A_162 : vector<128x1xf32>
    %sub3A_164 = vector.broadcast %div3A_154 : vector<128x1xf32> to vector<128x64xf32>
    %sub3A_165 = arith.subf %add3A_148, %sub3A_164 : vector<128x64xf32>
    %add3A_166 = arith.constant 9.99999974E-6 : f32
    %add3A_167 = vector.broadcast %add3A_166 : f32 to vector<128x1xf32>
    %add3A_168 = arith.addf %div3A_163, %add3A_167 : vector<128x1xf32>
    %rsqrt3A_169 = math.rsqrt %add3A_168 : vector<128x1xf32>
    %mul3A_170 = vector.broadcast %rsqrt3A_169 : vector<128x1xf32> to vector<128x64xf32>
    %mul3A_171 = arith.mulf %sub3A_165, %mul3A_170 : vector<128x64xf32>
    %ge3A_172 = arith.constant 0.000000e+00 : f32
    %ge3A_173 = vector.broadcast %ge3A_172 : f32 to vector<128x64xf32>
    %ge3A_174 = arith.cmpf oge, %mul3A_171, %ge3A_173 : vector<128x64xf32>
    %mul3A_175 = arith.constant 0.00999999977 : f32
    %mul3A_176 = vector.broadcast %mul3A_175 : f32 to vector<128x64xf32>
    %mul3A_177 = arith.mulf %mul3A_176, %mul3A_171 : vector<128x64xf32>
    %select_n3A_178 = arith.select %ge3A_174, %mul3A_171, %mul3A_177 : vector<128x64xi1>, vector<128x64xf32>
    %get3A_179 = arith.constant 0 : index
    %get3A_180 = arith.constant 0 : index
    %get3A_181 = vector.load %arg16[%get3A_179, %get3A_180] : memref<128x2xf32, #tpu.memory_space<vmem>>, vector<128x2xf32>
    %dot_general3A_182 = arith.constant dense<0.000000e+00> : vector<64x2xf32>
    %dot_general3A_183 = tpu.matmul %select_n3A_178, %get3A_181, %dot_general3A_182 {dimension_numbers = #tpu.dot_dimension_numbers<[0], [0], [1], [1], [0, 1, 1, 1], [], []>, transpose_lhs_hint = false} : vector<128x64xf32>, vector<128x2xf32>, vector<64x2xf32> -> vector<64x2xf32>
    %get3A_184 = arith.constant 0 : index
    %get3A_185 = arith.constant 0 : index
    %get3A_186 = vector.load %arg17[%get3A_184, %get3A_185] : memref<1x2xf32, #tpu.memory_space<vmem>>, vector<1x2xf32>
    %add3A_187 = vector.broadcast %get3A_186 : vector<1x2xf32> to vector<64x2xf32>
    %add3A_188 = arith.addf %dot_general3A_183, %add3A_187 : vector<64x2xf32>
    %swap3A = arith.constant 0 : index
    %swap3A_189 = arith.constant 0 : index
    %swap3A_190 = vector.load %arg18[%swap3A, %swap3A_189] : memref<64x2xf32, #tpu.memory_space<vmem>>, vector<64x2xf32>
    tpu.vector_store %arg18[%swap3A, %swap3A_189], %add3A_188 {strides = array<i32>} : memref<64x2xf32, #tpu.memory_space<vmem>>, vector<64x2xf32>,
    return
  }
}

</mosaic_0001>

<sc_bundles>
// kernel: kernel.10.cloned.1.call-start
scs
__scs_entry_jumppad:
0x0: {  	(pc) =	sbr.rel $0x88, $3  }
0x1: {  	(tag) =	ssettag $0x0;
	lr =	simm.s32 $0x1  }
0x2: {  	[smem:$0x3F88] =	sst lr;
	_ =	strace $0xD0000000  }
0x3: {  	_ = 	snop  }
0x4: {  	_ = 	snop  }
0x5: {  	_ = 	snop  }
0x6: {  	_ = 	snop  }
0x7: {  	_ = 	snop  }
__scs_overlays_trampoline_lowered:
0x8: {  	[smem:$0x3F97] =	sst s0  }
0x9: {  	[smem:$0x3F98] =	sst s1  }
0xa: {  	[smem:$0x3F99] =	sst s2  }
0xb: {  	[smem:$0x3F9A] =	sst s3  }
0xc: {  	[smem:$0x3F9B] =	sst s4  }
0xd: {  	[smem:$0x3F9C] =	sst s5  }
0xe: {  	[smem:$0x3F9D] =	sst s6  }
0xf: {  	[smem:$0x3F9E] =	sst s7  }
0x10: {  	[smem:$0x3F9F] =	sst s8  }
0x11: {  	[smem:$0x3FA0] =	sst s9;
	s0 =	simm.s32 @!p0 $0x0  }
0x12: {  	s1 =	sld [smem:$0x3F86];
	s0 =	simm.s32 @p0 $0x1  }
0x13: {  	[smem:$0x3FA1] =	sst s0;
	s0 =	simm.s32 @!p1 $0x0  }
0x14: {  	s2 =	sld [smem:$0x3F85];
	s0 =	simm.s32 @p1 $0x1  }
0x15: {  	[smem:$0x3FA2] =	sst s0;
	s0 =	simm.s32 @!p2 $0x0  }
0x16: {  	s3 =	sld [smem:$0x3FDB];
	s0 =	simm.s32 @p2 $0x1  }
0x17: {  	s4 =	simm.s32 $0x1BF5;
	[smem:$0x3FA4] =	sst s0  }
0x18: {  	s0 =	sld [smem:$0x3F87];
	_ =	swait.ge [sflag:s4], $0x0  }
0x19: {  	s7 =	sld [smem:$0x3F88]  }
0x1a: {  	s8 =	sadd.s32 $0xFFFFE003, lr  }
0x1b: {  	s9 =	sadd.s32 $0xFFFFFEF7, lr;
	s5 =	simm.s32 $0xFFFFFFFF;
	p2 =	slt.u32 s8, $0xFFFFF086  }
0x1c: {  	p1 =	slt.u32 s9, $0xF7A;
	s5 =	simm.s32 @!p2 $0x0  }
0x1d: {  	s5 =	simm.s32 @p1 $0x1;
	p0 =	seq.s32 s7, s2  }
0x1e: {  	s7 =	smul.u32 @!p0 $0xF7A, s2;
	p2 =	seq.s32 @!p0 s5, $0x0  }
0x1f: {  	s9 =	smul.u32 $0xF7A, s1;
	s8 =	simm.s32 @!p0 $0x1BF5;
	p2 =	por !p2, p0  }
0x20: {  	[sflag:s8] =	ssyncset.s32 @!p0 $0xFFFFF086;
	s6 =	sadd.s32 @!p0 s3, s7;
	s7 =	simm.s32 @!p0 $0x108  }
0x21: {  	s3 =	sadd.s32 s3, s9;
	s6 =	sadd.s32 @!p0 $0x88, s6;
	s7 =	simm.s32 @p2 $0x1082  }
0x22: {  	[simem:s7], [sflag:s8] =	dma.local @!p0 [hbm:s6], $0xF7A  }
0x23: {  	s9 =	sor.u32 $0xD0000000, s2;
	s6 =	simm.s32 $0x108;
	_ =	swait.ge @!p0 [sflag:s8], $0x0  }
0x24: {  	s3 =	sadd.s32 $0x88, s3;
	s6 =	simm.s32 @!p1 $0x1082;
	[sflag:s4] =	ssyncset.s32 $0xFFFFF086  }
0x25: {  	[simem:s6], [sflag:s4] =	dma.local [hbm:s3], $0xF7A  }
0x26: {  	[smem:$0x3F88] =	sst s1;
	(tag) =	ssettag s2;
	_ =	strace s9  }
0x27: {  	s1 =	sld [smem:$0x3F98]  }
0x28: {  	s2 =	sld [smem:$0x3F99]  }
0x29: {  	s4 =	sld [smem:$0x3F9B]  }
0x2a: {  	p0 =	seq.s32 s5, $0x0;
	s5 =	sld [smem:$0x3F9C]  }
0x2b: {  	s6 =	sld [smem:$0x3F9D]  }
0x2c: {  	s7 =	sld [smem:$0x3F9E]  }
0x2d: {  	s3 =	simm.s32 $0x108;
	s8 =	sld [smem:$0x3F9F]  }
0x2e: {  	s3 =	simm.s32 @!p0 $0x1082;
	s9 =	sld [smem:$0x3FA0]  }
0x2f: {  	lr =	sadd.s32 s0, s3;
	s0 =	sld [smem:$0x3F97]  }
0x30: {  	s3 =	sld [smem:$0x3F9A]  }
0x31: {  	[smem:$0x3FA3] =	sst s10  }
0x32: {  	s10 =	sld [smem:$0x3FA1];
	_ =	sdelay $0x3  }
0x33: {  	p0 =	seq.s32 s10, $0x1;
	s10 =	sld [smem:$0x3FA3];
	_ =	sdelay $0x3  }
0x34: {  	[smem:$0x3FA3] =	sst s10  }
0x35: {  	s10 =	sld [smem:$0x3FA2];
	_ =	sdelay $0x3  }
0x36: {  	p1 =	seq.s32 s10, $0x1;
	s10 =	sld [smem:$0x3FA3];
	_ =	sdelay $0x3  }
0x37: {  	[smem:$0x3FA3] =	sst s10  }
0x38: {  	s10 =	sld [smem:$0x3FA4]  }
0x39: {  	_ = 	snop;
	(pc) =	sbr.ind lr, $3  }
0x3a: {  	_ = 	snop  }
0x3b: {  	_ = 	snop  }
0x3c: {  	p2 =	seq.s32 s10, $0x1;
	s10 =	sld [smem:$0x3FA3]  }
0x3d: {  	_ =	shalt  }
0x3e: {  	_ =	shalt  }
0x3f: {  	_ =	shalt  }
0x40: {  	_ =	shalt  }
0x41: {  	_ =	shalt  }
0x42: {  	_ =	shalt  }
0x43: {  	_ =	shalt  }
0x44: {  	_ =	shalt  }
0x45: {  	_ =	shalt  }
0x46: {  	_ =	shalt  }
0x47: {  	_ =	shalt  }
0x48: {  	_ =	shalt  }
0x49: {  	_ =	shalt  }
0x4a: {  	_ =	shalt  }
0x4b: {  	_ =	shalt  }
0x4c: {  	_ =	shalt  }
0x4d: {  	_ =	shalt  }
0x4e: {  	_ =	shalt  }
0x4f: {  	_ =	shalt  }
0x50: {  	_ =	shalt  }
0x51: {  	_ =	shalt  }
0x52: {  	_ =	shalt  }
0x53: {  	_ =	shalt  }
0x54: {  	_ =	shalt  }
0x55: {  	_ =	shalt  }
0x56: {  	_ =	shalt  }
0x57: {  	_ =	shalt  }
0x58: {  	_ =	shalt  }
0x59: {  	_ =	shalt  }
0x5a: {  	_ =	shalt  }
0x5b: {  	_ =	shalt  }
0x5c: {  	_ =	shalt  }
0x5d: {  	_ =	shalt  }
0x5e: {  	_ =	shalt  }
0x5f: {  	_ =	shalt  }
0x60: {  	_ =	shalt  }
0x61: {  	_ =	shalt  }
0x62: {  	_ =	shalt  }
0x63: {  	_ =	shalt  }
0x64: {  	_ =	shalt  }
0x65: {  	_ =	shalt  }
0x66: {  	_ =	shalt  }
0x67: {  	_ =	shalt  }
0x68: {  	_ =	shalt  }
0x69: {  	_ =	shalt  }
0x6a: {  	_ =	shalt  }
0x6b: {  	_ =	shalt  }
0x6c: {  	_ =	shalt  }
0x6d: {  	_ =	shalt  }
0x6e: {  	_ =	shalt  }
0x6f: {  	_ =	shalt  }
0x70: {  	_ =	shalt  }
0x71: {  	_ =	shalt  }
0x72: {  	_ =	shalt  }
0x73: {  	_ =	shalt  }
0x74: {  	_ =	shalt  }
0x75: {  	_ =	shalt  }
0x76: {  	_ =	shalt  }
0x77: {  	_ =	shalt  }
0x78: {  	_ =	shalt  }
0x79: {  	_ =	shalt  }
0x7a: {  	_ =	shalt  }
0x7b: {  	_ =	shalt  }
0x7c: {  	_ =	shalt  }
0x7d: {  	_ =	shalt  }
0x7e: {  	_ =	shalt  }
0x7f: {  	_ =	shalt  }
0x80: {  	_ =	shalt  }
0x81: {  	_ =	shalt  }
0x82: {  	_ =	shalt  }
0x83: {  	_ =	shalt  }
0x84: {  	_ =	shalt  }
0x85: {  	_ =	shalt  }
0x86: {  	_ =	shalt  }
0x87: {  	_ =	shalt  }
.Lfunc_end0:
.L_simem_size_0:
called_computation.1_lowered:
.L_overlay_start_0:
0x88: {  	s2 =	sld [smem:$0x3FD9]  }
0x89: {  	s3 =	sld [smem:$0x3FFE];
	_ =	sdelay $0x1  }
0x8a: {  	s1 =	srdreg.scid  }
0x8b: {  	s0 =	sand.u32 $0x1, s1  }
0x8c: {  	s17 =	sshll.u32 s0, $0xA;
	s2 =	sadd.s32 s3, s2  }
0x8d: {  	s2 =	sadd.s32 s2, s17  }
0x8e: {  	[smem:$0x3FAF] =	sst s2  }
0x8f: {  	_ = 	snop  }
0x90: {  	s2 =	sld [smem:$0x3FD0];
	(tm) =	ssettm $0x1  }
0x91: {  	s18 =	sld [smem:$0x3FFB];
	_ =	sdelay $0x3  }
0x92: {  	_ =	strace s18  }
0x93: {  	s3 =	sld [smem:$0x3FFC];
	_ =	sdelay $0x3  }
0x94: {  	_ =	strace s3  }
0x95: {  	s3 =	sld [smem:$0x3FFD];
	_ =	sdelay $0x3  }
0x96: {  	_ =	strace s3  }
0x97: {  	_ =	strace $0x8FFFFFFF  }
0x98: {  	s19 =	sld [smem:$0x3FDB];
	_ =	sdelay $0x1  }
0x99: {  	s4 =	simm.s32 $_scs_section_size  }
0x9a: {  	s5 =	simm.s32 $_size__tile_overlayer_lowered;
	s6 =	simm.s32 $_tile_overlayer_lowered  }
0x9b: {  	s22 =	simm.s32 $0x1BFF;
	s21 =	sshll.u32 s6, $0x1;
	s3 =	sadd.s32 s4, s19  }
0x9c: {  	s7 =	simm.s32 $0x0;
	s20 =	sshll.u32 s5, $0x1;
	s5 =	sadd.s32 s21, s3  }
0x9d: {  	[timem:s7], [sflag:s22] =	dma.local [hbm:s5], s20  }
0x9e: {  	_ =	swait.ge [sflag:s22], s20  }
0x9f: {  	s4 =	ssub.s32 $0x0, s20;
	[sflag:s22] =	ssyncset.done $0x0  }
0xa0: {  	[sflag:s22] =	ssyncadd.s32 s4;
	_ =	sdelay $0x1  }
0xa1: {  	s23 =	simm.s32 $0x1B8B  }
0xa2: {  	_ =	swait.ge [sflag:s23], $0x1  }
0xa3: {  	[sflag:s23] =	ssyncset.done $0x0  }
0xa4: {  	s25 =	simm.s32 $0x1B8E;
	s24 =	sld [smem:$0x3FFE];
	[sflag:s23] =	ssyncadd.s32 $0xFFFFFFFF  }
0xa5: {  	s26 =	simm.s32 $execute0_lowered;
	[smem:$0x3FD2] =	sst s25  }
0xa6: {  	s5 =	sshll.u32 s26, $0x1;
	_ =	strace $0x80000049;
	[dreg:$0x1] =	wrdreg $0xFFFFFFFF  }
0xa7: {  	s28 =	simm.s32 $_size_execute0_lowered;
	s3 =	sadd.s32 s3, s5;
	[dreg:$0x0] =	wrdreg $0x0  }
0xa8: {  	s5 =	sshll.u32 s28, $0x1;
	[dreg:$0x2] =	wrdreg s3  }
0xa9: {  	[dreg:$0x3] =	wrdreg s5  }
0xaa: {  	[dreg:$0x4] =	wrdreg $0xC0  }
0xab: {  	_ =	task [dreg:s7], $0x5FFFF  }
0xac: {  	[dreg:$0x1] =	wrdreg $0xFFFFFFFF  }
0xad: {  	[dreg:$0x0] =	wrdreg $0x60  }
0xae: {  	[dreg:$0x2] =	wrdreg s24  }
0xaf: {  	[dreg:$0x3] =	wrdreg s2  }
0xb0: {  	[dreg:$0x4] =	wrdreg $0x17C000  }
0xb1: {  	[dreg:$0x5] =	wrdreg $0x9  }
0xb2: {  	_ =	task.clear_ibuf [dreg:s7], $0x6FFFF;
	_ =	strace $0x90000049  }
0xb3: {  	s29 =	simm.s32 $0x9;
	_ =	strace $0x8000004B  }
0xb4: {  	_ =	swait.ge [sflag:s29], $0x1  }
0xb5: {  	[sflag:s29] =	ssyncadd.s32 $0xFFFFFFFF  }
0xb6: {  	_ =	strace $0x9000004B  }
0xb7: {  	_ =	sfence  }
0xb8: {  	s30 =	sld [smem:$0x0];
	_ =	sdelay $0x2  }
0xb9: {  	s31 =	sshll.u32 s1, $0xD;
	s1 =	sshrl.u32 s1, $0x2  }
0xba: {  	s3 =	sand.u32 $0x4000, s31;
	s1 =	sadd.s32 s1, s30  }
0xbb: {  	s0 =	sor.u32 s3, s0;
	s1 =	sshll.u32 s1, $0x11  }
0xbc: {  	s0 =	sor.u32 s1, s0  }
0xbd: {  	s0 =	sadd.s32 $0x8F2B, s0  }
0xbe: {  	[sflag:s0] =	ssyncadd.remote.s32 $0x1  }
0xbf: {  	_ =	sfence.sel $0xFFFF  }
0xc0: {  	[dreg:$0x0] =	wrdreg $0xFFFFFFFF;
	(pc) =	sbr.abs _section_cstart, $3  }
0xc1: {  	[dreg:$0x1] =	wrdreg $0xFFFFFFFF  }
0xc2: {  	_ =	task.clear_ibuf [dreg:s7], $0x2FFFF;
	_ =	strace $0x9FFFFFFF  }
0xc3: {  	(tm) =	ssettm $0x7FFFFFFF  }
tec
execute0_lowered:
.L_overlay_start_1:
0x0: {  	(tag) =	ssettag $0x1  }
0x1: {  	s0 =	srdreg.scid;
	s24 =	stileid.u32  }
0x2: {  	s1 =	sand.u32 $0x1, s0;
	s4 =	smul.u32 $0x280, s24  }
0x3: {  	s0 =	rddreg [dreg:$0x0];
	s2 =	smul.u32 $0x28000, s1;
	s3 =	sshll.u32 s1, $0x4  }
0x4: {  	s5 =	sadd.s32 $0x9600, s0;
	s6 =	ssub.s32 $0x2, s1;
	s7 =	sor.u32 s24, s3  }
0x5: {  	s17 =	sshrl.u32 s6, $0x1;
	s18 =	sshrl.u32 s4, $0x3;
	s10 =	sadd.s32 $0x5000, s4  }
0x6: {  	s11 =	sadd.s32 $0x7800, s4;
	s13 =	sadd.s32 $0xC800, s4;
	s14 =	sadd.s32 $0xF000, s4  }
0x7: {  	s16 =	sor.u32 $0x14000, s4;
	s24 =	smul.u32 $0xA000, s24;
	s8 =	sor.u32 s4, s2  }
0x8: {  	s3 =	ssub.s32 s6, s17;
	s2 =	sadd.s32 s5, s18;
	s6 =	sadd.s32 $0x2800, s4  }
0x9: {  	s20 =	sshrl.u32 s10, $0x3;
	s12 =	sshrl.u32 s11, $0x3;
	s23 =	sshrl.u32 s13, $0x3  }
0xa: {  	s15 =	sshrl.u32 s14, $0x3;
	s17 =	sshrl.u32 s16, $0x3;
	s9 =	sshrl.u32 s6, $0x3  }
0xb: {  	s19 =	sshrl.u32 s8, $0x3;
	[dreg:$0x4] =	wrdreg s2;
	s9 =	sadd.s32 s5, s9  }
0xc: {  	s21 =	sadd.s32 s5, s12;
	[dreg:$0x5] =	wrdreg s9;
	s9 =	sadd.s32 s5, s20  }
0xd: {  	s25 =	sadd.s32 s5, s15;
	[dreg:$0x6] =	wrdreg s9;
	s9 =	sadd.s32 $0xA000, s4  }
0xe: {  	s8 =	sadd.s32 $0x14000, s8;
	[dreg:$0x7] =	wrdreg s21;
	s22 =	sshrl.u32 s9, $0x3  }
0xf: {  	s2 =	sadd.s32 s5, s19;
	[dreg:$0xa] =	wrdreg s25;
	s12 =	sadd.s32 s5, s22  }
0x10: {  	s8 =	sshrl.u32 s8, $0x3;
	[dreg:$0x8] =	wrdreg s12;
	s12 =	sadd.s32 s5, s23  }
0x11: {  	s8 =	sadd.s32 s5, s8;
	[dreg:$0x9] =	wrdreg s12;
	s12 =	sadd.s32 $0x11800, s4  }
0x12: {  	s19 =	sadd.s32 $0x1B800, s4;
	[dreg:$0xd] =	wrdreg s8;
	s26 =	sshrl.u32 s12, $0x3  }
0x13: {  	s15 =	sadd.s32 s5, s26;
	s26 =	sshrl.u32 s24, $0x2;
	s24 =	rddreg [dreg:$0x2]  }
0x14: {  	s8 =	sadd.s32 $0x16800, s4;
	[dreg:$0xb] =	wrdreg s15;
	s15 =	sadd.s32 s5, s17  }
0x15: {  	s18 =	sshrl.u32 s8, $0x3;
	s9 =	sadd.s32 s9, s24;
	[dreg:$0xc] =	wrdreg s15  }
0x16: {  	s17 =	sadd.s32 $0x19000, s4;
	s12 =	sadd.s32 s12, s24;
	[dreg:$0x1a] =	wrdreg s9  }
0x17: {  	s15 =	sadd.s32 s5, s18;
	s20 =	sshrl.u32 s17, $0x3;
	[dreg:$0x1d] =	wrdreg s12  }
0x18: {  	s18 =	sshrl.u32 s19, $0x3;
	[dreg:$0xe] =	wrdreg s15;
	s15 =	sadd.s32 s5, s20  }
0x19: {  	s21 =	sadd.s32 s5, s18;
	[dreg:$0xf] =	wrdreg s15  }
0x1a: {  	s20 =	sadd.s32 $0x20800, s4;
	[dreg:$0x10] =	wrdreg s21;
	s15 =	sadd.s32 $0x1E000, s4  }
0x1b: {  	s23 =	sshrl.u32 s20, $0x3;
	s20 =	sadd.s32 s20, s24;
	s22 =	sshrl.u32 s15, $0x3  }
0x1c: {  	s21 =	sadd.s32 $0x23000, s4;
	[smem:$0x7F9] =	sst s20;
	s18 =	sadd.s32 s5, s22  }
0x1d: {  	s22 =	sshrl.u32 s21, $0x3;
	s21 =	sadd.s32 s21, s24;
	[dreg:$0x11] =	wrdreg s18  }
0x1e: {  	s18 =	sadd.s32 s5, s23;
	[smem:$0x7FA] =	sst s21  }
0x1f: {  	s25 =	sadd.s32 s5, s22;
	[dreg:$0x12] =	wrdreg s18  }
0x20: {  	s22 =	sadd.s32 $0x25800, s4;
	s4 =	sadd.s32 s4, s24;
	[dreg:$0x13] =	wrdreg s25  }
0x21: {  	s29 =	simm.s32 $0x1;
	s18 =	simm.s32 $0x0;
	[dreg:$0x16] =	wrdreg s4  }
0x22: {  	s30 =	simm.s32 $0x6400;
	s25 =	sadd.s32 s6, s24;
	[smem:$0x7FF] =	sst s18  }
0x23: {  	s31 =	simm.s32 $0x8B80;
	s6 =	sadd.s32 s11, s24;
	[dreg:$0x17] =	wrdreg s25  }
0x24: {  	v0 =	vmov s1;
	s1 =	simm.s32 $0x8C00;
	s11 =	sadd.s32 s14, s24;
	[dreg:$0x19] =	wrdreg s6  }
0x25: {  	s23 =	sshrl.u32 s22, $0x3;
	s14 =	sadd.s32 s8, s24;
	[dreg:$0x1c] =	wrdreg s11  }
0x26: {  	s28 =	sadd.s32 $0x4B00, s2;
	s5 =	sadd.s32 s5, s23;
	[dreg:$0x1f] =	wrdreg s14  }
0x27: {  	s12 =	smax.u32 s3, $0x1;
	s23 =	sadd.s32 s26, s24;
	[dreg:$0x14] =	wrdreg s5  }
0x28: {  	s3 =	simm.s32 $0x0;
	s26 =	sadd.s32 s10, s24;
	[dreg:$0x15] =	wrdreg s23  }
0x29: {  	s20 =	sadd.s32 $0x2300, s2;
	s10 =	sadd.s32 s13, s24;
	[dreg:$0x18] =	wrdreg s26  }
0x2a: {  	s21 =	sadd.s32 $0x2D00, s2;
	s13 =	sadd.s32 s16, s24;
	[dreg:$0x1b] =	wrdreg s10  }
0x2b: {  	s16 =	sadd.s32 s17, s24;
	s17 =	sadd.s32 s19, s24;
	[dreg:$0x1e] =	wrdreg s13  }
0x2c: {  	s19 =	sadd.s32 s15, s24;
	s14 =	sadd.s32 $0xA00, s2;
	[smem:$0x7F6] =	sst s16  }
0x2d: {  	s15 =	sadd.s32 $0xF00, s2;
	s5 =	smul.u32 $0x272, s7;
	[smem:$0x7F7] =	sst s17  }
0x2e: {  	s7 =	smul.u32 $0xF00, s7;
	[smem:$0x7F8] =	sst s19;
	s23 =	sadd.s32 s22, s24  }
0x2f: {  	s13 =	sadd.s32 $0x500, s2;
	s16 =	sadd.s32 $0x1400, s2;
	s17 =	sadd.s32 $0x1900, s2  }
0x30: {  	s19 =	sadd.s32 $0x1E00, s2;
	s22 =	sadd.s32 $0x3200, s2;
	[smem:$0x7FB] =	sst s23  }
0x31: {  	s24 =	sadd.s32 s5, s0;
	s25 =	sadd.s32 s7, s0;
	s0 =	sadd.s32 $0x22600, s0  }
0x32: {  	s23 =	sadd.s32 $0x3700, s2;
	_ =	strace $0x8000004A;
	[smem:$0x7FC] =	sst s0  }
0x33: {  	s26 =	sadd.s32 $0x1D600, s24;
	s9 =	sadd.s32 $0x13600, s24;
	s10 =	sadd.s32 $0x18600, s24  }
0x34: {  	s11 =	sadd.s32 $0x22C00, s25;
	s24 =	sadd.s32 $0x3C00, s2;
	s25 =	sadd.s32 $0x4100, s2  }
0x35: {  	v1 =	vimm.f32 $0.0e+00;
	s0 =	simm.s32 $0x15400;
	[smem:$0x7FD] =	sst s26;
	s26 =	sadd.s32 $0x4600, s2  }
.LBB2_1:
0x36: {  	s4 =	sld [smem:$0x7FD];
	_ =	sdelay $0x1  }
0x37: {  	s5 =	simm.s32 $0x2800  }
0x38: {  	[tilespmem:s5], [sflag:$0x1] =	stream.linear.gather [hbm4b:s4+s18], $0x1390, $0x38;
	[tilespmem:$0x1A400] =	vst v63  }
0x39: {  	_ =	swait.ge [sflag:s29], $0x1390  }
0x3a: {  	[sflag:s29] =	ssyncset.done $0x0  }
0x3b: {  	s7 =	simm.s32 $0x3C00;
	[sflag:s29] =	ssyncadd.s32 $0xFFFFEC70  }
0x3c: {  	[tilespmem:s7], [sflag:$0x1] =	stream.linear.gather [hbm4b:s9+s18], $0x1390, $0x38;
	[tilespmem:$0x1A400] =	vst v63  }
0x3d: {  	_ =	swait.ge [sflag:s29], $0x1390  }
0x3e: {  	[sflag:s29] =	ssyncset.done $0x0  }
0x3f: {  	s8 =	simm.s32 $0x5000;
	[sflag:s29] =	ssyncadd.s32 $0xFFFFEC70  }
0x40: {  	[tilespmem:s8], [sflag:$0x1] =	stream.linear.gather [hbm4b:s10+s18], $0x1390, $0x38;
	[tilespmem:$0x1A400] =	vst v63  }
0x41: {  	_ =	swait.ge [sflag:s29], $0x1390  }
0x42: {  	s5 =	sld [smem:$0x7FC]  }
0x43: {  	[sflag:s29] =	ssyncset.done $0x0  }
0x44: {  	[sflag:s29] =	ssyncadd.s32 $0xFFFFEC70  }
0x45: {  	[tilespmem:s30], [sflag:$0x1] =	stream.linear.gather [hbm4b:s5+s18], $0x2780, $0x38;
	[tilespmem:$0x1A400] =	vst v63  }
0x46: {  	_ =	swait.ge [sflag:s29], $0x2780  }
0x47: {  	[sflag:s29] =	ssyncset.done $0x0  }
0x48: {  	[sflag:s29] =	ssyncadd.s32 $0xFFFFD880  }
0x49: {  	s6 =	rddreg [dreg:$0x1]  }
0x4a: {  	[tilespmem:s31], [sflag:$0x1] =	stream.linear.gather [hbm4b:s6+s18], $0x80, $0x38;
	[tilespmem:$0x1A400] =	vst v63  }
0x4b: {  	_ =	swait.ge [sflag:s29], $0x80  }
0x4c: {  	[sflag:s29] =	ssyncset.done $0x0  }
0x4d: {  	s4 =	simm.s32 $0x10400;
	s7 =	rddreg [dreg:$0x4];
	[sflag:s29] =	ssyncadd.s32 $0xFFFFFF80  }
0x4e: {  	[tilespmem:s4], [sflag:$0x1] =	stream.linear.gather [hbm4b:s7+s18], $0x280, $0x38;
	[tilespmem:$0x1A400] =	vst v63  }
0x4f: {  	_ =	swait.ge [sflag:s29], $0x280  }
0x50: {  	[sflag:s29] =	ssyncset.done $0x0  }
0x51: {  	s5 =	simm.s32 $0x12C00;
	[sflag:s29] =	ssyncadd.s32 $0xFFFFFD80  }
0x52: {  	[tilespmem:s5], [sflag:$0x1] =	stream.linear.gather [hbm4b:s2+s18], $0x280, $0x38;
	[tilespmem:$0x1A400] =	vst v63  }
0x53: {  	_ =	swait.ge [sflag:s29], $0x280  }
0x54: {  	[sflag:s29] =	ssyncset.done $0x0  }
0x55: {  	s7 =	simm.s32 $0x10680;
	s6 =	rddreg [dreg:$0x5];
	[sflag:s29] =	ssyncadd.s32 $0xFFFFFD80  }
0x56: {  	[tilespmem:s7], [sflag:$0x1] =	stream.linear.gather [hbm4b:s6+s18], $0x280, $0x38;
	[tilespmem:$0x1A400] =	vst v63  }
0x57: {  	_ =	swait.ge [sflag:s29], $0x280  }
0x58: {  	[sflag:s29] =	ssyncset.done $0x0  }
0x59: {  	s8 =	simm.s32 $0x12E80;
	[sflag:s29] =	ssyncadd.s32 $0xFFFFFD80  }
0x5a: {  	[tilespmem:s8], [sflag:$0x1] =	stream.linear.gather [hbm4b:s13+s18], $0x280, $0x38;
	[tilespmem:$0x1A400] =	vst v63  }
0x5b: {  	_ =	swait.ge [sflag:s29], $0x280  }
0x5c: {  	[sflag:s29] =	ssyncset.done $0x0  }
0x5d: {  	s8 =	simm.s32 $0x10900;
	s7 =	rddreg [dreg:$0x6];
	[sflag:s29] =	ssyncadd.s32 $0xFFFFFD80  }
0x5e: {  	[tilespmem:s8], [sflag:$0x1] =	stream.linear.gather [hbm4b:s7+s18], $0x280, $0x38;
	[tilespmem:$0x1A400] =	vst v63  }
0x5f: {  	_ =	swait.ge [sflag:s29], $0x280  }
0x60: {  	[sflag:s29] =	ssyncset.done $0x0  }
0x61: {  	s8 =	simm.s32 $0x13100;
	[sflag:s29] =	ssyncadd.s32 $0xFFFFFD80  }
0x62: {  	[tilespmem:s8], [sflag:$0x1] =	stream.linear.gather [hbm4b:s14+s18], $0x280, $0x38;
	[tilespmem:$0x1A400] =	vst v63  }
0x63: {  	_ =	swait.ge [sflag:s29], $0x280  }
0x64: {  	[sflag:s29] =	ssyncset.done $0x0  }
0x65: {  	s8 =	simm.s32 $0x10B80;
	s7 =	rddreg [dreg:$0x7];
	[sflag:s29] =	ssyncadd.s32 $0xFFFFFD80  }
0x66: {  	[tilespmem:s8], [sflag:$0x1] =	stream.linear.gather [hbm4b:s7+s18], $0x280, $0x38;
	[tilespmem:$0x1A400] =	vst v63  }
0x67: {  	_ =	swait.ge [sflag:s29], $0x280  }
0x68: {  	[sflag:s29] =	ssyncset.done $0x0  }
0x69: {  	s8 =	simm.s32 $0x13380;
	[sflag:s29] =	ssyncadd.s32 $0xFFFFFD80  }
0x6a: {  	[tilespmem:s8], [sflag:$0x1] =	stream.linear.gather [hbm4b:s15+s18], $0x280, $0x38;
	[tilespmem:$0x1A400] =	vst v63  }
0x6b: {  	_ =	swait.ge [sflag:s29], $0x280  }
0x6c: {  	[sflag:s29] =	ssyncset.done $0x0  }
0x6d: {  	s8 =	simm.s32 $0x10E00;
	s7 =	rddreg [dreg:$0x8];
	[sflag:s29] =	ssyncadd.s32 $0xFFFFFD80  }
0x6e: {  	[tilespmem:s8], [sflag:$0x1] =	stream.linear.gather [hbm4b:s7+s18], $0x280, $0x38;
	[tilespmem:$0x1A400] =	vst v63  }
0x6f: {  	_ =	swait.ge [sflag:s29], $0x280  }
0x70: {  	[sflag:s29] =	ssyncset.done $0x0  }
0x71: {  	s8 =	simm.s32 $0x13600;
	[sflag:s29] =	ssyncadd.s32 $0xFFFFFD80  }
0x72: {  	[tilespmem:s8], [sflag:$0x1] =	stream.linear.gather [hbm4b:s16+s18], $0x280, $0x38;
	[tilespmem:$0x1A400] =	vst v63  }
0x73: {  	_ =	swait.ge [sflag:s29], $0x280  }
0x74: {  	[sflag:s29] =	ssyncset.done $0x0  }
0x75: {  	s8 =	simm.s32 $0x11080;
	s7 =	rddreg [dreg:$0x9];
	[sflag:s29] =	ssyncadd.s32 $0xFFFFFD80  }
0x76: {  	[tilespmem:s8], [sflag:$0x1] =	stream.linear.gather [hbm4b:s7+s18], $0x280, $0x38;
	[tilespmem:$0x1A400] =	vst v63  }
0x77: {  	_ =	swait.ge [sflag:s29], $0x280  }
0x78: {  	[sflag:s29] =	ssyncset.done $0x0  }
0x79: {  	s8 =	simm.s32 $0x13880;
	[sflag:s29] =	ssyncadd.s32 $0xFFFFFD80  }
0x7a: {  	[tilespmem:s8], [sflag:$0x1] =	stream.linear.gather [hbm4b:s17+s18], $0x280, $0x38;
	[tilespmem:$0x1A400] =	vst v63  }
0x7b: {  	_ =	swait.ge [sflag:s29], $0x280  }
0x7c: {  	[sflag:s29] =	ssyncset.done $0x0  }
0x7d: {  	s8 =	simm.s32 $0x11300;
	s7 =	rddreg [dreg:$0xa];
	[sflag:s29] =	ssyncadd.s32 $0xFFFFFD80  }
0x7e: {  	[tilespmem:s8], [sflag:$0x1] =	stream.linear.gather [hbm4b:s7+s18], $0x280, $0x38;
	[tilespmem:$0x1A400] =	vst v63  }
0x7f: {  	_ =	swait.ge [sflag:s29], $0x280  }
0x80: {  	[sflag:s29] =	ssyncset.done $0x0  }
0x81: {  	s8 =	simm.s32 $0x13B00;
	[sflag:s29] =	ssyncadd.s32 $0xFFFFFD80  }
0x82: {  	[tilespmem:s8], [sflag:$0x1] =	stream.linear.gather [hbm4b:s19+s18], $0x280, $0x38;
	[tilespmem:$0x1A400] =	vst v63  }
0x83: {  	_ =	swait.ge [sflag:s29], $0x280  }
0x84: {  	[sflag:s29] =	ssyncset.done $0x0  }
0x85: {  	s8 =	simm.s32 $0x11580;
	s7 =	rddreg [dreg:$0xb];
	[sflag:s29] =	ssyncadd.s32 $0xFFFFFD80  }
0x86: {  	[tilespmem:s8], [sflag:$0x1] =	stream.linear.gather [hbm4b:s7+s18], $0x280, $0x38;
	[tilespmem:$0x1A400] =	vst v63  }
0x87: {  	_ =	swait.ge [sflag:s29], $0x280  }
0x88: {  	[sflag:s29] =	ssyncset.done $0x0  }
0x89: {  	s8 =	simm.s32 $0x13D80;
	[sflag:s29] =	ssyncadd.s32 $0xFFFFFD80  }
0x8a: {  	[tilespmem:s8], [sflag:$0x1] =	stream.linear.gather [hbm4b:s20+s18], $0x280, $0x38;
	[tilespmem:$0x1A400] =	vst v63  }
0x8b: {  	_ =	swait.ge [sflag:s29], $0x280  }
0x8c: {  	[sflag:s29] =	ssyncset.done $0x0  }
0x8d: {  	s8 =	simm.s32 $0x11800;
	s7 =	rddreg [dreg:$0xc];
	[sflag:s29] =	ssyncadd.s32 $0xFFFFFD80  }
0x8e: {  	[tilespmem:s8], [sflag:$0x1] =	stream.linear.gather [hbm4b:s7+s18], $0x280, $0x38;
	[tilespmem:$0x1A400] =	vst v63  }
0x8f: {  	_ =	swait.ge [sflag:s29], $0x280  }
0x90: {  	[sflag:s29] =	ssyncset.done $0x0  }
0x91: {  	s8 =	simm.s32 $0x14000;
	s7 =	rddreg [dreg:$0xd];
	[sflag:s29] =	ssyncadd.s32 $0xFFFFFD80  }
0x92: {  	[tilespmem:s8], [sflag:$0x1] =	stream.linear.gather [hbm4b:s7+s18], $0x280, $0x38;
	[tilespmem:$0x1A400] =	vst v63  }
0x93: {  	_ =	swait.ge [sflag:s29], $0x280  }
0x94: {  	[sflag:s29] =	ssyncset.done $0x0  }
0x95: {  	s8 =	simm.s32 $0x11A80;
	s7 =	rddreg [dreg:$0xe];
	[sflag:s29] =	ssyncadd.s32 $0xFFFFFD80  }
0x96: {  	[tilespmem:s8], [sflag:$0x1] =	stream.linear.gather [hbm4b:s7+s18], $0x280, $0x38;
	[tilespmem:$0x1A400] =	vst v63  }
0x97: {  	_ =	swait.ge [sflag:s29], $0x280  }
0x98: {  	[sflag:s29] =	ssyncset.done $0x0  }
0x99: {  	s8 =	simm.s32 $0x14280;
	[sflag:s29] =	ssyncadd.s32 $0xFFFFFD80  }
0x9a: {  	[tilespmem:s8], [sflag:$0x1] =	stream.linear.gather [hbm4b:s21+s18], $0x280, $0x38;
	[tilespmem:$0x1A400] =	vst v63  }
0x9b: {  	_ =	swait.ge [sflag:s29], $0x280  }
0x9c: {  	[sflag:s29] =	ssyncset.done $0x0  }
0x9d: {  	s8 =	simm.s32 $0x11D00;
	s7 =	rddreg [dreg:$0xf];
	[sflag:s29] =	ssyncadd.s32 $0xFFFFFD80  }
0x9e: {  	[tilespmem:s8], [sflag:$0x1] =	stream.linear.gather [hbm4b:s7+s18], $0x280, $0x38;
	[tilespmem:$0x1A400] =	vst v63  }
0x9f: {  	_ =	swait.ge [sflag:s29], $0x280  }
0xa0: {  	[sflag:s29] =	ssyncset.done $0x0  }
0xa1: {  	s8 =	simm.s32 $0x14500;
	[sflag:s29] =	ssyncadd.s32 $0xFFFFFD80  }
0xa2: {  	[tilespmem:s8], [sflag:$0x1] =	stream.linear.gather [hbm4b:s22+s18], $0x280, $0x38;
	[tilespmem:$0x1A400] =	vst v63  }
0xa3: {  	_ =	swait.ge [sflag:s29], $0x280  }
0xa4: {  	[sflag:s29] =	ssyncset.done $0x0  }
0xa5: {  	s8 =	simm.s32 $0x11F80;
	s7 =	rddreg [dreg:$0x10];
	[sflag:s29] =	ssyncadd.s32 $0xFFFFFD80  }
0xa6: {  	[tilespmem:s8], [sflag:$0x1] =	stream.linear.gather [hbm4b:s7+s18], $0x280, $0x38;
	[tilespmem:$0x1A400] =	vst v63  }
0xa7: {  	_ =	swait.ge [sflag:s29], $0x280  }
0xa8: {  	[sflag:s29] =	ssyncset.done $0x0  }
0xa9: {  	s8 =	simm.s32 $0x14780;
	[sflag:s29] =	ssyncadd.s32 $0xFFFFFD80  }
0xaa: {  	[tilespmem:s8], [sflag:$0x1] =	stream.linear.gather [hbm4b:s23+s18], $0x280, $0x38;
	[tilespmem:$0x1A400] =	vst v63  }
0xab: {  	_ =	swait.ge [sflag:s29], $0x280  }
0xac: {  	[sflag:s29] =	ssyncset.done $0x0  }
0xad: {  	s8 =	simm.s32 $0x12200;
	s7 =	rddreg [dreg:$0x11];
	[sflag:s29] =	ssyncadd.s32 $0xFFFFFD80  }
0xae: {  	[tilespmem:s8], [sflag:$0x1] =	stream.linear.gather [hbm4b:s7+s18], $0x280, $0x38;
	[tilespmem:$0x1A400] =	vst v63  }
0xaf: {  	_ =	swait.ge [sflag:s29], $0x280  }
0xb0: {  	[sflag:s29] =	ssyncset.done $0x0  }
0xb1: {  	s8 =	simm.s32 $0x14A00;
	[sflag:s29] =	ssyncadd.s32 $0xFFFFFD80  }
0xb2: {  	[tilespmem:s8], [sflag:$0x1] =	stream.linear.gather [hbm4b:s24+s18], $0x280, $0x38;
	[tilespmem:$0x1A400] =	vst v63  }
0xb3: {  	_ =	swait.ge [sflag:s29], $0x280  }
0xb4: {  	[sflag:s29] =	ssyncset.done $0x0  }
0xb5: {  	s8 =	simm.s32 $0x12480;
	s7 =	rddreg [dreg:$0x12];
	[sflag:s29] =	ssyncadd.s32 $0xFFFFFD80  }
0xb6: {  	[tilespmem:s8], [sflag:$0x1] =	stream.linear.gather [hbm4b:s7+s18], $0x280, $0x38;
	[tilespmem:$0x1A400] =	vst v63  }
0xb7: {  	_ =	swait.ge [sflag:s29], $0x280  }
0xb8: {  	[sflag:s29] =	ssyncset.done $0x0  }
0xb9: {  	s8 =	simm.s32 $0x14C80;
	[sflag:s29] =	ssyncadd.s32 $0xFFFFFD80  }
0xba: {  	[tilespmem:s8], [sflag:$0x1] =	stream.linear.gather [hbm4b:s25+s18], $0x280, $0x38;
	[tilespmem:$0x1A400] =	vst v63  }
0xbb: {  	_ =	swait.ge [sflag:s29], $0x280  }
0xbc: {  	[sflag:s29] =	ssyncset.done $0x0  }
0xbd: {  	s8 =	simm.s32 $0x12700;
	s7 =	rddreg [dreg:$0x13];
	[sflag:s29] =	ssyncadd.s32 $0xFFFFFD80  }
0xbe: {  	[tilespmem:s8], [sflag:$0x1] =	stream.linear.gather [hbm4b:s7+s18], $0x280, $0x38;
	[tilespmem:$0x1A400] =	vst v63  }
0xbf: {  	_ =	swait.ge [sflag:s29], $0x280  }
0xc0: {  	[sflag:s29] =	ssyncset.done $0x0  }
0xc1: {  	s8 =	simm.s32 $0x14F00;
	[sflag:s29] =	ssyncadd.s32 $0xFFFFFD80  }
0xc2: {  	[tilespmem:s8], [sflag:$0x1] =	stream.linear.gather [hbm4b:s26+s18], $0x280, $0x38;
	[tilespmem:$0x1A400] =	vst v63  }
0xc3: {  	_ =	swait.ge [sflag:s29], $0x280  }
0xc4: {  	[sflag:s29] =	ssyncset.done $0x0  }
0xc5: {  	s8 =	simm.s32 $0x12980;
	s7 =	rddreg [dreg:$0x14];
	[sflag:s29] =	ssyncadd.s32 $0xFFFFFD80  }
0xc6: {  	[tilespmem:s8], [sflag:$0x1] =	stream.linear.gather [hbm4b:s7+s18], $0x280, $0x38;
	[tilespmem:$0x1A400] =	vst v63  }
0xc7: {  	_ =	swait.ge [sflag:s29], $0x280  }
0xc8: {  	[sflag:s29] =	ssyncset.done $0x0  }
0xc9: {  	s8 =	simm.s32 $0x15180;
	[sflag:s29] =	ssyncadd.s32 $0xFFFFFD80  }
0xca: {  	[tilespmem:s8], [sflag:$0x1] =	stream.linear.gather [hbm4b:s28+s18], $0x280, $0x38;
	[tilespmem:$0x1A400] =	vst v63  }
0xcb: {  	_ =	swait.ge [sflag:s29], $0x280  }
0xcc: {  	[sflag:s29] =	ssyncset.done $0x0  }
0xcd: {  	[sflag:s29] =	ssyncadd.s32 $0xFFFFFD80  }
0xce: {  	s6 =	sand.u32 $0x3F0, s18;
	v2 =	vld [tilespmem:s4+$0x0]  }
0xcf: {  	v3 =	vld [tilespmem:s6+$0x10680]  }
0xd0: {  	v4 =	vld [tilespmem:s6+$0x10900]  }
0xd1: {  	v5 =	vld [tilespmem:s6+$0x10B80]  }
0xd2: {  	v6 =	vld [tilespmem:s6+$0x10E00]  }
0xd3: {  	v7 =	vld [tilespmem:s6+$0x11080]  }
0xd4: {  	v2 =	vadd.s32 v2, v3;
	v3 =	vld [tilespmem:s6+$0x11300]  }
0xd5: {  	v45 =	vld [tilespmem:s6+$0x11580];
	v2 =	vadd.s32 v4, v2  }
0xd6: {  	v46 =	vld [tilespmem:s4+$0x1400];
	v2 =	vadd.s32 v5, v2  }
0xd7: {  	v47 =	vld [tilespmem:s6+$0x11A80];
	v2 =	vadd.s32 v6, v2  }
0xd8: {  	v48 =	vld [tilespmem:s6+$0x11D00];
	v2 =	vadd.s32 v7, v2  }
0xd9: {  	v2 =	vadd.s32 v3, v2;
	v3 =	vld [tilespmem:s6+$0x11F80]  }
0xda: {  	v49 =	vld [tilespmem:s6+$0x12200];
	v2 =	vadd.s32 v45, v2  }
0xdb: {  	v50 =	vld [tilespmem:s6+$0x12480];
	v2 =	vadd.s32 v46, v2  }
0xdc: {  	v51 =	vld [tilespmem:s6+$0x12700];
	v2 =	vadd.s32 v47, v2  }
0xdd: {  	v52 =	vld [tilespmem:s6+$0x12980];
	v2 =	vadd.s32 v48, v2  }
0xde: {  	v2 =	vadd.s32 v3, v2  }
0xdf: {  	v2 =	vadd.s32 v49, v2  }
0xe0: {  	v2 =	vadd.s32 v50, v2  }
0xe1: {  	v2 =	vadd.s32 v51, v2  }
0xe2: {  	v2 =	vadd.s32 v52, v2  }
0xe3: {  	v2 =	vmul.u32 v0, v2;
	_ =	sdelay $0x1  }
0xe4: {  	[tilespmem:s0+$0x0] =	vst v2  }
0xe5: {  	v3 =	vld [tilespmem:s5+$0x0]  }
0xe6: {  	v53 =	vld [tilespmem:s6+$0x12E80]  }
0xe7: {  	v54 =	vld [tilespmem:s6+$0x13100]  }
0xe8: {  	v55 =	vld [tilespmem:s6+$0x13380]  }
0xe9: {  	v56 =	vld [tilespmem:s6+$0x13600]  }
0xea: {  	v2 =	vadd.s32 v3, v2;
	v3 =	vld [tilespmem:s6+$0x13880]  }
0xeb: {  	v57 =	vld [tilespmem:s6+$0x13B00];
	[tilespmem:s6+$0x15680] =	vst v2;
	v2 =	vadd.s32 v2, v53  }
0xec: {  	v58 =	vld [tilespmem:s6+$0x13D80];
	[tilespmem:s6+$0x15900] =	vst v2;
	v2 =	vadd.s32 v2, v54  }
0xed: {  	[tilespmem:s6+$0x15B80] =	vst v2;
	v2 =	vadd.s32 v2, v55  }
0xee: {  	[tilespmem:s6+$0x15E00] =	vst v2;
	v2 =	vadd.s32 v2, v56  }
0xef: {  	[tilespmem:s6+$0x16080] =	vst v2;
	v2 =	vadd.s32 v2, v3  }
0xf0: {  	[tilespmem:s6+$0x16300] =	vst v2;
	v2 =	vadd.s32 v2, v57  }
0xf1: {  	[tilespmem:s6+$0x16580] =	vst v2;
	v2 =	vadd.s32 v2, v58  }
0xf2: {  	[tilespmem:s0+$0x1400] =	vst v2  }
0xf3: {  	v3 =	vld [tilespmem:s5+$0x1400]  }
0xf4: {  	v59 =	vld [tilespmem:s6+$0x14280]  }
0xf5: {  	v60 =	vld [tilespmem:s6+$0x14500]  }
0xf6: {  	v61 =	vld [tilespmem:s6+$0x14780]  }
0xf7: {  	v62 =	vld [tilespmem:s6+$0x14A00]  }
0xf8: {  	v2 =	vadd.s32 v2, v3;
	v3 =	vld [tilespmem:s6+$0x14C80]  }
0xf9: {  	v63 =	vld [tilespmem:s6+$0x14F00];
	[tilespmem:s6+$0x16A80] =	vst v2;
	v2 =	vadd.s32 v2, v59  }
0xfa: {  	[tilespmem:s6+$0x16D00] =	vst v2;
	v2 =	vadd.s32 v2, v60  }
0xfb: {  	[tilespmem:s6+$0x16F80] =	vst v2;
	v2 =	vadd.s32 v2, v61  }
0xfc: {  	[tilespmem:s6+$0x17200] =	vst v2;
	v2 =	vadd.s32 v2, v62  }
0xfd: {  	[tilespmem:s6+$0x17480] =	vst v2;
	v2 =	vadd.s32 v2, v3  }
0xfe: {  	s7 =	simm.s32 $0x10;
	s8 =	simm.s32 $0x15400;
	[tilespmem:s6+$0x17700] =	vst v2;
	v2 =	vadd.s32 v2, v63  }
.LBB2_2:
0xff: {  	[tilespmem:s6+$0x17980] =	vst v2;
	s5 =	sadd.s32 $0x10, s5;
	s8 =	sadd.s32 $0x10, s8;
	s4 =	sadd.s32 $0x10, s4  }
0x100: {  	s6 =	sand.u32 $0x3F0, s7;
	p0 =	sne.s32 s7, $0x270;
	s7 =	sadd.s32 $0x10, s7;
	v2 =	vld [tilespmem:s4+$0x0]  }
0x101: {  	v3 =	vld [tilespmem:s6+$0x10680]  }
0x102: {  	v4 =	vld [tilespmem:s6+$0x10900]  }
0x103: {  	v5 =	vld [tilespmem:s6+$0x10B80]  }
0x104: {  	v6 =	vld [tilespmem:s6+$0x10E00]  }
0x105: {  	v7 =	vld [tilespmem:s6+$0x11080]  }
0x106: {  	v2 =	vadd.s32 v2, v3;
	v3 =	vld [tilespmem:s6+$0x11300]  }
0x107: {  	v2 =	vadd.s32 v4, v2;
	v4 =	vld [tilespmem:s6+$0x11580]  }
0x108: {  	v2 =	vadd.s32 v5, v2;
	v5 =	vld [tilespmem:s4+$0x1400]  }
0x109: {  	v2 =	vadd.s32 v6, v2;
	v6 =	vld [tilespmem:s6+$0x11A80]  }
0x10a: {  	v2 =	vadd.s32 v7, v2;
	v7 =	vld [tilespmem:s6+$0x11D00]  }
0x10b: {  	v2 =	vadd.s32 v3, v2;
	v3 =	vld [tilespmem:s6+$0x11F80]  }
0x10c: {  	v2 =	vadd.s32 v4, v2;
	v4 =	vld [tilespmem:s6+$0x12200]  }
0x10d: {  	v2 =	vadd.s32 v5, v2;
	v5 =	vld [tilespmem:s6+$0x12480]  }
0x10e: {  	v2 =	vadd.s32 v6, v2;
	v6 =	vld [tilespmem:s6+$0x12700]  }
0x10f: {  	v2 =	vadd.s32 v7, v2;
	v7 =	vld [tilespmem:s6+$0x12980]  }
0x110: {  	v2 =	vadd.s32 v3, v2  }
0x111: {  	v2 =	vadd.s32 v4, v2  }
0x112: {  	v2 =	vadd.s32 v5, v2  }
0x113: {  	v2 =	vadd.s32 v6, v2  }
0x114: {  	v2 =	vadd.s32 v7, v2  }
0x115: {  	v2 =	vmul.u32 v0, v2;
	_ =	sdelay $0x1  }
0x116: {  	[tilespmem:s8+$0x0] =	vst v2  }
0x117: {  	v3 =	vld [tilespmem:s5+$0x0]  }
0x118: {  	v4 =	vld [tilespmem:s6+$0x12E80]  }
0x119: {  	v5 =	vld [tilespmem:s6+$0x13100]  }
0x11a: {  	v6 =	vld [tilespmem:s6+$0x13380]  }
0x11b: {  	v7 =	vld [tilespmem:s6+$0x13600]  }
0x11c: {  	v2 =	vadd.s32 v3, v2;
	v3 =	vld [tilespmem:s6+$0x13880]  }
0x11d: {  	[tilespmem:s6+$0x15680] =	vst v2;
	v2 =	vadd.s32 v2, v4;
	v4 =	vld [tilespmem:s6+$0x13B00]  }
0x11e: {  	[tilespmem:s6+$0x15900] =	vst v2;
	v2 =	vadd.s32 v2, v5;
	v5 =	vld [tilespmem:s6+$0x13D80]  }
0x11f: {  	[tilespmem:s6+$0x15B80] =	vst v2;
	v2 =	vadd.s32 v2, v6  }
0x120: {  	[tilespmem:s6+$0x15E00] =	vst v2;
	v2 =	vadd.s32 v2, v7  }
0x121: {  	[tilespmem:s6+$0x16080] =	vst v2;
	v2 =	vadd.s32 v2, v3  }
0x122: {  	[tilespmem:s6+$0x16300] =	vst v2;
	v2 =	vadd.s32 v2, v4  }
0x123: {  	[tilespmem:s6+$0x16580] =	vst v2;
	v2 =	vadd.s32 v2, v5  }
0x124: {  	[tilespmem:s8+$0x1400] =	vst v2  }
0x125: {  	v3 =	vld [tilespmem:s5+$0x1400]  }
0x126: {  	v4 =	vld [tilespmem:s6+$0x14280]  }
0x127: {  	v5 =	vld [tilespmem:s6+$0x14500]  }
0x128: {  	v6 =	vld [tilespmem:s6+$0x14780]  }
0x129: {  	v7 =	vld [tilespmem:s6+$0x14A00]  }
0x12a: {  	v2 =	vadd.s32 v2, v3;
	v3 =	vld [tilespmem:s6+$0x14C80]  }
0x12b: {  	[tilespmem:s6+$0x16A80] =	vst v2;
	v2 =	vadd.s32 v2, v4;
	v4 =	vld [tilespmem:s6+$0x14F00]  }
.Ltmp0:
0x12c: {  	[tilespmem:s6+$0x16D00] =	vst v2;
	v2 =	vadd.s32 v2, v5;
	(pc) =	sbr.rel @p0 .LBB2_2-.Ltmp0, $4  }
0x12d: {  	[tilespmem:s6+$0x16F80] =	vst v2;
	v2 =	vadd.s32 v2, v6  }
0x12e: {  	[tilespmem:s6+$0x17200] =	vst v2;
	v2 =	vadd.s32 v2, v7  }
0x12f: {  	[tilespmem:s6+$0x17480] =	vst v2;
	v2 =	vadd.s32 v2, v3  }
0x130: {  	[tilespmem:s6+$0x17700] =	vst v2;
	v2 =	vadd.s32 v2, v4  }
0x131: {  	[tilespmem:s6+$0x17980] =	vst v2;
	s4 =	rddreg [dreg:$0x15]  }
0x132: {  	[spmem:s4] =	stream.linear.scatter [tilespmem:s0], [sflag:$0x1], $0x2800, $0x38;
	[tilespmem:$0x1A400] =	vst v63  }
0x133: {  	_ =	swait.ge [sflag:s29], $0x2800  }
0x134: {  	[sflag:s29] =	ssyncset.done $0x0  }
0x135: {  	[sflag:s29] =	ssyncadd.s32 $0xFFFFD800  }
0x136: {  	[bflag:$0x0] =	sbarrier.arrive $0xFFFF  }
0x137: {  	s4 =	simm.s32 $0x0;
	s5 =	rddreg [dreg:$0x16]  }
0x138: {  	[tilespmem:s4], [sflag:$0x1] =	stream.linear.gather [spmem:s5], $0x280, $0x38;
	[tilespmem:$0x1A400] =	vst v63  }
0x139: {  	_ =	swait.ge [sflag:s29], $0x280  }
0x13a: {  	[sflag:s29] =	ssyncset.done $0x0  }
0x13b: {  	s8 =	simm.s32 $0x280;
	s7 =	rddreg [dreg:$0x17];
	[sflag:s29] =	ssyncadd.s32 $0xFFFFFD80  }
0x13c: {  	[tilespmem:s8], [sflag:$0x1] =	stream.linear.gather [spmem:s7], $0x280, $0x38;
	[tilespmem:$0x1A400] =	vst v63  }
0x13d: {  	_ =	swait.ge [sflag:s29], $0x280  }
0x13e: {  	[sflag:s29] =	ssyncset.done $0x0  }
0x13f: {  	s8 =	simm.s32 $0x500;
	s7 =	rddreg [dreg:$0x18];
	[sflag:s29] =	ssyncadd.s32 $0xFFFFFD80  }
0x140: {  	[tilespmem:s8], [sflag:$0x1] =	stream.linear.gather [spmem:s7], $0x280, $0x38;
	[tilespmem:$0x1A400] =	vst v63  }
0x141: {  	_ =	swait.ge [sflag:s29], $0x280  }
0x142: {  	[sflag:s29] =	ssyncset.done $0x0  }
0x143: {  	s8 =	simm.s32 $0x780;
	s7 =	rddreg [dreg:$0x19];
	[sflag:s29] =	ssyncadd.s32 $0xFFFFFD80  }
0x144: {  	[tilespmem:s8], [sflag:$0x1] =	stream.linear.gather [spmem:s7], $0x280, $0x38;
	[tilespmem:$0x1A400] =	vst v63  }
0x145: {  	_ =	swait.ge [sflag:s29], $0x280  }
0x146: {  	[sflag:s29] =	ssyncset.done $0x0  }
0x147: {  	s8 =	simm.s32 $0xA00;
	s7 =	rddreg [dreg:$0x1a];
	[sflag:s29] =	ssyncadd.s32 $0xFFFFFD80  }
0x148: {  	[tilespmem:s8], [sflag:$0x1] =	stream.linear.gather [spmem:s7], $0x280, $0x38;
	[tilespmem:$0x1A400] =	vst v63  }
0x149: {  	_ =	swait.ge [sflag:s29], $0x280  }
0x14a: {  	[sflag:s29] =	ssyncset.done $0x0  }
0x14b: {  	s8 =	simm.s32 $0xC80;
	s7 =	rddreg [dreg:$0x1b];
	[sflag:s29] =	ssyncadd.s32 $0xFFFFFD80  }
0x14c: {  	[tilespmem:s8], [sflag:$0x1] =	stream.linear.gather [spmem:s7], $0x280, $0x38;
	[tilespmem:$0x1A400] =	vst v63  }
0x14d: {  	_ =	swait.ge [sflag:s29], $0x280  }
0x14e: {  	[sflag:s29] =	ssyncset.done $0x0  }
0x14f: {  	s8 =	simm.s32 $0xF00;
	s7 =	rddreg [dreg:$0x1c];
	[sflag:s29] =	ssyncadd.s32 $0xFFFFFD80  }
0x150: {  	[tilespmem:s8], [sflag:$0x1] =	stream.linear.gather [spmem:s7], $0x280, $0x38;
	[tilespmem:$0x1A400] =	vst v63  }
0x151: {  	_ =	swait.ge [sflag:s29], $0x280  }
0x152: {  	[sflag:s29] =	ssyncset.done $0x0  }
0x153: {  	s8 =	simm.s32 $0x1180;
	s7 =	rddreg [dreg:$0x1d];
	[sflag:s29] =	ssyncadd.s32 $0xFFFFFD80  }
0x154: {  	[tilespmem:s8], [sflag:$0x1] =	stream.linear.gather [spmem:s7], $0x280, $0x38;
	[tilespmem:$0x1A400] =	vst v63  }
0x155: {  	_ =	swait.ge [sflag:s29], $0x280  }
0x156: {  	[sflag:s29] =	ssyncset.done $0x0  }
0x157: {  	s8 =	simm.s32 $0x1400;
	s7 =	rddreg [dreg:$0x1e];
	[sflag:s29] =	ssyncadd.s32 $0xFFFFFD80  }
0x158: {  	[tilespmem:s8], [sflag:$0x1] =	stream.linear.gather [spmem:s7], $0x280, $0x38;
	[tilespmem:$0x1A400] =	vst v63  }
0x159: {  	_ =	swait.ge [sflag:s29], $0x280  }
0x15a: {  	[sflag:s29] =	ssyncset.done $0x0  }
0x15b: {  	s8 =	simm.s32 $0x1680;
	s7 =	rddreg [dreg:$0x1f];
	[sflag:s29] =	ssyncadd.s32 $0xFFFFFD80  }
0x15c: {  	[tilespmem:s8], [sflag:$0x1] =	stream.linear.gather [spmem:s7], $0x280, $0x38;
	[tilespmem:$0x1A400] =	vst v63  }
0x15d: {  	_ =	swait.ge [sflag:s29], $0x280  }
0x15e: {  	s7 =	sld [smem:$0x7F6]  }
0x15f: {  	[sflag:s29] =	ssyncset.done $0x0  }
0x160: {  	s8 =	simm.s32 $0x1900;
	[sflag:s29] =	ssyncadd.s32 $0xFFFFFD80  }
0x161: {  	[tilespmem:s8], [sflag:$0x1] =	stream.linear.gather [spmem:s7], $0x280, $0x38;
	[tilespmem:$0x1A400] =	vst v63  }
0x162: {  	_ =	swait.ge [sflag:s29], $0x280  }
0x163: {  	s7 =	sld [smem:$0x7F7]  }
0x164: {  	[sflag:s29] =	ssyncset.done $0x0  }
0x165: {  	s8 =	simm.s32 $0x1B80;
	[sflag:s29] =	ssyncadd.s32 $0xFFFFFD80  }
0x166: {  	[tilespmem:s8], [sflag:$0x1] =	stream.linear.gather [spmem:s7], $0x280, $0x38;
	[tilespmem:$0x1A400] =	vst v63  }
0x167: {  	_ =	swait.ge [sflag:s29], $0x280  }
0x168: {  	s7 =	sld [smem:$0x7F8]  }
0x169: {  	[sflag:s29] =	ssyncset.done $0x0  }
0x16a: {  	s8 =	simm.s32 $0x1E00;
	[sflag:s29] =	ssyncadd.s32 $0xFFFFFD80  }
0x16b: {  	[tilespmem:s8], [sflag:$0x1] =	stream.linear.gather [spmem:s7], $0x280, $0x38;
	[tilespmem:$0x1A400] =	vst v63  }
0x16c: {  	_ =	swait.ge [sflag:s29], $0x280  }
0x16d: {  	s7 =	sld [smem:$0x7F9]  }
0x16e: {  	[sflag:s29] =	ssyncset.done $0x0  }
0x16f: {  	s8 =	simm.s32 $0x2080;
	[sflag:s29] =	ssyncadd.s32 $0xFFFFFD80  }
0x170: {  	[tilespmem:s8], [sflag:$0x1] =	stream.linear.gather [spmem:s7], $0x280, $0x38;
	[tilespmem:$0x1A400] =	vst v63  }
0x171: {  	_ =	swait.ge [sflag:s29], $0x280  }
0x172: {  	s7 =	sld [smem:$0x7FA]  }
0x173: {  	[sflag:s29] =	ssyncset.done $0x0  }
0x174: {  	s8 =	simm.s32 $0x2300;
	[sflag:s29] =	ssyncadd.s32 $0xFFFFFD80  }
0x175: {  	[tilespmem:s8], [sflag:$0x1] =	stream.linear.gather [spmem:s7], $0x280, $0x38;
	[tilespmem:$0x1A400] =	vst v63  }
0x176: {  	_ =	swait.ge [sflag:s29], $0x280  }
0x177: {  	s7 =	sld [smem:$0x7FB]  }
0x178: {  	[sflag:s29] =	ssyncset.done $0x0  }
0x179: {  	s8 =	simm.s32 $0x2580;
	[sflag:s29] =	ssyncadd.s32 $0xFFFFFD80  }
0x17a: {  	[tilespmem:s8], [sflag:$0x1] =	stream.linear.gather [spmem:s7], $0x280, $0x38;
	[tilespmem:$0x1A400] =	vst v63  }
0x17b: {  	_ =	swait.ge [sflag:s29], $0x280  }
0x17c: {  	[sflag:s29] =	ssyncset.done $0x0  }
0x17d: {  	s6 =	simm.s32 $0x0;
	s5 =	simm.s32 $0x40;
	[sflag:s29] =	ssyncadd.s32 $0xFFFFFD80  }
.LBB2_4:
0x17e: {  	p0 =	sne.s32 s5, $0x1DFC0;
	[tilespmem:s6+$0x8C00] =	vst v1;
	s6 =	smov.u32 s5;
	s5 =	sadd.s32 $0x40, s5  }
.Ltmp1:
0x17f: {  	(pc) =	sbr.rel @p0 .LBB2_4-.Ltmp1, $2  }
0x180: {  	_ =	sdelay $0x2  }
0x181: {  	s6 =	sshra.s32 s6, $0x2  }
0x182: {  	[tilespmem:s6+$0x8C00] =	vst v1  }
.LBB2_6:
0x183: {  	s5 =	sshra.s32 s4, $0x2  }
0x184: {  	v2 =	vld [tilespmem:s5+$0x3C00];
	_ =	sdelay $0x4  }
0x185: {  	v3 =	vshrl.u32 v2, $0xD;
	_ =	sdelay $0x4  }
0x186: {  	v4 =	vld.idx.msk [tilespmem:v3+s18+$0x0], $0xffff;
	_ =	sdelay $0x3  }
0x187: {  	v2 =	vand.u32 $0x1FFF, v2  }
0x188: {  	v5 =	vld [tilespmem:s5+$0x2800];
	v2 =	vadd.s32 v2, v4  }
0x189: {  	vm0 =	vlt.s32 v2, $0x2  }
0x18a: {  	v4 =	vnsel vm0, $0x2, v2  }
0x18b: {  	v4 =	vmul.u32 $0xC, v4;
	_ =	sdelay $0x1  }
0x18c: {  	v6 =	vor.u32 $0x1, v4  }
0x18d: {  	v7 =	vor.u32 $0x2, v4  }
0x18e: {  	v8 =	vld [tilespmem:s5+$0x5000];
	v9 =	vadd.s32 $0x4, v4  }
0x18f: {  	v5 =	vld.idx.msk [tilespmem:v5+s30+$0x0], $0xffff;
	v10 =	vadd.s32 $0x5, v4  }
0x190: {  	v12 =	vor.u32 $0x3, v4;
	v11 =	vld.idx.msk [tilespmem:v4+s31+$0x0], $0xffff  }
0x191: {  	v13 =	vadd.s32 $0x8, v4;
	v6 =	vld.idx.msk [tilespmem:v6+s31+$0x0], $0xffff  }
0x192: {  	v14 =	vadd.s32 $0x9, v4;
	v7 =	vld.idx.msk [tilespmem:v7+s31+$0x0], $0xffff  }
0x193: {  	v15 =	vadd.s32 $0x6, v4;
	v9 =	vld.idx.msk [tilespmem:v9+s31+$0x0], $0xffff  }
0x194: {  	v10 =	vld.idx.msk [tilespmem:v10+s31+$0x0], $0xffff  }
0x195: {  	v16 =	vadd.s32 $0xA, v4;
	v12 =	vld.idx.msk [tilespmem:v12+s31+$0x0], $0xffff  }
0x196: {  	v18 =	vadd.s32 $0x7, v4;
	v13 =	vld.idx.msk [tilespmem:v13+s31+$0x0], $0xffff  }
0x197: {  	v17 =	vand.u32 $0xFFFF0000, v8;
	v4 =	vadd.s32 $0xB, v4;
	v14 =	vld.idx.msk [tilespmem:v14+s31+$0x0], $0xffff  }
0x198: {  	v8 =	vshll.u32 v8, $0x10;
	v56 =	vand.u32 $0x7F, v3;
	v58 =	vadd.s32 $0x2800, v3;
	v15 =	vld.idx.msk [tilespmem:v15+s31+$0x0], $0xffff  }
0x199: {  	v61 =	vadd.s32 $0x5000, v3;
	v19 =	vand.u32 $0xFFFF0000, v5;
	v11 =	vmul.f32 v17, v11  }
0x19a: {  	v62 =	vand.u32 $0xFFF80, v61;
	v55 =	vld.idx.msk [tilespmem:v16+s31+$0x0], $0xffff;
	v6 =	vmul.f32 v8, v6;
	v7 =	vmul.f32 v19, v7  }
0x19b: {  	vm15 =	vlt.s32 v2, $0x3;
	v2 =	vld.idx.msk [tilespmem:v18+s31+$0x0], $0xffff;
	v9 =	vmul.f32 v17, v9;
	v10 =	vmul.f32 v8, v10  }
0x19c: {  	v5 =	vshll.u32 v5, $0x10;
	v4 =	vld.idx.msk [tilespmem:v4+s31+$0x0], $0xffff;
	v59 =	vmul.f32 v17, v13;
	v8 =	vmul.f32 v8, v14  }
0x19d: {  	v57 =	vmul.f32 v5, v12;
	v60 =	vmul.f32 v19, v15;
	v6 =	vadd.f32 v6, v11  }
0x19e: {  	v9 =	vadd.f32 v10, v9;
	v10 =	vand.u32 $0xFFF80, v58;
	v8 =	vadd.f32 v8, v59  }
0x19f: {  	v11 =	vmul.f32 v19, v55;
	v10 =	vor.u32 v56, v10;
	v6 =	vadd.f32 v7, v6  }
0x1a0: {  	p0 =	sne.s32 s4, $0x4E00;
	v2 =	vmul.f32 v5, v2;
	v12 =	vor.u32 v56, v62;
	v9 =	vadd.f32 v60, v9  }
.Ltmp2:
0x1a1: {  	v63 =	vadd.f32 v11, v8;
	v4 =	vmul.f32 v5, v4;
	v6 =	vadd.f32 v57, v6;
	(pc) =	sbr.rel @p0 .LBB2_6-.Ltmp2, $4  }
0x1a2: {  	v2 =	vadd.f32 v2, v9  }
0x1a3: {  	[tilespmem:v3+s1+$0x0] =	vst.idx.add.f32.msk vm15, v6;
	v3 =	vadd.f32 v4, v63  }
0x1a4: {  	[tilespmem:v10+s1+$0x0] =	vst.idx.add.f32.msk vm15, v2  }
0x1a5: {  	s4 =	sadd.s32 $0x40, s4;
	[tilespmem:v12+s1+$0x0] =	vst.idx.add.f32.msk vm15, v3  }
0x1a6: {  	s3 =	sadd.s32 $0x1, s3  }
0x1a7: {  	p0 =	sne.s32 s3, s12  }
.Ltmp3:
0x1a8: {  	_ = 	snop;
	(pc) =	sbr.rel @p0 .LBB2_1-.Ltmp3, $4  }
0x1a9: {  	[hbm4b:s11+s18] =	stream.linear.scatter [tilespmem:s1], [sflag:$0x1], $0x7800, $0x38;
	[tilespmem:$0x1A400] =	vst v63  }
0x1aa: {  	_ =	swait.ge [sflag:s29], $0x7800  }
0x1ab: {  	[sflag:s29] =	ssyncset.done $0x0  }
0x1ac: {  	[sflag:s29] =	ssyncadd.s32 $0xFFFF8800  }
0x1ad: {  	_ =	sfence.sel $0x180000  }
0x1ae: {  	[bflag:$0x0] =	sbarrier.arrive $0xFFFF  }
0x1af: {  	_ =	strace $0x9000004A  }
0x1b0: {  	s0 =	stileid.u32;
	[bflag:$0x2] =	sbarrier.arrive $0xFFFF  }
0x1b1: {  	p0 =	sne.s32 s0, $0x0;
	s0 =	rddreg [dreg:$0x3]  }
0x1b2: {  	s0 =	sadd.s32 @!p0 $0x100000, s0  }
0x1b3: {  	[sflag:s0] =	ssyncadd.tile.s32 @!p0 $0x1;
	_ =	shalt  }
.Lfunc_end2:
_tile_overlayer_lowered:
.L_overlay_start_2:
0x1b4: {  	(tag) =	ssettag $0x2  }
0x1b5: {  	s0 =	rddreg [dreg:$0x0];
	s2 =	stileid.u32  }
0x1b6: {  	s1 =	rddreg [dreg:$0x1];
	p0 =	sne.s32 s2, $0x0  }
0x1b7: {  	s3 =	rddreg [dreg:$0x2];
	[bflag:$0x3] =	sbarrier.arrive $0xFFFF;
	s2 =	simm.s32 @!p0 $0x1C01  }
0x1b8: {  	[timem:s3], [sflag:s2] =	dma.local @!p0 [hbm:s0], s1  }
0x1b9: {  	s0 =	simm.s32 @!p0 $0x1  }
0x1ba: {  	_ =	swait.ge @!p0 [sflag:s0], s1  }
0x1bb: {  	s1 =	ssub.s32 @!p0 $0x0, s1;
	[sflag:s0] =	ssyncset.done @!p0 $0x0  }
0x1bc: {  	[sflag:s0] =	ssyncadd.s32 @!p0 s1  }
0x1bd: {  	[bflag:$0x3] =	sbarrier.arrive $0xFFFF  }
0x1be: {  	_ =	shalt  }

// kernel: kernel.7.cloned.1.call-start
scs
__scs_entry_jumppad:
0x0: {  	(pc) =	sbr.rel $0x88, $3  }
0x1: {  	(tag) =	ssettag $0x0;
	lr =	simm.s32 $0x1  }
0x2: {  	[smem:$0x3F88] =	sst lr;
	_ =	strace $0xD0000000  }
0x3: {  	_ = 	snop  }
0x4: {  	_ = 	snop  }
0x5: {  	_ = 	snop  }
0x6: {  	_ = 	snop  }
0x7: {  	_ = 	snop  }
__scs_overlays_trampoline_lowered:
0x8: {  	[smem:$0x3F97] =	sst s0  }
0x9: {  	[smem:$0x3F98] =	sst s1  }
0xa: {  	[smem:$0x3F99] =	sst s2  }
0xb: {  	[smem:$0x3F9A] =	sst s3  }
0xc: {  	[smem:$0x3F9B] =	sst s4  }
0xd: {  	[smem:$0x3F9C] =	sst s5  }
0xe: {  	[smem:$0x3F9D] =	sst s6  }
0xf: {  	[smem:$0x3F9E] =	sst s7  }
0x10: {  	[smem:$0x3F9F] =	sst s8  }
0x11: {  	[smem:$0x3FA0] =	sst s9;
	s0 =	simm.s32 @!p0 $0x0  }
0x12: {  	s1 =	sld [smem:$0x3F86];
	s0 =	simm.s32 @p0 $0x1  }
0x13: {  	[smem:$0x3FA1] =	sst s0;
	s0 =	simm.s32 @!p1 $0x0  }
0x14: {  	s2 =	sld [smem:$0x3F85];
	s0 =	simm.s32 @p1 $0x1  }
0x15: {  	[smem:$0x3FA2] =	sst s0;
	s0 =	simm.s32 @!p2 $0x0  }
0x16: {  	s3 =	sld [smem:$0x3FDB];
	s0 =	simm.s32 @p2 $0x1  }
0x17: {  	s4 =	simm.s32 $0x1BF5;
	[smem:$0x3FA4] =	sst s0  }
0x18: {  	s0 =	sld [smem:$0x3F87];
	_ =	swait.ge [sflag:s4], $0x0  }
0x19: {  	s7 =	sld [smem:$0x3F88]  }
0x1a: {  	s8 =	sadd.s32 $0xFFFFE003, lr  }
0x1b: {  	s9 =	sadd.s32 $0xFFFFFEF7, lr;
	s5 =	simm.s32 $0xFFFFFFFF;
	p2 =	slt.u32 s8, $0xFFFFF086  }
0x1c: {  	p1 =	slt.u32 s9, $0xF7A;
	s5 =	simm.s32 @!p2 $0x0  }
0x1d: {  	s5 =	simm.s32 @p1 $0x1;
	p0 =	seq.s32 s7, s2  }
0x1e: {  	s7 =	smul.u32 @!p0 $0xF7A, s2;
	p2 =	seq.s32 @!p0 s5, $0x0  }
0x1f: {  	s9 =	smul.u32 $0xF7A, s1;
	s8 =	simm.s32 @!p0 $0x1BF5;
	p2 =	por !p2, p0  }
0x20: {  	[sflag:s8] =	ssyncset.s32 @!p0 $0xFFFFF086;
	s6 =	sadd.s32 @!p0 s3, s7;
	s7 =	simm.s32 @!p0 $0x108  }
0x21: {  	s3 =	sadd.s32 s3, s9;
	s6 =	sadd.s32 @!p0 $0x88, s6;
	s7 =	simm.s32 @p2 $0x1082  }
0x22: {  	[simem:s7], [sflag:s8] =	dma.local @!p0 [hbm:s6], $0xF7A  }
0x23: {  	s9 =	sor.u32 $0xD0000000, s2;
	s6 =	simm.s32 $0x108;
	_ =	swait.ge @!p0 [sflag:s8], $0x0  }
0x24: {  	s3 =	sadd.s32 $0x88, s3;
	s6 =	simm.s32 @!p1 $0x1082;
	[sflag:s4] =	ssyncset.s32 $0xFFFFF086  }
0x25: {  	[simem:s6], [sflag:s4] =	dma.local [hbm:s3], $0xF7A  }
0x26: {  	[smem:$0x3F88] =	sst s1;
	(tag) =	ssettag s2;
	_ =	strace s9  }
0x27: {  	s1 =	sld [smem:$0x3F98]  }
0x28: {  	s2 =	sld [smem:$0x3F99]  }
0x29: {  	s4 =	sld [smem:$0x3F9B]  }
0x2a: {  	p0 =	seq.s32 s5, $0x0;
	s5 =	sld [smem:$0x3F9C]  }
0x2b: {  	s6 =	sld [smem:$0x3F9D]  }
0x2c: {  	s7 =	sld [smem:$0x3F9E]  }
0x2d: {  	s3 =	simm.s32 $0x108;
	s8 =	sld [smem:$0x3F9F]  }
0x2e: {  	s3 =	simm.s32 @!p0 $0x1082;
	s9 =	sld [smem:$0x3FA0]  }
0x2f: {  	lr =	sadd.s32 s0, s3;
	s0 =	sld [smem:$0x3F97]  }
0x30: {  	s3 =	sld [smem:$0x3F9A]  }
0x31: {  	[smem:$0x3FA3] =	sst s10  }
0x32: {  	s10 =	sld [smem:$0x3FA1];
	_ =	sdelay $0x3  }
0x33: {  	p0 =	seq.s32 s10, $0x1;
	s10 =	sld [smem:$0x3FA3];
	_ =	sdelay $0x3  }
0x34: {  	[smem:$0x3FA3] =	sst s10  }
0x35: {  	s10 =	sld [smem:$0x3FA2];
	_ =	sdelay $0x3  }
0x36: {  	p1 =	seq.s32 s10, $0x1;
	s10 =	sld [smem:$0x3FA3];
	_ =	sdelay $0x3  }
0x37: {  	[smem:$0x3FA3] =	sst s10  }
0x38: {  	s10 =	sld [smem:$0x3FA4]  }
0x39: {  	_ = 	snop;
	(pc) =	sbr.ind lr, $3  }
0x3a: {  	_ = 	snop  }
0x3b: {  	_ = 	snop  }
0x3c: {  	p2 =	seq.s32 s10, $0x1;
	s10 =	sld [smem:$0x3FA3]  }
0x3d: {  	_ =	shalt  }
0x3e: {  	_ =	shalt  }
0x3f: {  	_ =	shalt  }
0x40: {  	_ =	shalt  }
0x41: {  	_ =	shalt  }
0x42: {  	_ =	shalt  }
0x43: {  	_ =	shalt  }
0x44: {  	_ =	shalt  }
0x45: {  	_ =	shalt  }
0x46: {  	_ =	shalt  }
0x47: {  	_ =	shalt  }
0x48: {  	_ =	shalt  }
0x49: {  	_ =	shalt  }
0x4a: {  	_ =	shalt  }
0x4b: {  	_ =	shalt  }
0x4c: {  	_ =	shalt  }
0x4d: {  	_ =	shalt  }
0x4e: {  	_ =	shalt  }
0x4f: {  	_ =	shalt  }
0x50: {  	_ =	shalt  }
0x51: {  	_ =	shalt  }
0x52: {  	_ =	shalt  }
0x53: {  	_ =	shalt  }
0x54: {  	_ =	shalt  }
0x55: {  	_ =	shalt  }
0x56: {  	_ =	shalt  }
0x57: {  	_ =	shalt  }
0x58: {  	_ =	shalt  }
0x59: {  	_ =	shalt  }
0x5a: {  	_ =	shalt  }
0x5b: {  	_ =	shalt  }
0x5c: {  	_ =	shalt  }
0x5d: {  	_ =	shalt  }
0x5e: {  	_ =	shalt  }
0x5f: {  	_ =	shalt  }
0x60: {  	_ =	shalt  }
0x61: {  	_ =	shalt  }
0x62: {  	_ =	shalt  }
0x63: {  	_ =	shalt  }
0x64: {  	_ =	shalt  }
0x65: {  	_ =	shalt  }
0x66: {  	_ =	shalt  }
0x67: {  	_ =	shalt  }
0x68: {  	_ =	shalt  }
0x69: {  	_ =	shalt  }
0x6a: {  	_ =	shalt  }
0x6b: {  	_ =	shalt  }
0x6c: {  	_ =	shalt  }
0x6d: {  	_ =	shalt  }
0x6e: {  	_ =	shalt  }
0x6f: {  	_ =	shalt  }
0x70: {  	_ =	shalt  }
0x71: {  	_ =	shalt  }
0x72: {  	_ =	shalt  }
0x73: {  	_ =	shalt  }
0x74: {  	_ =	shalt  }
0x75: {  	_ =	shalt  }
0x76: {  	_ =	shalt  }
0x77: {  	_ =	shalt  }
0x78: {  	_ =	shalt  }
0x79: {  	_ =	shalt  }
0x7a: {  	_ =	shalt  }
0x7b: {  	_ =	shalt  }
0x7c: {  	_ =	shalt  }
0x7d: {  	_ =	shalt  }
0x7e: {  	_ =	shalt  }
0x7f: {  	_ =	shalt  }
0x80: {  	_ =	shalt  }
0x81: {  	_ =	shalt  }
0x82: {  	_ =	shalt  }
0x83: {  	_ =	shalt  }
0x84: {  	_ =	shalt  }
0x85: {  	_ =	shalt  }
0x86: {  	_ =	shalt  }
0x87: {  	_ =	shalt  }
.Lfunc_end0:
.L_simem_size_0:
called_computation_lowered:
.L_overlay_start_0:
0x88: {  	s2 =	sld [smem:$0x3FD9]  }
0x89: {  	s3 =	sld [smem:$0x3FFE];
	_ =	sdelay $0x1  }
0x8a: {  	s1 =	srdreg.scid  }
0x8b: {  	s0 =	sand.u32 $0x1, s1  }
0x8c: {  	s16 =	sshll.u32 s0, $0xA;
	s2 =	sadd.s32 s3, s2  }
0x8d: {  	s2 =	sadd.s32 s2, s16  }
0x8e: {  	[smem:$0x3FAF] =	sst s2  }
0x8f: {  	_ = 	snop  }
0x90: {  	(tm) =	ssettm $0x1  }
0x91: {  	s17 =	sld [smem:$0x3FFB];
	_ =	sdelay $0x3  }
0x92: {  	_ =	strace s17  }
0x93: {  	s2 =	sld [smem:$0x3FFC];
	_ =	sdelay $0x3  }
0x94: {  	_ =	strace s2  }
0x95: {  	s2 =	sld [smem:$0x3FFD];
	_ =	sdelay $0x3  }
0x96: {  	_ =	strace s2  }
0x97: {  	_ =	strace $0x8FFFFFFF  }
0x98: {  	s18 =	sld [smem:$0x3FDB];
	_ =	sdelay $0x1  }
0x99: {  	s19 =	simm.s32 $_scs_section_size  }
0x9a: {  	s4 =	simm.s32 $_size__tile_overlayer_lowered;
	s5 =	simm.s32 $_tile_overlayer_lowered  }
0x9b: {  	s22 =	simm.s32 $0x1BFF;
	s21 =	sshll.u32 s5, $0x1;
	s2 =	sadd.s32 s19, s18  }
0x9c: {  	s6 =	simm.s32 $0x0;
	s20 =	sshll.u32 s4, $0x1;
	s4 =	sadd.s32 s21, s2  }
0x9d: {  	[timem:s6], [sflag:s22] =	dma.local [hbm:s4], s20  }
0x9e: {  	_ =	swait.ge [sflag:s22], s20  }
0x9f: {  	s3 =	ssub.s32 $0x0, s20;
	[sflag:s22] =	ssyncset.done $0x0  }
0xa0: {  	[sflag:s22] =	ssyncadd.s32 s3;
	_ =	sdelay $0x1  }
0xa1: {  	s23 =	simm.s32 $0x1B8B  }
0xa2: {  	_ =	swait.ge [sflag:s23], $0x1  }
0xa3: {  	[sflag:s23] =	ssyncset.done $0x0  }
0xa4: {  	s25 =	simm.s32 $0x1B8E;
	s24 =	sld [smem:$0x3FFE];
	[sflag:s23] =	ssyncadd.s32 $0xFFFFFFFF  }
0xa5: {  	s26 =	simm.s32 $execute0_lowered;
	[smem:$0x3FD2] =	sst s25  }
0xa6: {  	s4 =	sshll.u32 s26, $0x1;
	_ =	strace $0x80000046;
	[dreg:$0x1] =	wrdreg $0xFFFFFFFF  }
0xa7: {  	s28 =	simm.s32 $_size_execute0_lowered;
	s2 =	sadd.s32 s2, s4;
	[dreg:$0x0] =	wrdreg $0x0  }
0xa8: {  	s4 =	sshll.u32 s28, $0x1;
	[dreg:$0x2] =	wrdreg s2  }
0xa9: {  	[dreg:$0x3] =	wrdreg s4  }
0xaa: {  	[dreg:$0x4] =	wrdreg $0xC0  }
0xab: {  	_ =	task [dreg:s6], $0x5FFFF  }
0xac: {  	[dreg:$0x1] =	wrdreg $0xFFFFFFFF  }
0xad: {  	[dreg:$0x0] =	wrdreg $0x60  }
0xae: {  	[dreg:$0x2] =	wrdreg s24  }
0xaf: {  	[dreg:$0x3] =	wrdreg $0x9  }
0xb0: {  	_ =	task.clear_ibuf [dreg:s6], $0x4FFFF;
	_ =	strace $0x90000046  }
0xb1: {  	s29 =	simm.s32 $0x9;
	_ =	strace $0x80000048  }
0xb2: {  	_ =	swait.ge [sflag:s29], $0x1  }
0xb3: {  	[sflag:s29] =	ssyncadd.s32 $0xFFFFFFFF  }
0xb4: {  	_ =	strace $0x90000048  }
0xb5: {  	_ =	sfence  }
0xb6: {  	s30 =	sld [smem:$0x0];
	_ =	sdelay $0x2  }
0xb7: {  	s31 =	sshll.u32 s1, $0xD;
	s1 =	sshrl.u32 s1, $0x2  }
0xb8: {  	s3 =	sand.u32 $0x4000, s31;
	s1 =	sadd.s32 s1, s30  }
0xb9: {  	s0 =	sor.u32 s3, s0;
	s1 =	sshll.u32 s1, $0x11  }
0xba: {  	s0 =	sor.u32 s1, s0  }
0xbb: {  	s0 =	sadd.s32 $0x8F2B, s0  }
0xbc: {  	[sflag:s0] =	ssyncadd.remote.s32 $0x1  }
0xbd: {  	_ =	sfence.sel $0xFFFF  }
0xbe: {  	[dreg:$0x0] =	wrdreg $0xFFFFFFFF;
	(pc) =	sbr.abs _section_cstart, $3  }
0xbf: {  	[dreg:$0x1] =	wrdreg $0xFFFFFFFF  }
0xc0: {  	_ =	task.clear_ibuf [dreg:s6], $0x2FFFF;
	_ =	strace $0x9FFFFFFF  }
0xc1: {  	(tm) =	ssettm $0x7FFFFFFF  }
tec
execute0_lowered:
.L_overlay_start_1:
0x0: {  	(tag) =	ssettag $0x1  }
0x1: {  	s0 =	srdreg.scid  }
0x2: {  	s3 =	sand.u32 $0x1, s0  }
0x3: {  	s0 =	stileid.u32;
	s1 =	sshll.u32 s3, $0x4  }
0x4: {  	s4 =	rddreg [dreg:$0x0];
	s2 =	simm.s32 $0x0;
	s5 =	sor.u32 s0, s1  }
0x5: {  	s8 =	simm.s32 $0x1400;
	s9 =	simm.s32 $0x3C00;
	s6 =	smul.u32 $0x500, s5  }
0x6: {  	s10 =	simm.s32 $0x0;
	[smem:$0x7FF] =	sst s2;
	s5 =	smul.u32 $0x272, s5  }
0x7: {  	s3 =	ssub.s32 $0x2, s3;
	s1 =	rddreg [dreg:$0x1];
	_ =	strace $0x80000047  }
0x8: {  	s31 =	sshrl.u32 s3, $0x1;
	s6 =	sadd.s32 s6, s4;
	s5 =	sadd.s32 s5, s4  }
0x9: {  	s7 =	ssub.s32 s3, s31;
	s3 =	sadd.s32 $0x4600, s5;
	s4 =	sadd.s32 $0x9600, s6  }
0xa: {  	v0 =	vimm.s32 $0x0;
	s5 =	sadd.s32 $0x13600, s5;
	s6 =	smax.u32 s7, $0x1;
	s7 =	simm.s32 $0x1  }
.LBB2_1:
0xb: {  	[tilespmem:s2], [sflag:$0x1] =	stream.linear.gather [hbm4b:s3+s2], $0x1390, $0x38;
	[tilespmem:$0x5000] =	vst v63  }
0xc: {  	_ =	swait.ge [sflag:s7], $0x1390  }
0xd: {  	[sflag:s7] =	ssyncset.done $0x0  }
0xe: {  	s11 =	simm.s32 $0x0;
	[sflag:s7] =	ssyncadd.s32 $0xFFFFEC70  }
.LBB2_2:
0xf: {  	p0 =	sne.s32 s11, $0x9FC0  }
.Ltmp0:
0x10: {  	_ = 	snop;
	(pc) =	sbr.rel @p0 .LBB2_2-.Ltmp0, $3  }
0x11: {  	_ =	sdelay $0x1  }
0x12: {  	s12 =	sshra.s32 s11, $0x2  }
0x13: {  	s11 =	sadd.s32 $0x40, s11;
	[tilespmem:s12+$0x1400] =	vst v0  }
0x14: {  	s11 =	simm.s32 $0x0  }
0x15: {  	s12 =	simm.s32 $0x40;
	v1 =	vld [tilespmem:s11+$0x0]  }
.LBB2_4:
0x16: {  	p0 =	sne.s32 s12, $0x4E00;
	_ =	sdelay $0x3  }
0x17: {  	(xrf1) =	vunique.msk.u32 $0xffff, v1;
	_ =	sdelay $0x2  }
0x18: {  	v2 =	vld.idx.msk [tilespmem:v1+s8+$0x0], $0xffff;
	_ =	sdelay $0xa  }
0x19: {  	_, v3, _ =	vpop (xrf1)  }
0x1a: {  	v4 =	vshll.u32 v1, $0xD;
	v2 =	vadd.s32 v2, v3  }
.Ltmp1:
0x1b: {  	v3 =	vadd.s32 v2, v4;
	(pc) =	sbr.rel @p0 .LBB2_4-.Ltmp1, $4  }
0x1c: {  	v3 =	vadd.s32 $0xFFFFFFFF, v3  }
0x1d: {  	[tilespmem:s11+$0x3C00] =	vst v3  }
0x1e: {  	s11 =	sshra.s32 s12, $0x2;
	[tilespmem:v1+s8+$0x0] =	vst.idx.msk $0xffff, v2  }
0x1f: {  	s12 =	sadd.s32 $0x40, s12;
	v1 =	vld [tilespmem:s11+$0x0]  }
0x20: {  	_ =	sdelay $0x3  }
0x21: {  	(xrf1) =	vunique.msk.u32 $0xffff, v1;
	_ =	sdelay $0x9  }
0x22: {  	v2 =	vld.idx.msk [tilespmem:v1+s8+$0x0], $0xffff;
	_ =	sdelay $0x3  }
0x23: {  	_, v3, _ =	vpop (xrf1)  }
0x24: {  	v4 =	vshll.u32 v1, $0xD;
	v2 =	vadd.s32 v2, v3  }
0x25: {  	v3 =	vadd.s32 v2, v4  }
0x26: {  	v3 =	vadd.s32 $0xFFFFFFFF, v3  }
0x27: {  	[tilespmem:s11+$0x3C00] =	vst v3  }
0x28: {  	[tilespmem:v1+s8+$0x0] =	vst.idx.msk $0xffff, v2  }
0x29: {  	[hbm4b:s4+s2] =	stream.linear.scatter [tilespmem:s8], [sflag:$0x1], $0x2800, $0x38;
	[tilespmem:$0x5000] =	vst v63  }
0x2a: {  	s10 =	sadd.s32 $0x1, s10;
	_ =	swait.ge [sflag:s7], $0x2800  }
0x2b: {  	p0 =	sne.s32 s10, s6;
	[sflag:s7] =	ssyncset.done $0x0  }
.Ltmp2:
0x2c: {  	[sflag:s7] =	ssyncadd.s32 $0xFFFFD800;
	(pc) =	sbr.rel @p0 .LBB2_1-.Ltmp2, $4  }
0x2d: {  	[hbm4b:s5+s2] =	stream.linear.scatter [tilespmem:s9], [sflag:$0x1], $0x1390, $0x38;
	[tilespmem:$0x5000] =	vst v63  }
0x2e: {  	_ =	swait.ge [sflag:s7], $0x1390  }
0x2f: {  	[sflag:s7] =	ssyncset.done $0x0  }
0x30: {  	[sflag:s7] =	ssyncadd.s32 $0xFFFFEC70  }
0x31: {  	_ =	sfence.sel $0x180000  }
0x32: {  	[bflag:$0x0] =	sbarrier.arrive $0xFFFF  }
0x33: {  	p0 =	sne.s32 s0, $0x0;
	_ =	strace $0x90000047  }
0x34: {  	s0 =	sadd.s32 @!p0 $0x100000, s1;
	[bflag:$0x2] =	sbarrier.arrive $0xFFFF  }
0x35: {  	[sflag:s0] =	ssyncadd.tile.s32 @!p0 $0x1;
	_ =	shalt  }
.Lfunc_end2:
_tile_overlayer_lowered:
.L_overlay_start_2:
0x36: {  	(tag) =	ssettag $0x2  }
0x37: {  	s0 =	rddreg [dreg:$0x0];
	s2 =	stileid.u32  }
0x38: {  	s1 =	rddreg [dreg:$0x1];
	p0 =	sne.s32 s2, $0x0  }
0x39: {  	s3 =	rddreg [dreg:$0x2];
	[bflag:$0x3] =	sbarrier.arrive $0xFFFF;
	s2 =	simm.s32 @!p0 $0x1C01  }
0x3a: {  	[timem:s3], [sflag:s2] =	dma.local @!p0 [hbm:s0], s1  }
0x3b: {  	s0 =	simm.s32 @!p0 $0x1  }
0x3c: {  	_ =	swait.ge @!p0 [sflag:s0], s1  }
0x3d: {  	s1 =	ssub.s32 @!p0 $0x0, s1;
	[sflag:s0] =	ssyncset.done @!p0 $0x0  }
0x3e: {  	[sflag:s0] =	ssyncadd.s32 @!p0 s1  }
0x3f: {  	[bflag:$0x3] =	sbarrier.arrive $0xFFFF  }
0x40: {  	_ =	shalt  }

</sc_bundles>
